<compile_context>
chip_gen: v7x
topology: tpu7x:2x2x1
jax: 0.10.2.dev20260603
libtpu: 0.0.44.dev20260713+nightly
codegen_flags: <defaults>
</compile_context>

<pallas_src>
import functools

import jax
import jax.numpy as jnp
from jax import lax
from jax.experimental import pallas as pl
from jax.experimental.pallas import tpu as pltpu
from jax.experimental.pallas import tpu_sc as plsc

NUM_CORES = 2
NUM_SUBCORES = 16
NW = NUM_CORES * NUM_SUBCORES
CH = 128


def _mesh():
    return plsc.VectorSubcoreMesh(
        core_axis_name="c", subcore_axis_name="s",
        num_cores=NUM_CORES, num_subcores=NUM_SUBCORES)


def _build_deg_kernel(npad, nch):
    rpt = npad // NUM_SUBCORES

    @functools.partial(
        pl.kernel,
        out_type=jax.ShapeDtypeStruct((NUM_CORES, npad, 128), jnp.float32),
        mesh=_mesh(),
        scratch_types=[
            pltpu.VMEM_SHARED((npad, 128), jnp.float32),
            pltpu.VMEM((nch, CH), jnp.int32),
            pltpu.VMEM((CH, 128), jnp.float32),
        ],
    )
    def deg_kernel(idx3, ones_hbm, zeros_hbm, deg_hbm, deg_sp, didx, ones_v):
        cid = lax.axis_index("c")
        sid = lax.axis_index("s")
        wid = sid * NUM_CORES + cid
        r0 = sid * rpt
        pltpu.sync_copy(zeros_hbm.at[pl.ds(r0, rpt)], deg_sp.at[pl.ds(r0, rpt)])
        pltpu.sync_copy(ones_hbm.at[pl.ds(0, CH)], ones_v)
        pltpu.sync_copy(idx3.at[wid], didx)
        plsc.subcore_barrier()

        def body(j, carry):
            pltpu.sync_copy(ones_v, deg_sp.at[didx.at[j]], add=True)
            return carry

        lax.fori_loop(0, nch, body, 0)
        plsc.subcore_barrier()
        pltpu.sync_copy(deg_sp.at[pl.ds(r0, rpt)], deg_hbm.at[cid, pl.ds(r0, rpt)])

    return deg_kernel


def _build_agg_kernel(npad, nch, width):
    rpt = npad // NUM_SUBCORES
    nchr = nch // 2

    @functools.partial(
        pl.kernel,
        out_type=jax.ShapeDtypeStruct((NUM_CORES, npad, width), jnp.float32),
        mesh=_mesh(),
        scratch_types=[
            pltpu.VMEM_SHARED((npad, width), jnp.float32),
            pltpu.VMEM((nchr, CH), jnp.int32),
            pltpu.VMEM((nchr, CH), jnp.int32),
            pltpu.VMEM((CH, width), jnp.float32),
            pltpu.VMEM((CH, width), jnp.float32),
            pltpu.SemaphoreType.DMA,
            pltpu.SemaphoreType.DMA,
        ],
    )
    def agg_kernel(hw_hbm, src3, dst3, zeros_hbm, out_hbm,
                   agg_sp, sidx, didx, rows0, rows1, sem0, sem1):
        cid = lax.axis_index("c")
        sid = lax.axis_index("s")
        wid = sid * NUM_CORES + cid
        r0 = sid * rpt
        pltpu.sync_copy(zeros_hbm.at[pl.ds(r0, rpt)], agg_sp.at[pl.ds(r0, rpt)])
        plsc.subcore_barrier()

        def round_body(r, carry):
            pltpu.sync_copy(src3.at[wid, pl.ds(r * nchr, nchr)], sidx)
            pltpu.sync_copy(dst3.at[wid, pl.ds(r * nchr, nchr)], didx)
            pltpu.async_copy(hw_hbm.at[sidx.at[0]], rows0, sem0)
            pltpu.async_copy(hw_hbm.at[sidx.at[1]], rows1, sem1)

            def body(i, carry2):
                j = 2 * i
                pltpu.make_async_copy(hw_hbm.at[sidx.at[j]], rows0, sem0).wait()
                pltpu.sync_copy(rows0, agg_sp.at[didx.at[j]], add=True)

                @pl.when(j + 2 < nchr)
                def _():
                    pltpu.async_copy(hw_hbm.at[sidx.at[j + 2]], rows0, sem0)

                pltpu.make_async_copy(hw_hbm.at[sidx.at[j + 1]], rows1, sem1).wait()
                pltpu.sync_copy(rows1, agg_sp.at[didx.at[j + 1]], add=True)

                @pl.when(j + 3 < nchr)
                def _():
                    pltpu.async_copy(hw_hbm.at[sidx.at[j + 3]], rows1, sem1)

                return carry2

            return lax.fori_loop(0, nchr // 2, body, carry)

        lax.fori_loop(0, 2, round_body, 0)
        plsc.subcore_barrier()
        pltpu.sync_copy(agg_sp.at[pl.ds(r0, rpt)], out_hbm.at[cid, pl.ds(r0, rpt)])

    return agg_kernel


def _deg_norm(degp_ref):
    deg = degp_ref[0, :, 0:1] + degp_ref[1, :, 0:1]
    return lax.rsqrt(jnp.maximum(deg, 1.0))


def _first_matmul(npad, bn):
    def body(x_ref, w_ref, dego_ref, o_ref):
        norm = _deg_norm(dego_ref)
        o_ref[...] = jnp.dot(x_ref[...], w_ref[...],
                             preferred_element_type=jnp.float32) * norm

    return pl.pallas_call(
        body,
        grid=(npad // bn,),
        in_specs=[
            pl.BlockSpec((bn, 128), lambda i: (i, 0)),
            pl.BlockSpec((128, 128), lambda i: (0, 0)),
            pl.BlockSpec((2, bn, 128), lambda i: (0, i, 0)),
        ],
        out_specs=pl.BlockSpec((bn, 128), lambda i: (i, 0)),
        out_shape=jax.ShapeDtypeStruct((npad, 128), jnp.float32),
    )


def _mid_matmul(npad, bn, outw):
    def body(p_ref, degi_ref, b_ref, w_ref, dego_ref, o_ref):
        h = (p_ref[0] + p_ref[1]) * _deg_norm(degi_ref) + b_ref[...]
        h = jnp.maximum(h, 0.0)
        o_ref[...] = jnp.dot(h, w_ref[...],
                             preferred_element_type=jnp.float32) * _deg_norm(dego_ref)

    return pl.pallas_call(
        body,
        grid=(npad // bn,),
        in_specs=[
            pl.BlockSpec((2, bn, 128), lambda i: (0, i, 0)),
            pl.BlockSpec((2, bn, 128), lambda i: (0, i, 0)),
            pl.BlockSpec((1, 128), lambda i: (0, 0)),
            pl.BlockSpec((128, outw), lambda i: (0, 0)),
            pl.BlockSpec((2, bn, 128), lambda i: (0, i, 0)),
        ],
        out_specs=pl.BlockSpec((bn, outw), lambda i: (i, 0)),
        out_shape=jax.ShapeDtypeStruct((npad, outw), jnp.float32),
    )


def _final_kernel(npad, bn, outw, nclass):
    def body(p_ref, degi_ref, b_ref, o_ref):
        z = (p_ref[0] + p_ref[1]) * _deg_norm(degi_ref) + b_ref[...]
        valid = lax.broadcasted_iota(jnp.int32, (1, outw), 1) < nclass
        zm = jnp.where(valid, z, -jnp.inf)
        m = jnp.max(zm, axis=1, keepdims=True)
        lse = m + jnp.log(jnp.sum(jnp.exp(zm - m), axis=1, keepdims=True))
        o_ref[...] = z - lse

    return pl.pallas_call(
        body,
        grid=(npad // bn,),
        in_specs=[
            pl.BlockSpec((2, bn, outw), lambda i: (0, i, 0)),
            pl.BlockSpec((2, bn, 128), lambda i: (0, i, 0)),
            pl.BlockSpec((1, outw), lambda i: (0, 0)),
        ],
        out_specs=pl.BlockSpec((bn, outw), lambda i: (i, 0)),
        out_shape=jax.ShapeDtypeStruct((npad, outw), jnp.float32),
    )


def kernel(x, edge_index, W1, b1, W2, b2, W3, b3):
    n, d = x.shape
    e = edge_index.shape[1]
    c = W3.shape[1]
    cpad = 128
    npad = (n // 512 + 1) * 512
    epw = -(-e // NW)
    ept = -(-epw // (4 * CH)) * (4 * CH)
    nch = ept // CH
    epad = ept * NW

    trash = n + (jnp.arange(epad - e, dtype=jnp.int32) % (npad - n))
    src3 = jnp.concatenate([edge_index[0], trash]).reshape(NW, nch, CH)
    dst3 = jnp.concatenate([edge_index[1], trash]).reshape(NW, nch, CH)

    xp = jnp.pad(x, ((0, npad - n), (0, 0)))
    w3p = jnp.pad(W3, ((0, 0), (0, cpad - c)))
    b1r = b1.reshape(1, -1)
    b2r = b2.reshape(1, -1)
    b3r = jnp.pad(b3, (0, cpad - c)).reshape(1, cpad)

    zeros128 = jnp.zeros((npad, 128), jnp.float32)
    ones128 = jnp.ones((npad, 128), jnp.float32)

    agg128 = _build_agg_kernel(npad, nch, 128)
    deg_k = _build_deg_kernel(npad, nch)
    bn = 5120

    degi_p = deg_k(dst3, ones128, zeros128)
    dego_p = deg_k(src3, ones128, zeros128)

    hw1 = _first_matmul(npad, bn)(xp, W1, dego_p)
    p1 = agg128(hw1, src3, dst3, zeros128)
    hw2 = _mid_matmul(npad, bn, 128)(p1, degi_p, b1r, W2, dego_p)
    p2 = agg128(hw2, src3, dst3, zeros128)
    hw3 = _mid_matmul(npad, bn, cpad)(p2, degi_p, b2r, w3p, dego_p)
    p3 = agg128(hw3, src3, dst3, zeros128)
    out = _final_kernel(npad, bn, cpad, c)(p3, degi_p, b3r)

    return out[:n, :c]

# --- scband reference (transcript-rebuilt; emitter-appended) ---
"""Pipeline reference for scband-gcn-59313498358227 (READ-ONLY COPY).

The authoritative reference and input builder live on the scoring server;
editing this copy changes nothing except your own understanding.
"""

import jax, jax.numpy as jnp
import numpy as np

N = 10000
E = 320000
D = 128
H = 128
C = 40


def setup_inputs(seed: int = 0) -> dict:
    key = jax.random.key(seed)
    ks = jax.random.split(key, 8)
    x = jax.random.normal(ks[0], (N, D), dtype=jnp.float32)
    edge_index = jax.random.randint(ks[1], (2, E), 0, N, dtype=jnp.int32)
    W1 = jax.random.normal(ks[2], (D, H), dtype=jnp.float32) * (1.0 / np.sqrt(D))
    b1 = jnp.zeros((H,), dtype=jnp.float32)
    W2 = jax.random.normal(ks[3], (H, H), dtype=jnp.float32) * (1.0 / np.sqrt(H))
    b2 = jnp.zeros((H,), dtype=jnp.float32)
    W3 = jax.random.normal(ks[4], (H, C), dtype=jnp.float32) * (1.0 / np.sqrt(H))
    b3 = jnp.zeros((C,), dtype=jnp.float32)
    return {"x": x, "edge_index": edge_index, "W1": W1, "b1": b1, "W2": W2, "b2": b2, "W3": W3, "b3": b3}


def _gcn_conv(h, src, dst, W, b, n_nodes):
    # DGL GraphConv, norm='both': D_out^{-1/2} applied to src features,
    # sum aggregation over edges, D_in^{-1/2} applied at dst, then bias.
    ones = jnp.ones(src.shape[0], dtype=h.dtype)
    deg_out = jax.ops.segment_sum(ones, src, num_segments=n_nodes)
    deg_in = jax.ops.segment_sum(ones, dst, num_segments=n_nodes)
    norm_src = jax.lax.rsqrt(jnp.maximum(deg_out, 1.0))
    norm_dst = jax.lax.rsqrt(jnp.maximum(deg_in, 1.0))
    # weight applied first (in_feats >= out_feats path in DGL)
    h = h @ W
    h = h * norm_src[:, None]
    msg = h[src]  # gather (SparseCore-friendly)
    agg = jax.ops.segment_sum(msg, dst, num_segments=n_nodes)  # scatter-add
    return agg * norm_dst[:, None] + b


def reference(x, edge_index, W1, b1, W2, b2, W3, b3):
    src = edge_index[0]
    dst = edge_index[1]
    n_nodes = x.shape[0]
    # layer 0 (no dropout on first layer; eval mode -> dropout is identity anyway)
    h = _gcn_conv(x, src, dst, W1, b1, n_nodes)
    h = jax.nn.relu(h)
    # layer 1
    h = _gcn_conv(h, src, dst, W2, b2, n_nodes)
    h = jax.nn.relu(h)
    # layer 2 (output, no activation)
    h = _gcn_conv(h, src, dst, W3, b3, n_nodes)
    return jax.nn.log_softmax(h, axis=1)

if __name__ == "__main__":
    import jax
    _d = setup_inputs()
    print(jax.jit(kernel)(*tuple(_d.values())))

</pallas_src>

<mosaic_0001>
#map = affine_map<(d0, d1) -> (0, 0, 0)>
#map1 = affine_map<(d0, d1) -> (0, 0)>
module attributes {stable_mosaic.version = 14 : i64} {
  func.func @deg_kernel(%arg0: i32, %arg1: i32, %arg2: memref<32x80x128xi32, #tpu.memory_space<hbm>>, %arg3: memref<10240x128xf32, #tpu.memory_space<hbm>>, %arg4: memref<10240x128xf32, #tpu.memory_space<hbm>>, %arg5: memref<2x10240x128xf32, #tpu.memory_space<hbm>>, %arg6: memref<10240x128xf32, #tpu.memory_space<vmem_shared>>, %arg7: memref<80x128xi32, #tpu.memory_space<vmem>>, %arg8: memref<128x128xf32, #tpu.memory_space<vmem>>) attributes {dimension_semantics = [#tpu.dimension_semantics<core_parallel>, #tpu.dimension_semantics<subcore_parallel>], iteration_bounds = array<i64: 2, 16>, scalar_prefetch = 0 : i64, scratch_operands = 3 : i64, tpu.core_type = #tpu.core_type<sc_vector_subcore>, window_params = [{transform_indices = #map}, {transform_indices = #map1}, {transform_indices = #map1}, {transform_indices = #map}]} {
    %mul3A = arith.constant 2 : i32
    %mul3A_0 = arith.muli %arg1, %mul3A : i32
    %add3A = arith.addi %mul3A_0, %arg0 : i32
    %mul3A_1 = arith.constant 640 : i32
    %mul3A_2 = arith.muli %arg1, %mul3A_1 : i32
    "tpu.region"() ({
      %run_scoped3A = tpu.sem_alloc : memref<!tpu.dma_semaphore, #tpu.memory_space<semaphore_mem>>
      %dma_start3A = arith.constant 0 : i32
      %dma_start3A_9 = tpu.memref_slice %arg6[%mul3A_2, %dma_start3A] : memref<10240x128xf32, #tpu.memory_space<vmem_shared>> -> memref<640x128xf32, #tpu.memory_space<vmem_shared>>
      %dma_start3A_10 = arith.constant 0 : i32
      %dma_start3A_11 = tpu.memref_slice %arg4[%mul3A_2, %dma_start3A_10] : memref<10240x128xf32, #tpu.memory_space<hbm>> -> memref<640x128xf32, #tpu.memory_space<hbm>>
      tpu.enqueue_dma source(%dma_start3A_11 : memref<640x128xf32, #tpu.memory_space<hbm>>) target(%dma_start3A_9 : memref<640x128xf32, #tpu.memory_space<vmem_shared>>) target_semaphore(%run_scoped3A : memref<!tpu.dma_semaphore, #tpu.memory_space<semaphore_mem>>)
      %dma_wait3A = arith.constant 0 : i32
      %dma_wait3A_12 = tpu.memref_slice %arg6[%mul3A_2, %dma_wait3A] : memref<10240x128xf32, #tpu.memory_space<vmem_shared>> -> memref<640x128xf32, #tpu.memory_space<vmem_shared>>
      %dma_wait3A_13 = arith.constant 0 : i32
      %dma_wait3A_14 = tpu.memref_slice %arg4[%mul3A_2, %dma_wait3A_13] : memref<10240x128xf32, #tpu.memory_space<hbm>> -> memref<640x128xf32, #tpu.memory_space<hbm>>
      tpu.wait_dma2 semaphore(%run_scoped3A : memref<!tpu.dma_semaphore, #tpu.memory_space<semaphore_mem>>) src(%dma_wait3A_14 : memref<640x128xf32, #tpu.memory_space<hbm>>) dst(%dma_wait3A_12 : memref<640x128xf32, #tpu.memory_space<vmem_shared>>)
      tpu.yield
    }) : () -> ()
    "tpu.region"() ({
      %run_scoped3A = tpu.sem_alloc : memref<!tpu.dma_semaphore, #tpu.memory_space<semaphore_mem>>
      %dma_start3A = arith.constant 0 : i32
      %dma_start3A_9 = arith.constant 0 : i32
      %dma_start3A_10 = tpu.memref_slice %arg3[%dma_start3A, %dma_start3A_9] : memref<10240x128xf32, #tpu.memory_space<hbm>> -> memref<128x128xf32, #tpu.memory_space<hbm>>
      %dma_start3A_11 = arith.constant 0 : i32
      %dma_start3A_12 = arith.constant 0 : i32
      %dma_start3A_13 = tpu.memref_slice %arg3[%dma_start3A_11, %dma_start3A_12] : memref<10240x128xf32, #tpu.memory_space<hbm>> -> memref<128x128xf32, #tpu.memory_space<hbm>>
      tpu.enqueue_dma source(%dma_start3A_13 : memref<128x128xf32, #tpu.memory_space<hbm>>) target(%arg8 : memref<128x128xf32, #tpu.memory_space<vmem>>) target_semaphore(%run_scoped3A : memref<!tpu.dma_semaphore, #tpu.memory_space<semaphore_mem>>)
      %dma_wait3A = arith.constant 0 : i32
      %dma_wait3A_14 = arith.constant 0 : i32
      %dma_wait3A_15 = tpu.memref_slice %arg3[%dma_wait3A, %dma_wait3A_14] : memref<10240x128xf32, #tpu.memory_space<hbm>> -> memref<128x128xf32, #tpu.memory_space<hbm>>
      %dma_wait3A_16 = arith.constant 0 : i32
      %dma_wait3A_17 = arith.constant 0 : i32
      %dma_wait3A_18 = tpu.memref_slice %arg3[%dma_wait3A_16, %dma_wait3A_17] : memref<10240x128xf32, #tpu.memory_space<hbm>> -> memref<128x128xf32, #tpu.memory_space<hbm>>
      tpu.wait_dma2 semaphore(%run_scoped3A : memref<!tpu.dma_semaphore, #tpu.memory_space<semaphore_mem>>) src(%dma_wait3A_18 : memref<128x128xf32, #tpu.memory_space<hbm>>) dst(%arg8 : memref<128x128xf32, #tpu.memory_space<vmem>>)
      tpu.yield
    }) : () -> ()
    "tpu.region"() ({
      %run_scoped3A = tpu.sem_alloc : memref<!tpu.dma_semaphore, #tpu.memory_space<semaphore_mem>>
      %dma_start3A = arith.constant 0 : i32
      %dma_start3A_9 = arith.constant 0 : i32
      %dma_start3A_10 = tpu.memref_slice %arg2[%add3A, %dma_start3A, %dma_start3A_9] : memref<32x80x128xi32, #tpu.memory_space<hbm>> -> memref<1x80x128xi32, #tpu.memory_space<hbm>>
      %dma_start3A_11 = tpu.memref_squeeze %dma_start3A_10 : memref<1x80x128xi32, #tpu.memory_space<hbm>> -> memref<80x128xi32, #tpu.memory_space<hbm>>
      %dma_start3A_12 = arith.constant 0 : i32
      %dma_start3A_13 = arith.constant 0 : i32
      %dma_start3A_14 = tpu.memref_slice %arg2[%add3A, %dma_start3A_12, %dma_start3A_13] : memref<32x80x128xi32, #tpu.memory_space<hbm>> -> memref<1x80x128xi32, #tpu.memory_space<hbm>>
      %dma_start3A_15 = tpu.memref_squeeze %dma_start3A_14 : memref<1x80x128xi32, #tpu.memory_space<hbm>> -> memref<80x128xi32, #tpu.memory_space<hbm>>
      tpu.enqueue_dma source(%dma_start3A_15 : memref<80x128xi32, #tpu.memory_space<hbm>>) target(%arg7 : memref<80x128xi32, #tpu.memory_space<vmem>>) target_semaphore(%run_scoped3A : memref<!tpu.dma_semaphore, #tpu.memory_space<semaphore_mem>>)
      %dma_wait3A = arith.constant 0 : i32
      %dma_wait3A_16 = arith.constant 0 : i32
      %dma_wait3A_17 = tpu.memref_slice %arg2[%add3A, %dma_wait3A, %dma_wait3A_16] : memref<32x80x128xi32, #tpu.memory_space<hbm>> -> memref<1x80x128xi32, #tpu.memory_space<hbm>>
      %dma_wait3A_18 = tpu.memref_squeeze %dma_wait3A_17 : memref<1x80x128xi32, #tpu.memory_space<hbm>> -> memref<80x128xi32, #tpu.memory_space<hbm>>
      %dma_wait3A_19 = arith.constant 0 : i32
      %dma_wait3A_20 = arith.constant 0 : i32
      %dma_wait3A_21 = tpu.memref_slice %arg2[%add3A, %dma_wait3A_19, %dma_wait3A_20] : memref<32x80x128xi32, #tpu.memory_space<hbm>> -> memref<1x80x128xi32, #tpu.memory_space<hbm>>
      %dma_wait3A_22 = tpu.memref_squeeze %dma_wait3A_21 : memref<1x80x128xi32, #tpu.memory_space<hbm>> -> memref<80x128xi32, #tpu.memory_space<hbm>>
      tpu.wait_dma2 semaphore(%run_scoped3A : memref<!tpu.dma_semaphore, #tpu.memory_space<semaphore_mem>>) src(%dma_wait3A_22 : memref<80x128xi32, #tpu.memory_space<hbm>>) dst(%arg7 : memref<80x128xi32, #tpu.memory_space<vmem>>)
      tpu.yield
    }) : () -> ()
    %barrier3A = arith.constant 0 : index
    tpu.barrier barrier_id(%barrier3A)
    %scan3A = arith.constant 0 : i32
    %scan3A_3 = arith.constant 0 : i32
    %scan3A_4 = arith.constant 80 : i32
    %scan3A_5 = arith.addi %scan3A_3, %scan3A_4 : i32
    %scan3A_6 = arith.constant 1 : i32
    scf.for %scan3A_9 = %scan3A_3 to %scan3A_5 step %scan3A_6  : i32 {
      "tpu.region"() ({
        %run_scoped3A = tpu.sem_alloc : memref<!tpu.dma_semaphore, #tpu.memory_space<semaphore_mem>>
        %dma_start3A = arith.constant 0 : i32
        %dma_start3A_10 = tpu.memref_slice %arg7[%scan3A_9, %dma_start3A] : memref<80x128xi32, #tpu.memory_space<vmem>> -> memref<1x128xi32, #tpu.memory_space<vmem>>
        %dma_start3A_11 = tpu.memref_squeeze %dma_start3A_10 : memref<1x128xi32, #tpu.memory_space<vmem>> -> memref<128xi32, #tpu.memory_space<vmem>>
        %dma_start3A_12 = arith.constant 0 : i32
        %dma_start3A_13 = arith.constant 0 : i32
        %dma_start3A_14 = tpu.memref_slice %arg6[%dma_start3A_12, %dma_start3A_13] : memref<10240x128xf32, #tpu.memory_space<vmem_shared>> -> memref<10240x128xf32, #tpu.memory_space<vmem_shared>>
        tpu.enqueue_indirect_dma source(%arg8 : memref<128x128xf32, #tpu.memory_space<vmem>>) target(%dma_start3A_14 : memref<10240x128xf32, #tpu.memory_space<vmem_shared>>) offsets(%dma_start3A_11 : memref<128xi32, #tpu.memory_space<vmem>>) semaphore(%run_scoped3A : memref<!tpu.dma_semaphore, #tpu.memory_space<semaphore_mem>>) {add = true}
        %dma_wait3A = arith.constant 0 : i32
        %dma_wait3A_15 = tpu.memref_slice %arg7[%scan3A_9, %dma_wait3A] : memref<80x128xi32, #tpu.memory_space<vmem>> -> memref<1x128xi32, #tpu.memory_space<vmem>>
        %dma_wait3A_16 = tpu.memref_squeeze %dma_wait3A_15 : memref<1x128xi32, #tpu.memory_space<vmem>> -> memref<128xi32, #tpu.memory_space<vmem>>
        %dma_wait3A_17 = arith.constant 0 : i32
        %dma_wait3A_18 = arith.constant 0 : i32
        %dma_wait3A_19 = tpu.memref_slice %arg6[%dma_wait3A_17, %dma_wait3A_18] : memref<10240x128xf32, #tpu.memory_space<vmem_shared>> -> memref<10240x128xf32, #tpu.memory_space<vmem_shared>>
        tpu.wait_indirect_dma semaphore(%run_scoped3A : memref<!tpu.dma_semaphore, #tpu.memory_space<semaphore_mem>>) src(%arg8 : memref<128x128xf32, #tpu.memory_space<vmem>>) dst(%dma_wait3A_19 : memref<10240x128xf32, #tpu.memory_space<vmem_shared>>)
        tpu.yield
      }) : () -> ()
    }
    %scan3A_7 = arith.constant 80 : i32
    %barrier3A_8 = arith.constant 0 : index
    tpu.barrier barrier_id(%barrier3A_8)
    "tpu.region"() ({
      %run_scoped3A = tpu.sem_alloc : memref<!tpu.dma_semaphore, #tpu.memory_space<semaphore_mem>>
      %dma_start3A = arith.constant 0 : i32
      %dma_start3A_9 = tpu.memref_slice %arg5[%arg0, %mul3A_2, %dma_start3A] : memref<2x10240x128xf32, #tpu.memory_space<hbm>> -> memref<1x640x128xf32, #tpu.memory_space<hbm>>
      %dma_start3A_10 = tpu.memref_squeeze %dma_start3A_9 : memref<1x640x128xf32, #tpu.memory_space<hbm>> -> memref<640x128xf32, #tpu.memory_space<hbm>>
      %dma_start3A_11 = arith.constant 0 : i32
      %dma_start3A_12 = tpu.memref_slice %arg6[%mul3A_2, %dma_start3A_11] : memref<10240x128xf32, #tpu.memory_space<vmem_shared>> -> memref<640x128xf32, #tpu.memory_space<vmem_shared>>
      tpu.enqueue_dma source(%dma_start3A_12 : memref<640x128xf32, #tpu.memory_space<vmem_shared>>) target(%dma_start3A_10 : memref<640x128xf32, #tpu.memory_space<hbm>>) target_semaphore(%run_scoped3A : memref<!tpu.dma_semaphore, #tpu.memory_space<semaphore_mem>>)
      %dma_wait3A = arith.constant 0 : i32
      %dma_wait3A_13 = tpu.memref_slice %arg5[%arg0, %mul3A_2, %dma_wait3A] : memref<2x10240x128xf32, #tpu.memory_space<hbm>> -> memref<1x640x128xf32, #tpu.memory_space<hbm>>
      %dma_wait3A_14 = tpu.memref_squeeze %dma_wait3A_13 : memref<1x640x128xf32, #tpu.memory_space<hbm>> -> memref<640x128xf32, #tpu.memory_space<hbm>>
      %dma_wait3A_15 = arith.constant 0 : i32
      %dma_wait3A_16 = tpu.memref_slice %arg6[%mul3A_2, %dma_wait3A_15] : memref<10240x128xf32, #tpu.memory_space<vmem_shared>> -> memref<640x128xf32, #tpu.memory_space<vmem_shared>>
      tpu.wait_dma2 semaphore(%run_scoped3A : memref<!tpu.dma_semaphore, #tpu.memory_space<semaphore_mem>>) src(%dma_wait3A_16 : memref<640x128xf32, #tpu.memory_space<vmem_shared>>) dst(%dma_wait3A_14 : memref<640x128xf32, #tpu.memory_space<hbm>>)
      tpu.yield
    }) : () -> ()
    return
  }
}

#map = affine_map<(d0, d1) -> (0, 0)>
#map1 = affine_map<(d0, d1) -> (0, 0, 0)>
module attributes {stable_mosaic.version = 14 : i64} {
  func.func @agg_kernel(%arg0: i32, %arg1: i32, %arg2: memref<10240x128xf32, #tpu.memory_space<hbm>>, %arg3: memref<32x80x128xi32, #tpu.memory_space<hbm>>, %arg4: memref<32x80x128xi32, #tpu.memory_space<hbm>>, %arg5: memref<10240x128xf32, #tpu.memory_space<hbm>>, %arg6: memref<2x10240x128xf32, #tpu.memory_space<hbm>>, %arg7: memref<10240x128xf32, #tpu.memory_space<vmem_shared>>, %arg8: memref<40x128xi32, #tpu.memory_space<vmem>>, %arg9: memref<40x128xi32, #tpu.memory_space<vmem>>, %arg10: memref<128x128xf32, #tpu.memory_space<vmem>>, %arg11: memref<128x128xf32, #tpu.memory_space<vmem>>, %arg12: memref<!tpu.dma_semaphore, #tpu.memory_space<semaphore_mem>>, %arg13: memref<!tpu.dma_semaphore, #tpu.memory_space<semaphore_mem>>) attributes {dimension_semantics = [#tpu.dimension_semantics<core_parallel>, #tpu.dimension_semantics<subcore_parallel>], iteration_bounds = array<i64: 2, 16>, scalar_prefetch = 0 : i64, scratch_operands = 7 : i64, tpu.core_type = #tpu.core_type<sc_vector_subcore>, window_params = [{transform_indices = #map}, {transform_indices = #map1}, {transform_indices = #map1}, {transform_indices = #map}, {transform_indices = #map1}]} {
    %mul3A = arith.constant 2 : i32
    %mul3A_0 = arith.muli %arg1, %mul3A : i32
    %add3A = arith.addi %mul3A_0, %arg0 : i32
    %mul3A_1 = arith.constant 640 : i32
    %mul3A_2 = arith.muli %arg1, %mul3A_1 : i32
    "tpu.region"() ({
      %run_scoped3A = tpu.sem_alloc : memref<!tpu.dma_semaphore, #tpu.memory_space<semaphore_mem>>
      %dma_start3A = arith.constant 0 : i32
      %dma_start3A_9 = tpu.memref_slice %arg7[%mul3A_2, %dma_start3A] : memref<10240x128xf32, #tpu.memory_space<vmem_shared>> -> memref<640x128xf32, #tpu.memory_space<vmem_shared>>
      %dma_start3A_10 = arith.constant 0 : i32
      %dma_start3A_11 = tpu.memref_slice %arg5[%mul3A_2, %dma_start3A_10] : memref<10240x128xf32, #tpu.memory_space<hbm>> -> memref<640x128xf32, #tpu.memory_space<hbm>>
      tpu.enqueue_dma source(%dma_start3A_11 : memref<640x128xf32, #tpu.memory_space<hbm>>) target(%dma_start3A_9 : memref<640x128xf32, #tpu.memory_space<vmem_shared>>) target_semaphore(%run_scoped3A : memref<!tpu.dma_semaphore, #tpu.memory_space<semaphore_mem>>)
      %dma_wait3A = arith.constant 0 : i32
      %dma_wait3A_12 = tpu.memref_slice %arg7[%mul3A_2, %dma_wait3A] : memref<10240x128xf32, #tpu.memory_space<vmem_shared>> -> memref<640x128xf32, #tpu.memory_space<vmem_shared>>
      %dma_wait3A_13 = arith.constant 0 : i32
      %dma_wait3A_14 = tpu.memref_slice %arg5[%mul3A_2, %dma_wait3A_13] : memref<10240x128xf32, #tpu.memory_space<hbm>> -> memref<640x128xf32, #tpu.memory_space<hbm>>
      tpu.wait_dma2 semaphore(%run_scoped3A : memref<!tpu.dma_semaphore, #tpu.memory_space<semaphore_mem>>) src(%dma_wait3A_14 : memref<640x128xf32, #tpu.memory_space<hbm>>) dst(%dma_wait3A_12 : memref<640x128xf32, #tpu.memory_space<vmem_shared>>)
      tpu.yield
    }) : () -> ()
    %barrier3A = arith.constant 0 : index
    tpu.barrier barrier_id(%barrier3A)
    %scan3A = arith.constant 0 : i32
    %scan3A_3 = arith.constant 0 : i32
    %scan3A_4 = arith.constant 2 : i32
    %scan3A_5 = arith.addi %scan3A_3, %scan3A_4 : i32
    %scan3A_6 = arith.constant 1 : i32
    scf.for %scan3A_9 = %scan3A_3 to %scan3A_5 step %scan3A_6  : i32 {
      %mul3A_10 = arith.constant 40 : i32
      %mul3A_11 = arith.muli %scan3A_9, %mul3A_10 : i32
      "tpu.region"() ({
        %run_scoped3A = tpu.sem_alloc : memref<!tpu.dma_semaphore, #tpu.memory_space<semaphore_mem>>
        %dma_start3A_32 = arith.constant 0 : i32
        %dma_start3A_33 = tpu.memref_slice %arg3[%add3A, %mul3A_11, %dma_start3A_32] : memref<32x80x128xi32, #tpu.memory_space<hbm>> -> memref<1x40x128xi32, #tpu.memory_space<hbm>>
        %dma_start3A_34 = tpu.memref_squeeze %dma_start3A_33 : memref<1x40x128xi32, #tpu.memory_space<hbm>> -> memref<40x128xi32, #tpu.memory_space<hbm>>
        %dma_start3A_35 = arith.constant 0 : i32
        %dma_start3A_36 = tpu.memref_slice %arg3[%add3A, %mul3A_11, %dma_start3A_35] : memref<32x80x128xi32, #tpu.memory_space<hbm>> -> memref<1x40x128xi32, #tpu.memory_space<hbm>>
        %dma_start3A_37 = tpu.memref_squeeze %dma_start3A_36 : memref<1x40x128xi32, #tpu.memory_space<hbm>> -> memref<40x128xi32, #tpu.memory_space<hbm>>
        tpu.enqueue_dma source(%dma_start3A_37 : memref<40x128xi32, #tpu.memory_space<hbm>>) target(%arg8 : memref<40x128xi32, #tpu.memory_space<vmem>>) target_semaphore(%run_scoped3A : memref<!tpu.dma_semaphore, #tpu.memory_space<semaphore_mem>>)
        %dma_wait3A = arith.constant 0 : i32
        %dma_wait3A_38 = tpu.memref_slice %arg3[%add3A, %mul3A_11, %dma_wait3A] : memref<32x80x128xi32, #tpu.memory_space<hbm>> -> memref<1x40x128xi32, #tpu.memory_space<hbm>>
        %dma_wait3A_39 = tpu.memref_squeeze %dma_wait3A_38 : memref<1x40x128xi32, #tpu.memory_space<hbm>> -> memref<40x128xi32, #tpu.memory_space<hbm>>
        %dma_wait3A_40 = arith.constant 0 : i32
        %dma_wait3A_41 = tpu.memref_slice %arg3[%add3A, %mul3A_11, %dma_wait3A_40] : memref<32x80x128xi32, #tpu.memory_space<hbm>> -> memref<1x40x128xi32, #tpu.memory_space<hbm>>
        %dma_wait3A_42 = tpu.memref_squeeze %dma_wait3A_41 : memref<1x40x128xi32, #tpu.memory_space<hbm>> -> memref<40x128xi32, #tpu.memory_space<hbm>>
        tpu.wait_dma2 semaphore(%run_scoped3A : memref<!tpu.dma_semaphore, #tpu.memory_space<semaphore_mem>>) src(%dma_wait3A_42 : memref<40x128xi32, #tpu.memory_space<hbm>>) dst(%arg8 : memref<40x128xi32, #tpu.memory_space<vmem>>)
        tpu.yield
      }) : () -> ()
      %mul3A_12 = arith.constant 40 : i32
      %mul3A_13 = arith.muli %scan3A_9, %mul3A_12 : i32
      "tpu.region"() ({
        %run_scoped3A = tpu.sem_alloc : memref<!tpu.dma_semaphore, #tpu.memory_space<semaphore_mem>>
        %dma_start3A_32 = arith.constant 0 : i32
        %dma_start3A_33 = tpu.memref_slice %arg4[%add3A, %mul3A_13, %dma_start3A_32] : memref<32x80x128xi32, #tpu.memory_space<hbm>> -> memref<1x40x128xi32, #tpu.memory_space<hbm>>
        %dma_start3A_34 = tpu.memref_squeeze %dma_start3A_33 : memref<1x40x128xi32, #tpu.memory_space<hbm>> -> memref<40x128xi32, #tpu.memory_space<hbm>>
        %dma_start3A_35 = arith.constant 0 : i32
        %dma_start3A_36 = tpu.memref_slice %arg4[%add3A, %mul3A_13, %dma_start3A_35] : memref<32x80x128xi32, #tpu.memory_space<hbm>> -> memref<1x40x128xi32, #tpu.memory_space<hbm>>
        %dma_start3A_37 = tpu.memref_squeeze %dma_start3A_36 : memref<1x40x128xi32, #tpu.memory_space<hbm>> -> memref<40x128xi32, #tpu.memory_space<hbm>>
        tpu.enqueue_dma source(%dma_start3A_37 : memref<40x128xi32, #tpu.memory_space<hbm>>) target(%arg9 : memref<40x128xi32, #tpu.memory_space<vmem>>) target_semaphore(%run_scoped3A : memref<!tpu.dma_semaphore, #tpu.memory_space<semaphore_mem>>)
        %dma_wait3A = arith.constant 0 : i32
        %dma_wait3A_38 = tpu.memref_slice %arg4[%add3A, %mul3A_13, %dma_wait3A] : memref<32x80x128xi32, #tpu.memory_space<hbm>> -> memref<1x40x128xi32, #tpu.memory_space<hbm>>
        %dma_wait3A_39 = tpu.memref_squeeze %dma_wait3A_38 : memref<1x40x128xi32, #tpu.memory_space<hbm>> -> memref<40x128xi32, #tpu.memory_space<hbm>>
        %dma_wait3A_40 = arith.constant 0 : i32
        %dma_wait3A_41 = tpu.memref_slice %arg4[%add3A, %mul3A_13, %dma_wait3A_40] : memref<32x80x128xi32, #tpu.memory_space<hbm>> -> memref<1x40x128xi32, #tpu.memory_space<hbm>>
        %dma_wait3A_42 = tpu.memref_squeeze %dma_wait3A_41 : memref<1x40x128xi32, #tpu.memory_space<hbm>> -> memref<40x128xi32, #tpu.memory_space<hbm>>
        tpu.wait_dma2 semaphore(%run_scoped3A : memref<!tpu.dma_semaphore, #tpu.memory_space<semaphore_mem>>) src(%dma_wait3A_42 : memref<40x128xi32, #tpu.memory_space<hbm>>) dst(%arg9 : memref<40x128xi32, #tpu.memory_space<vmem>>)
        tpu.yield
      }) : () -> ()
      %dma_start3A = arith.constant 0 : i32
      %dma_start3A_14 = arith.constant 0 : i32
      %dma_start3A_15 = tpu.memref_slice %arg8[%dma_start3A, %dma_start3A_14] : memref<40x128xi32, #tpu.memory_space<vmem>> -> memref<1x128xi32, #tpu.memory_space<vmem>>
      %dma_start3A_16 = tpu.memref_squeeze %dma_start3A_15 : memref<1x128xi32, #tpu.memory_space<vmem>> -> memref<128xi32, #tpu.memory_space<vmem>>
      %dma_start3A_17 = arith.constant 0 : i32
      %dma_start3A_18 = arith.constant 0 : i32
      %dma_start3A_19 = tpu.memref_slice %arg2[%dma_start3A_17, %dma_start3A_18] : memref<10240x128xf32, #tpu.memory_space<hbm>> -> memref<10240x128xf32, #tpu.memory_space<hbm>>
      tpu.enqueue_indirect_dma source(%dma_start3A_19 : memref<10240x128xf32, #tpu.memory_space<hbm>>) target(%arg10 : memref<128x128xf32, #tpu.memory_space<vmem>>) offsets(%dma_start3A_16 : memref<128xi32, #tpu.memory_space<vmem>>) semaphore(%arg12 : memref<!tpu.dma_semaphore, #tpu.memory_space<semaphore_mem>>)
      %dma_start3A_20 = arith.constant 1 : i32
      %dma_start3A_21 = arith.constant 0 : i32
      %dma_start3A_22 = tpu.memref_slice %arg8[%dma_start3A_20, %dma_start3A_21] : memref<40x128xi32, #tpu.memory_space<vmem>> -> memref<1x128xi32, #tpu.memory_space<vmem>>
      %dma_start3A_23 = tpu.memref_squeeze %dma_start3A_22 : memref<1x128xi32, #tpu.memory_space<vmem>> -> memref<128xi32, #tpu.memory_space<vmem>>
      %dma_start3A_24 = arith.constant 0 : i32
      %dma_start3A_25 = arith.constant 0 : i32
      %dma_start3A_26 = tpu.memref_slice %arg2[%dma_start3A_24, %dma_start3A_25] : memref<10240x128xf32, #tpu.memory_space<hbm>> -> memref<10240x128xf32, #tpu.memory_space<hbm>>
      tpu.enqueue_indirect_dma source(%dma_start3A_26 : memref<10240x128xf32, #tpu.memory_space<hbm>>) target(%arg11 : memref<128x128xf32, #tpu.memory_space<vmem>>) offsets(%dma_start3A_23 : memref<128xi32, #tpu.memory_space<vmem>>) semaphore(%arg13 : memref<!tpu.dma_semaphore, #tpu.memory_space<semaphore_mem>>)
      %scan3A_27 = arith.constant 0 : i32
      %scan3A_28 = arith.constant 20 : i32
      %scan3A_29 = arith.addi %scan3A_27, %scan3A_28 : i32
      %scan3A_30 = arith.constant 1 : i32
      scf.for %scan3A_32 = %scan3A_27 to %scan3A_29 step %scan3A_30  : i32 {
        %mul3A_33 = arith.constant 2 : i32
        %mul3A_34 = arith.muli %mul3A_33, %scan3A_32 : i32
        %dma_wait3A = arith.constant 0 : i32
        %dma_wait3A_35 = tpu.memref_slice %arg8[%mul3A_34, %dma_wait3A] : memref<40x128xi32, #tpu.memory_space<vmem>> -> memref<1x128xi32, #tpu.memory_space<vmem>>
        %dma_wait3A_36 = tpu.memref_squeeze %dma_wait3A_35 : memref<1x128xi32, #tpu.memory_space<vmem>> -> memref<128xi32, #tpu.memory_space<vmem>>
        %dma_wait3A_37 = arith.constant 0 : i32
        %dma_wait3A_38 = arith.constant 0 : i32
        %dma_wait3A_39 = tpu.memref_slice %arg2[%dma_wait3A_37, %dma_wait3A_38] : memref<10240x128xf32, #tpu.memory_space<hbm>> -> memref<10240x128xf32, #tpu.memory_space<hbm>>
        tpu.wait_indirect_dma semaphore(%arg12 : memref<!tpu.dma_semaphore, #tpu.memory_space<semaphore_mem>>) src(%dma_wait3A_39 : memref<10240x128xf32, #tpu.memory_space<hbm>>) dst(%arg10 : memref<128x128xf32, #tpu.memory_space<vmem>>)
        "tpu.region"() ({
          %run_scoped3A = tpu.sem_alloc : memref<!tpu.dma_semaphore, #tpu.memory_space<semaphore_mem>>
          %dma_start3A_61 = arith.constant 0 : i32
          %dma_start3A_62 = tpu.memref_slice %arg9[%mul3A_34, %dma_start3A_61] : memref<40x128xi32, #tpu.memory_space<vmem>> -> memref<1x128xi32, #tpu.memory_space<vmem>>
          %dma_start3A_63 = tpu.memref_squeeze %dma_start3A_62 : memref<1x128xi32, #tpu.memory_space<vmem>> -> memref<128xi32, #tpu.memory_space<vmem>>
          %dma_start3A_64 = arith.constant 0 : i32
          %dma_start3A_65 = arith.constant 0 : i32
          %dma_start3A_66 = tpu.memref_slice %arg7[%dma_start3A_64, %dma_start3A_65] : memref<10240x128xf32, #tpu.memory_space<vmem_shared>> -> memref<10240x128xf32, #tpu.memory_space<vmem_shared>>
          tpu.enqueue_indirect_dma source(%arg10 : memref<128x128xf32, #tpu.memory_space<vmem>>) target(%dma_start3A_66 : memref<10240x128xf32, #tpu.memory_space<vmem_shared>>) offsets(%dma_start3A_63 : memref<128xi32, #tpu.memory_space<vmem>>) semaphore(%run_scoped3A : memref<!tpu.dma_semaphore, #tpu.memory_space<semaphore_mem>>) {add = true}
          %dma_wait3A_67 = arith.constant 0 : i32
          %dma_wait3A_68 = tpu.memref_slice %arg9[%mul3A_34, %dma_wait3A_67] : memref<40x128xi32, #tpu.memory_space<vmem>> -> memref<1x128xi32, #tpu.memory_space<vmem>>
          %dma_wait3A_69 = tpu.memref_squeeze %dma_wait3A_68 : memref<1x128xi32, #tpu.memory_space<vmem>> -> memref<128xi32, #tpu.memory_space<vmem>>
          %dma_wait3A_70 = arith.constant 0 : i32
          %dma_wait3A_71 = arith.constant 0 : i32
          %dma_wait3A_72 = tpu.memref_slice %arg7[%dma_wait3A_70, %dma_wait3A_71] : memref<10240x128xf32, #tpu.memory_space<vmem_shared>> -> memref<10240x128xf32, #tpu.memory_space<vmem_shared>>
          tpu.wait_indirect_dma semaphore(%run_scoped3A : memref<!tpu.dma_semaphore, #tpu.memory_space<semaphore_mem>>) src(%arg10 : memref<128x128xf32, #tpu.memory_space<vmem>>) dst(%dma_wait3A_72 : memref<10240x128xf32, #tpu.memory_space<vmem_shared>>)
          tpu.yield
        }) : () -> ()
        %add3A_40 = arith.constant 2 : i32
        %add3A_41 = arith.addi %mul3A_34, %add3A_40 : i32
        %lt3A = arith.constant 40 : i32
        %lt3A_42 = arith.cmpi slt, %add3A_41, %lt3A : i32
        %convert_element_type3A = arith.extui %lt3A_42 : i1 to i32
        %cond3A = arith.constant 0 : i32
        %cond3A_43 = arith.cmpi ne, %convert_element_type3A, %cond3A : i32
        scf.if %cond3A_43 {
          %add3A_61 = arith.constant 2 : i32
          %add3A_62 = arith.addi %mul3A_34, %add3A_61 : i32
          %dma_start3A_63 = arith.constant 0 : i32
          %dma_start3A_64 = tpu.memref_slice %arg8[%add3A_62, %dma_start3A_63] : memref<40x128xi32, #tpu.memory_space<vmem>> -> memref<1x128xi32, #tpu.memory_space<vmem>>
          %dma_start3A_65 = tpu.memref_squeeze %dma_start3A_64 : memref<1x128xi32, #tpu.memory_space<vmem>> -> memref<128xi32, #tpu.memory_space<vmem>>
          %dma_start3A_66 = arith.constant 0 : i32
          %dma_start3A_67 = arith.constant 0 : i32
          %dma_start3A_68 = tpu.memref_slice %arg2[%dma_start3A_66, %dma_start3A_67] : memref<10240x128xf32, #tpu.memory_space<hbm>> -> memref<10240x128xf32, #tpu.memory_space<hbm>>
          tpu.enqueue_indirect_dma source(%dma_start3A_68 : memref<10240x128xf32, #tpu.memory_space<hbm>>) target(%arg10 : memref<128x128xf32, #tpu.memory_space<vmem>>) offsets(%dma_start3A_65 : memref<128xi32, #tpu.memory_space<vmem>>) semaphore(%arg12 : memref<!tpu.dma_semaphore, #tpu.memory_space<semaphore_mem>>)
        } else {
        }
        %add3A_44 = arith.constant 1 : i32
        %add3A_45 = arith.addi %mul3A_34, %add3A_44 : i32
        %dma_wait3A_46 = arith.constant 0 : i32
        %dma_wait3A_47 = tpu.memref_slice %arg8[%add3A_45, %dma_wait3A_46] : memref<40x128xi32, #tpu.memory_space<vmem>> -> memref<1x128xi32, #tpu.memory_space<vmem>>
        %dma_wait3A_48 = tpu.memref_squeeze %dma_wait3A_47 : memref<1x128xi32, #tpu.memory_space<vmem>> -> memref<128xi32, #tpu.memory_space<vmem>>
        %dma_wait3A_49 = arith.constant 0 : i32
        %dma_wait3A_50 = arith.constant 0 : i32
        %dma_wait3A_51 = tpu.memref_slice %arg2[%dma_wait3A_49, %dma_wait3A_50] : memref<10240x128xf32, #tpu.memory_space<hbm>> -> memref<10240x128xf32, #tpu.memory_space<hbm>>
        tpu.wait_indirect_dma semaphore(%arg13 : memref<!tpu.dma_semaphore, #tpu.memory_space<semaphore_mem>>) src(%dma_wait3A_51 : memref<10240x128xf32, #tpu.memory_space<hbm>>) dst(%arg11 : memref<128x128xf32, #tpu.memory_space<vmem>>)
        %add3A_52 = arith.constant 1 : i32
        %add3A_53 = arith.addi %mul3A_34, %add3A_52 : i32
        "tpu.region"() ({
          %run_scoped3A = tpu.sem_alloc : memref<!tpu.dma_semaphore, #tpu.memory_space<semaphore_mem>>
          %dma_start3A_61 = arith.constant 0 : i32
          %dma_start3A_62 = tpu.memref_slice %arg9[%add3A_53, %dma_start3A_61] : memref<40x128xi32, #tpu.memory_space<vmem>> -> memref<1x128xi32, #tpu.memory_space<vmem>>
          %dma_start3A_63 = tpu.memref_squeeze %dma_start3A_62 : memref<1x128xi32, #tpu.memory_space<vmem>> -> memref<128xi32, #tpu.memory_space<vmem>>
          %dma_start3A_64 = arith.constant 0 : i32
          %dma_start3A_65 = arith.constant 0 : i32
          %dma_start3A_66 = tpu.memref_slice %arg7[%dma_start3A_64, %dma_start3A_65] : memref<10240x128xf32, #tpu.memory_space<vmem_shared>> -> memref<10240x128xf32, #tpu.memory_space<vmem_shared>>
          tpu.enqueue_indirect_dma source(%arg11 : memref<128x128xf32, #tpu.memory_space<vmem>>) target(%dma_start3A_66 : memref<10240x128xf32, #tpu.memory_space<vmem_shared>>) offsets(%dma_start3A_63 : memref<128xi32, #tpu.memory_space<vmem>>) semaphore(%run_scoped3A : memref<!tpu.dma_semaphore, #tpu.memory_space<semaphore_mem>>) {add = true}
          %dma_wait3A_67 = arith.constant 0 : i32
          %dma_wait3A_68 = tpu.memref_slice %arg9[%add3A_53, %dma_wait3A_67] : memref<40x128xi32, #tpu.memory_space<vmem>> -> memref<1x128xi32, #tpu.memory_space<vmem>>
          %dma_wait3A_69 = tpu.memref_squeeze %dma_wait3A_68 : memref<1x128xi32, #tpu.memory_space<vmem>> -> memref<128xi32, #tpu.memory_space<vmem>>
          %dma_wait3A_70 = arith.constant 0 : i32
          %dma_wait3A_71 = arith.constant 0 : i32
          %dma_wait3A_72 = tpu.memref_slice %arg7[%dma_wait3A_70, %dma_wait3A_71] : memref<10240x128xf32, #tpu.memory_space<vmem_shared>> -> memref<10240x128xf32, #tpu.memory_space<vmem_shared>>
          tpu.wait_indirect_dma semaphore(%run_scoped3A : memref<!tpu.dma_semaphore, #tpu.memory_space<semaphore_mem>>) src(%arg11 : memref<128x128xf32, #tpu.memory_space<vmem>>) dst(%dma_wait3A_72 : memref<10240x128xf32, #tpu.memory_space<vmem_shared>>)
          tpu.yield
        }) : () -> ()
        %add3A_54 = arith.constant 3 : i32
        %add3A_55 = arith.addi %mul3A_34, %add3A_54 : i32
        %lt3A_56 = arith.constant 40 : i32
        %lt3A_57 = arith.cmpi slt, %add3A_55, %lt3A_56 : i32
        %convert_element_type3A_58 = arith.extui %lt3A_57 : i1 to i32
        %cond3A_59 = arith.constant 0 : i32
        %cond3A_60 = arith.cmpi ne, %convert_element_type3A_58, %cond3A_59 : i32
        scf.if %cond3A_60 {
          %add3A_61 = arith.constant 3 : i32
          %add3A_62 = arith.addi %mul3A_34, %add3A_61 : i32
          %dma_start3A_63 = arith.constant 0 : i32
          %dma_start3A_64 = tpu.memref_slice %arg8[%add3A_62, %dma_start3A_63] : memref<40x128xi32, #tpu.memory_space<vmem>> -> memref<1x128xi32, #tpu.memory_space<vmem>>
          %dma_start3A_65 = tpu.memref_squeeze %dma_start3A_64 : memref<1x128xi32, #tpu.memory_space<vmem>> -> memref<128xi32, #tpu.memory_space<vmem>>
          %dma_start3A_66 = arith.constant 0 : i32
          %dma_start3A_67 = arith.constant 0 : i32
          %dma_start3A_68 = tpu.memref_slice %arg2[%dma_start3A_66, %dma_start3A_67] : memref<10240x128xf32, #tpu.memory_space<hbm>> -> memref<10240x128xf32, #tpu.memory_space<hbm>>
          tpu.enqueue_indirect_dma source(%dma_start3A_68 : memref<10240x128xf32, #tpu.memory_space<hbm>>) target(%arg11 : memref<128x128xf32, #tpu.memory_space<vmem>>) offsets(%dma_start3A_65 : memref<128xi32, #tpu.memory_space<vmem>>) semaphore(%arg13 : memref<!tpu.dma_semaphore, #tpu.memory_space<semaphore_mem>>)
        } else {
        }
      }
      %scan3A_31 = arith.constant 20 : i32
    }
    %scan3A_7 = arith.constant 2 : i32
    %barrier3A_8 = arith.constant 0 : index
    tpu.barrier barrier_id(%barrier3A_8)
    "tpu.region"() ({
      %run_scoped3A = tpu.sem_alloc : memref<!tpu.dma_semaphore, #tpu.memory_space<semaphore_mem>>
      %dma_start3A = arith.constant 0 : i32
      %dma_start3A_9 = tpu.memref_slice %arg6[%arg0, %mul3A_2, %dma_start3A] : memref<2x10240x128xf32, #tpu.memory_space<hbm>> -> memref<1x640x128xf32, #tpu.memory_space<hbm>>
      %dma_start3A_10 = tpu.memref_squeeze %dma_start3A_9 : memref<1x640x128xf32, #tpu.memory_space<hbm>> -> memref<640x128xf32, #tpu.memory_space<hbm>>
      %dma_start3A_11 = arith.constant 0 : i32
      %dma_start3A_12 = tpu.memref_slice %arg7[%mul3A_2, %dma_start3A_11] : memref<10240x128xf32, #tpu.memory_space<vmem_shared>> -> memref<640x128xf32, #tpu.memory_space<vmem_shared>>
      tpu.enqueue_dma source(%dma_start3A_12 : memref<640x128xf32, #tpu.memory_space<vmem_shared>>) target(%dma_start3A_10 : memref<640x128xf32, #tpu.memory_space<hbm>>) target_semaphore(%run_scoped3A : memref<!tpu.dma_semaphore, #tpu.memory_space<semaphore_mem>>)
      %dma_wait3A = arith.constant 0 : i32
      %dma_wait3A_13 = tpu.memref_slice %arg6[%arg0, %mul3A_2, %dma_wait3A] : memref<2x10240x128xf32, #tpu.memory_space<hbm>> -> memref<1x640x128xf32, #tpu.memory_space<hbm>>
      %dma_wait3A_14 = tpu.memref_squeeze %dma_wait3A_13 : memref<1x640x128xf32, #tpu.memory_space<hbm>> -> memref<640x128xf32, #tpu.memory_space<hbm>>
      %dma_wait3A_15 = arith.constant 0 : i32
      %dma_wait3A_16 = tpu.memref_slice %arg7[%mul3A_2, %dma_wait3A_15] : memref<10240x128xf32, #tpu.memory_space<vmem_shared>> -> memref<640x128xf32, #tpu.memory_space<vmem_shared>>
      tpu.wait_dma2 semaphore(%run_scoped3A : memref<!tpu.dma_semaphore, #tpu.memory_space<semaphore_mem>>) src(%dma_wait3A_16 : memref<640x128xf32, #tpu.memory_space<vmem_shared>>) dst(%dma_wait3A_14 : memref<640x128xf32, #tpu.memory_space<hbm>>)
      tpu.yield
    }) : () -> ()
    return
  }
}

#map = affine_map<(d0, d1) -> (0, 0, 0)>
#map1 = affine_map<(d0, d1) -> (0, 0)>
module attributes {stable_mosaic.version = 14 : i64} {
  func.func @deg_kernel(%arg0: i32, %arg1: i32, %arg2: memref<32x80x128xi32, #tpu.memory_space<hbm>>, %arg3: memref<10240x128xf32, #tpu.memory_space<hbm>>, %arg4: memref<10240x128xf32, #tpu.memory_space<hbm>>, %arg5: memref<2x10240x128xf32, #tpu.memory_space<hbm>>, %arg6: memref<10240x128xf32, #tpu.memory_space<vmem_shared>>, %arg7: memref<80x128xi32, #tpu.memory_space<vmem>>, %arg8: memref<128x128xf32, #tpu.memory_space<vmem>>) attributes {dimension_semantics = [#tpu.dimension_semantics<core_parallel>, #tpu.dimension_semantics<subcore_parallel>], iteration_bounds = array<i64: 2, 16>, scalar_prefetch = 0 : i64, scratch_operands = 3 : i64, tpu.core_type = #tpu.core_type<sc_vector_subcore>, window_params = [{transform_indices = #map}, {transform_indices = #map1}, {transform_indices = #map1}, {transform_indices = #map}]} {
    %mul3A = arith.constant 2 : i32
    %mul3A_0 = arith.muli %arg1, %mul3A : i32
    %add3A = arith.addi %mul3A_0, %arg0 : i32
    %mul3A_1 = arith.constant 640 : i32
    %mul3A_2 = arith.muli %arg1, %mul3A_1 : i32
    "tpu.region"() ({
      %run_scoped3A = tpu.sem_alloc : memref<!tpu.dma_semaphore, #tpu.memory_space<semaphore_mem>>
      %dma_start3A = arith.constant 0 : i32
      %dma_start3A_9 = tpu.memref_slice %arg6[%mul3A_2, %dma_start3A] : memref<10240x128xf32, #tpu.memory_space<vmem_shared>> -> memref<640x128xf32, #tpu.memory_space<vmem_shared>>
      %dma_start3A_10 = arith.constant 0 : i32
      %dma_start3A_11 = tpu.memref_slice %arg4[%mul3A_2, %dma_start3A_10] : memref<10240x128xf32, #tpu.memory_space<hbm>> -> memref<640x128xf32, #tpu.memory_space<hbm>>
      tpu.enqueue_dma source(%dma_start3A_11 : memref<640x128xf32, #tpu.memory_space<hbm>>) target(%dma_start3A_9 : memref<640x128xf32, #tpu.memory_space<vmem_shared>>) target_semaphore(%run_scoped3A : memref<!tpu.dma_semaphore, #tpu.memory_space<semaphore_mem>>)
      %dma_wait3A = arith.constant 0 : i32
      %dma_wait3A_12 = tpu.memref_slice %arg6[%mul3A_2, %dma_wait3A] : memref<10240x128xf32, #tpu.memory_space<vmem_shared>> -> memref<640x128xf32, #tpu.memory_space<vmem_shared>>
      %dma_wait3A_13 = arith.constant 0 : i32
      %dma_wait3A_14 = tpu.memref_slice %arg4[%mul3A_2, %dma_wait3A_13] : memref<10240x128xf32, #tpu.memory_space<hbm>> -> memref<640x128xf32, #tpu.memory_space<hbm>>
      tpu.wait_dma2 semaphore(%run_scoped3A : memref<!tpu.dma_semaphore, #tpu.memory_space<semaphore_mem>>) src(%dma_wait3A_14 : memref<640x128xf32, #tpu.memory_space<hbm>>) dst(%dma_wait3A_12 : memref<640x128xf32, #tpu.memory_space<vmem_shared>>)
      tpu.yield
    }) : () -> ()
    "tpu.region"() ({
      %run_scoped3A = tpu.sem_alloc : memref<!tpu.dma_semaphore, #tpu.memory_space<semaphore_mem>>
      %dma_start3A = arith.constant 0 : i32
      %dma_start3A_9 = arith.constant 0 : i32
      %dma_start3A_10 = tpu.memref_slice %arg3[%dma_start3A, %dma_start3A_9] : memref<10240x128xf32, #tpu.memory_space<hbm>> -> memref<128x128xf32, #tpu.memory_space<hbm>>
      %dma_start3A_11 = arith.constant 0 : i32
      %dma_start3A_12 = arith.constant 0 : i32
      %dma_start3A_13 = tpu.memref_slice %arg3[%dma_start3A_11, %dma_start3A_12] : memref<10240x128xf32, #tpu.memory_space<hbm>> -> memref<128x128xf32, #tpu.memory_space<hbm>>
      tpu.enqueue_dma source(%dma_start3A_13 : memref<128x128xf32, #tpu.memory_space<hbm>>) target(%arg8 : memref<128x128xf32, #tpu.memory_space<vmem>>) target_semaphore(%run_scoped3A : memref<!tpu.dma_semaphore, #tpu.memory_space<semaphore_mem>>)
      %dma_wait3A = arith.constant 0 : i32
      %dma_wait3A_14 = arith.constant 0 : i32
      %dma_wait3A_15 = tpu.memref_slice %arg3[%dma_wait3A, %dma_wait3A_14] : memref<10240x128xf32, #tpu.memory_space<hbm>> -> memref<128x128xf32, #tpu.memory_space<hbm>>
      %dma_wait3A_16 = arith.constant 0 : i32
      %dma_wait3A_17 = arith.constant 0 : i32
      %dma_wait3A_18 = tpu.memref_slice %arg3[%dma_wait3A_16, %dma_wait3A_17] : memref<10240x128xf32, #tpu.memory_space<hbm>> -> memref<128x128xf32, #tpu.memory_space<hbm>>
      tpu.wait_dma2 semaphore(%run_scoped3A : memref<!tpu.dma_semaphore, #tpu.memory_space<semaphore_mem>>) src(%dma_wait3A_18 : memref<128x128xf32, #tpu.memory_space<hbm>>) dst(%arg8 : memref<128x128xf32, #tpu.memory_space<vmem>>)
      tpu.yield
    }) : () -> ()
    "tpu.region"() ({
      %run_scoped3A = tpu.sem_alloc : memref<!tpu.dma_semaphore, #tpu.memory_space<semaphore_mem>>
      %dma_start3A = arith.constant 0 : i32
      %dma_start3A_9 = arith.constant 0 : i32
      %dma_start3A_10 = tpu.memref_slice %arg2[%add3A, %dma_start3A, %dma_start3A_9] : memref<32x80x128xi32, #tpu.memory_space<hbm>> -> memref<1x80x128xi32, #tpu.memory_space<hbm>>
      %dma_start3A_11 = tpu.memref_squeeze %dma_start3A_10 : memref<1x80x128xi32, #tpu.memory_space<hbm>> -> memref<80x128xi32, #tpu.memory_space<hbm>>
      %dma_start3A_12 = arith.constant 0 : i32
      %dma_start3A_13 = arith.constant 0 : i32
      %dma_start3A_14 = tpu.memref_slice %arg2[%add3A, %dma_start3A_12, %dma_start3A_13] : memref<32x80x128xi32, #tpu.memory_space<hbm>> -> memref<1x80x128xi32, #tpu.memory_space<hbm>>
      %dma_start3A_15 = tpu.memref_squeeze %dma_start3A_14 : memref<1x80x128xi32, #tpu.memory_space<hbm>> -> memref<80x128xi32, #tpu.memory_space<hbm>>
      tpu.enqueue_dma source(%dma_start3A_15 : memref<80x128xi32, #tpu.memory_space<hbm>>) target(%arg7 : memref<80x128xi32, #tpu.memory_space<vmem>>) target_semaphore(%run_scoped3A : memref<!tpu.dma_semaphore, #tpu.memory_space<semaphore_mem>>)
      %dma_wait3A = arith.constant 0 : i32
      %dma_wait3A_16 = arith.constant 0 : i32
      %dma_wait3A_17 = tpu.memref_slice %arg2[%add3A, %dma_wait3A, %dma_wait3A_16] : memref<32x80x128xi32, #tpu.memory_space<hbm>> -> memref<1x80x128xi32, #tpu.memory_space<hbm>>
      %dma_wait3A_18 = tpu.memref_squeeze %dma_wait3A_17 : memref<1x80x128xi32, #tpu.memory_space<hbm>> -> memref<80x128xi32, #tpu.memory_space<hbm>>
      %dma_wait3A_19 = arith.constant 0 : i32
      %dma_wait3A_20 = arith.constant 0 : i32
      %dma_wait3A_21 = tpu.memref_slice %arg2[%add3A, %dma_wait3A_19, %dma_wait3A_20] : memref<32x80x128xi32, #tpu.memory_space<hbm>> -> memref<1x80x128xi32, #tpu.memory_space<hbm>>
      %dma_wait3A_22 = tpu.memref_squeeze %dma_wait3A_21 : memref<1x80x128xi32, #tpu.memory_space<hbm>> -> memref<80x128xi32, #tpu.memory_space<hbm>>
      tpu.wait_dma2 semaphore(%run_scoped3A : memref<!tpu.dma_semaphore, #tpu.memory_space<semaphore_mem>>) src(%dma_wait3A_22 : memref<80x128xi32, #tpu.memory_space<hbm>>) dst(%arg7 : memref<80x128xi32, #tpu.memory_space<vmem>>)
      tpu.yield
    }) : () -> ()
    %barrier3A = arith.constant 0 : index
    tpu.barrier barrier_id(%barrier3A)
    %scan3A = arith.constant 0 : i32
    %scan3A_3 = arith.constant 0 : i32
    %scan3A_4 = arith.constant 80 : i32
    %scan3A_5 = arith.addi %scan3A_3, %scan3A_4 : i32
    %scan3A_6 = arith.constant 1 : i32
    scf.for %scan3A_9 = %scan3A_3 to %scan3A_5 step %scan3A_6  : i32 {
      "tpu.region"() ({
        %run_scoped3A = tpu.sem_alloc : memref<!tpu.dma_semaphore, #tpu.memory_space<semaphore_mem>>
        %dma_start3A = arith.constant 0 : i32
        %dma_start3A_10 = tpu.memref_slice %arg7[%scan3A_9, %dma_start3A] : memref<80x128xi32, #tpu.memory_space<vmem>> -> memref<1x128xi32, #tpu.memory_space<vmem>>
        %dma_start3A_11 = tpu.memref_squeeze %dma_start3A_10 : memref<1x128xi32, #tpu.memory_space<vmem>> -> memref<128xi32, #tpu.memory_space<vmem>>
        %dma_start3A_12 = arith.constant 0 : i32
        %dma_start3A_13 = arith.constant 0 : i32
        %dma_start3A_14 = tpu.memref_slice %arg6[%dma_start3A_12, %dma_start3A_13] : memref<10240x128xf32, #tpu.memory_space<vmem_shared>> -> memref<10240x128xf32, #tpu.memory_space<vmem_shared>>
        tpu.enqueue_indirect_dma source(%arg8 : memref<128x128xf32, #tpu.memory_space<vmem>>) target(%dma_start3A_14 : memref<10240x128xf32, #tpu.memory_space<vmem_shared>>) offsets(%dma_start3A_11 : memref<128xi32, #tpu.memory_space<vmem>>) semaphore(%run_scoped3A : memref<!tpu.dma_semaphore, #tpu.memory_space<semaphore_mem>>) {add = true}
        %dma_wait3A = arith.constant 0 : i32
        %dma_wait3A_15 = tpu.memref_slice %arg7[%scan3A_9, %dma_wait3A] : memref<80x128xi32, #tpu.memory_space<vmem>> -> memref<1x128xi32, #tpu.memory_space<vmem>>
        %dma_wait3A_16 = tpu.memref_squeeze %dma_wait3A_15 : memref<1x128xi32, #tpu.memory_space<vmem>> -> memref<128xi32, #tpu.memory_space<vmem>>
        %dma_wait3A_17 = arith.constant 0 : i32
        %dma_wait3A_18 = arith.constant 0 : i32
        %dma_wait3A_19 = tpu.memref_slice %arg6[%dma_wait3A_17, %dma_wait3A_18] : memref<10240x128xf32, #tpu.memory_space<vmem_shared>> -> memref<10240x128xf32, #tpu.memory_space<vmem_shared>>
        tpu.wait_indirect_dma semaphore(%run_scoped3A : memref<!tpu.dma_semaphore, #tpu.memory_space<semaphore_mem>>) src(%arg8 : memref<128x128xf32, #tpu.memory_space<vmem>>) dst(%dma_wait3A_19 : memref<10240x128xf32, #tpu.memory_space<vmem_shared>>)
        tpu.yield
      }) : () -> ()
    }
    %scan3A_7 = arith.constant 80 : i32
    %barrier3A_8 = arith.constant 0 : index
    tpu.barrier barrier_id(%barrier3A_8)
    "tpu.region"() ({
      %run_scoped3A = tpu.sem_alloc : memref<!tpu.dma_semaphore, #tpu.memory_space<semaphore_mem>>
      %dma_start3A = arith.constant 0 : i32
      %dma_start3A_9 = tpu.memref_slice %arg5[%arg0, %mul3A_2, %dma_start3A] : memref<2x10240x128xf32, #tpu.memory_space<hbm>> -> memref<1x640x128xf32, #tpu.memory_space<hbm>>
      %dma_start3A_10 = tpu.memref_squeeze %dma_start3A_9 : memref<1x640x128xf32, #tpu.memory_space<hbm>> -> memref<640x128xf32, #tpu.memory_space<hbm>>
      %dma_start3A_11 = arith.constant 0 : i32
      %dma_start3A_12 = tpu.memref_slice %arg6[%mul3A_2, %dma_start3A_11] : memref<10240x128xf32, #tpu.memory_space<vmem_shared>> -> memref<640x128xf32, #tpu.memory_space<vmem_shared>>
      tpu.enqueue_dma source(%dma_start3A_12 : memref<640x128xf32, #tpu.memory_space<vmem_shared>>) target(%dma_start3A_10 : memref<640x128xf32, #tpu.memory_space<hbm>>) target_semaphore(%run_scoped3A : memref<!tpu.dma_semaphore, #tpu.memory_space<semaphore_mem>>)
      %dma_wait3A = arith.constant 0 : i32
      %dma_wait3A_13 = tpu.memref_slice %arg5[%arg0, %mul3A_2, %dma_wait3A] : memref<2x10240x128xf32, #tpu.memory_space<hbm>> -> memref<1x640x128xf32, #tpu.memory_space<hbm>>
      %dma_wait3A_14 = tpu.memref_squeeze %dma_wait3A_13 : memref<1x640x128xf32, #tpu.memory_space<hbm>> -> memref<640x128xf32, #tpu.memory_space<hbm>>
      %dma_wait3A_15 = arith.constant 0 : i32
      %dma_wait3A_16 = tpu.memref_slice %arg6[%mul3A_2, %dma_wait3A_15] : memref<10240x128xf32, #tpu.memory_space<vmem_shared>> -> memref<640x128xf32, #tpu.memory_space<vmem_shared>>
      tpu.wait_dma2 semaphore(%run_scoped3A : memref<!tpu.dma_semaphore, #tpu.memory_space<semaphore_mem>>) src(%dma_wait3A_16 : memref<640x128xf32, #tpu.memory_space<vmem_shared>>) dst(%dma_wait3A_14 : memref<640x128xf32, #tpu.memory_space<hbm>>)
      tpu.yield
    }) : () -> ()
    return
  }
}

#map = affine_map<(d0, d1) -> (0, 0)>
#map1 = affine_map<(d0, d1) -> (0, 0, 0)>
module attributes {stable_mosaic.version = 14 : i64} {
  func.func @agg_kernel(%arg0: i32, %arg1: i32, %arg2: memref<10240x128xf32, #tpu.memory_space<hbm>>, %arg3: memref<32x80x128xi32, #tpu.memory_space<hbm>>, %arg4: memref<32x80x128xi32, #tpu.memory_space<hbm>>, %arg5: memref<10240x128xf32, #tpu.memory_space<hbm>>, %arg6: memref<2x10240x128xf32, #tpu.memory_space<hbm>>, %arg7: memref<10240x128xf32, #tpu.memory_space<vmem_shared>>, %arg8: memref<40x128xi32, #tpu.memory_space<vmem>>, %arg9: memref<40x128xi32, #tpu.memory_space<vmem>>, %arg10: memref<128x128xf32, #tpu.memory_space<vmem>>, %arg11: memref<128x128xf32, #tpu.memory_space<vmem>>, %arg12: memref<!tpu.dma_semaphore, #tpu.memory_space<semaphore_mem>>, %arg13: memref<!tpu.dma_semaphore, #tpu.memory_space<semaphore_mem>>) attributes {dimension_semantics = [#tpu.dimension_semantics<core_parallel>, #tpu.dimension_semantics<subcore_parallel>], iteration_bounds = array<i64: 2, 16>, scalar_prefetch = 0 : i64, scratch_operands = 7 : i64, tpu.core_type = #tpu.core_type<sc_vector_subcore>, window_params = [{transform_indices = #map}, {transform_indices = #map1}, {transform_indices = #map1}, {transform_indices = #map}, {transform_indices = #map1}]} {
    %mul3A = arith.constant 2 : i32
    %mul3A_0 = arith.muli %arg1, %mul3A : i32
    %add3A = arith.addi %mul3A_0, %arg0 : i32
    %mul3A_1 = arith.constant 640 : i32
    %mul3A_2 = arith.muli %arg1, %mul3A_1 : i32
    "tpu.region"() ({
      %run_scoped3A = tpu.sem_alloc : memref<!tpu.dma_semaphore, #tpu.memory_space<semaphore_mem>>
      %dma_start3A = arith.constant 0 : i32
      %dma_start3A_9 = tpu.memref_slice %arg7[%mul3A_2, %dma_start3A] : memref<10240x128xf32, #tpu.memory_space<vmem_shared>> -> memref<640x128xf32, #tpu.memory_space<vmem_shared>>
      %dma_start3A_10 = arith.constant 0 : i32
      %dma_start3A_11 = tpu.memref_slice %arg5[%mul3A_2, %dma_start3A_10] : memref<10240x128xf32, #tpu.memory_space<hbm>> -> memref<640x128xf32, #tpu.memory_space<hbm>>
      tpu.enqueue_dma source(%dma_start3A_11 : memref<640x128xf32, #tpu.memory_space<hbm>>) target(%dma_start3A_9 : memref<640x128xf32, #tpu.memory_space<vmem_shared>>) target_semaphore(%run_scoped3A : memref<!tpu.dma_semaphore, #tpu.memory_space<semaphore_mem>>)
      %dma_wait3A = arith.constant 0 : i32
      %dma_wait3A_12 = tpu.memref_slice %arg7[%mul3A_2, %dma_wait3A] : memref<10240x128xf32, #tpu.memory_space<vmem_shared>> -> memref<640x128xf32, #tpu.memory_space<vmem_shared>>
      %dma_wait3A_13 = arith.constant 0 : i32
      %dma_wait3A_14 = tpu.memref_slice %arg5[%mul3A_2, %dma_wait3A_13] : memref<10240x128xf32, #tpu.memory_space<hbm>> -> memref<640x128xf32, #tpu.memory_space<hbm>>
      tpu.wait_dma2 semaphore(%run_scoped3A : memref<!tpu.dma_semaphore, #tpu.memory_space<semaphore_mem>>) src(%dma_wait3A_14 : memref<640x128xf32, #tpu.memory_space<hbm>>) dst(%dma_wait3A_12 : memref<640x128xf32, #tpu.memory_space<vmem_shared>>)
      tpu.yield
    }) : () -> ()
    %barrier3A = arith.constant 0 : index
    tpu.barrier barrier_id(%barrier3A)
    %scan3A = arith.constant 0 : i32
    %scan3A_3 = arith.constant 0 : i32
    %scan3A_4 = arith.constant 2 : i32
    %scan3A_5 = arith.addi %scan3A_3, %scan3A_4 : i32
    %scan3A_6 = arith.constant 1 : i32
    scf.for %scan3A_9 = %scan3A_3 to %scan3A_5 step %scan3A_6  : i32 {
      %mul3A_10 = arith.constant 40 : i32
      %mul3A_11 = arith.muli %scan3A_9, %mul3A_10 : i32
      "tpu.region"() ({
        %run_scoped3A = tpu.sem_alloc : memref<!tpu.dma_semaphore, #tpu.memory_space<semaphore_mem>>
        %dma_start3A_32 = arith.constant 0 : i32
        %dma_start3A_33 = tpu.memref_slice %arg3[%add3A, %mul3A_11, %dma_start3A_32] : memref<32x80x128xi32, #tpu.memory_space<hbm>> -> memref<1x40x128xi32, #tpu.memory_space<hbm>>
        %dma_start3A_34 = tpu.memref_squeeze %dma_start3A_33 : memref<1x40x128xi32, #tpu.memory_space<hbm>> -> memref<40x128xi32, #tpu.memory_space<hbm>>
        %dma_start3A_35 = arith.constant 0 : i32
        %dma_start3A_36 = tpu.memref_slice %arg3[%add3A, %mul3A_11, %dma_start3A_35] : memref<32x80x128xi32, #tpu.memory_space<hbm>> -> memref<1x40x128xi32, #tpu.memory_space<hbm>>
        %dma_start3A_37 = tpu.memref_squeeze %dma_start3A_36 : memref<1x40x128xi32, #tpu.memory_space<hbm>> -> memref<40x128xi32, #tpu.memory_space<hbm>>
        tpu.enqueue_dma source(%dma_start3A_37 : memref<40x128xi32, #tpu.memory_space<hbm>>) target(%arg8 : memref<40x128xi32, #tpu.memory_space<vmem>>) target_semaphore(%run_scoped3A : memref<!tpu.dma_semaphore, #tpu.memory_space<semaphore_mem>>)
        %dma_wait3A = arith.constant 0 : i32
        %dma_wait3A_38 = tpu.memref_slice %arg3[%add3A, %mul3A_11, %dma_wait3A] : memref<32x80x128xi32, #tpu.memory_space<hbm>> -> memref<1x40x128xi32, #tpu.memory_space<hbm>>
        %dma_wait3A_39 = tpu.memref_squeeze %dma_wait3A_38 : memref<1x40x128xi32, #tpu.memory_space<hbm>> -> memref<40x128xi32, #tpu.memory_space<hbm>>
        %dma_wait3A_40 = arith.constant 0 : i32
        %dma_wait3A_41 = tpu.memref_slice %arg3[%add3A, %mul3A_11, %dma_wait3A_40] : memref<32x80x128xi32, #tpu.memory_space<hbm>> -> memref<1x40x128xi32, #tpu.memory_space<hbm>>
        %dma_wait3A_42 = tpu.memref_squeeze %dma_wait3A_41 : memref<1x40x128xi32, #tpu.memory_space<hbm>> -> memref<40x128xi32, #tpu.memory_space<hbm>>
        tpu.wait_dma2 semaphore(%run_scoped3A : memref<!tpu.dma_semaphore, #tpu.memory_space<semaphore_mem>>) src(%dma_wait3A_42 : memref<40x128xi32, #tpu.memory_space<hbm>>) dst(%arg8 : memref<40x128xi32, #tpu.memory_space<vmem>>)
        tpu.yield
      }) : () -> ()
      %mul3A_12 = arith.constant 40 : i32
      %mul3A_13 = arith.muli %scan3A_9, %mul3A_12 : i32
      "tpu.region"() ({
        %run_scoped3A = tpu.sem_alloc : memref<!tpu.dma_semaphore, #tpu.memory_space<semaphore_mem>>
        %dma_start3A_32 = arith.constant 0 : i32
        %dma_start3A_33 = tpu.memref_slice %arg4[%add3A, %mul3A_13, %dma_start3A_32] : memref<32x80x128xi32, #tpu.memory_space<hbm>> -> memref<1x40x128xi32, #tpu.memory_space<hbm>>
        %dma_start3A_34 = tpu.memref_squeeze %dma_start3A_33 : memref<1x40x128xi32, #tpu.memory_space<hbm>> -> memref<40x128xi32, #tpu.memory_space<hbm>>
        %dma_start3A_35 = arith.constant 0 : i32
        %dma_start3A_36 = tpu.memref_slice %arg4[%add3A, %mul3A_13, %dma_start3A_35] : memref<32x80x128xi32, #tpu.memory_space<hbm>> -> memref<1x40x128xi32, #tpu.memory_space<hbm>>
        %dma_start3A_37 = tpu.memref_squeeze %dma_start3A_36 : memref<1x40x128xi32, #tpu.memory_space<hbm>> -> memref<40x128xi32, #tpu.memory_space<hbm>>
        tpu.enqueue_dma source(%dma_start3A_37 : memref<40x128xi32, #tpu.memory_space<hbm>>) target(%arg9 : memref<40x128xi32, #tpu.memory_space<vmem>>) target_semaphore(%run_scoped3A : memref<!tpu.dma_semaphore, #tpu.memory_space<semaphore_mem>>)
        %dma_wait3A = arith.constant 0 : i32
        %dma_wait3A_38 = tpu.memref_slice %arg4[%add3A, %mul3A_13, %dma_wait3A] : memref<32x80x128xi32, #tpu.memory_space<hbm>> -> memref<1x40x128xi32, #tpu.memory_space<hbm>>
        %dma_wait3A_39 = tpu.memref_squeeze %dma_wait3A_38 : memref<1x40x128xi32, #tpu.memory_space<hbm>> -> memref<40x128xi32, #tpu.memory_space<hbm>>
        %dma_wait3A_40 = arith.constant 0 : i32
        %dma_wait3A_41 = tpu.memref_slice %arg4[%add3A, %mul3A_13, %dma_wait3A_40] : memref<32x80x128xi32, #tpu.memory_space<hbm>> -> memref<1x40x128xi32, #tpu.memory_space<hbm>>
        %dma_wait3A_42 = tpu.memref_squeeze %dma_wait3A_41 : memref<1x40x128xi32, #tpu.memory_space<hbm>> -> memref<40x128xi32, #tpu.memory_space<hbm>>
        tpu.wait_dma2 semaphore(%run_scoped3A : memref<!tpu.dma_semaphore, #tpu.memory_space<semaphore_mem>>) src(%dma_wait3A_42 : memref<40x128xi32, #tpu.memory_space<hbm>>) dst(%arg9 : memref<40x128xi32, #tpu.memory_space<vmem>>)
        tpu.yield
      }) : () -> ()
      %dma_start3A = arith.constant 0 : i32
      %dma_start3A_14 = arith.constant 0 : i32
      %dma_start3A_15 = tpu.memref_slice %arg8[%dma_start3A, %dma_start3A_14] : memref<40x128xi32, #tpu.memory_space<vmem>> -> memref<1x128xi32, #tpu.memory_space<vmem>>
      %dma_start3A_16 = tpu.memref_squeeze %dma_start3A_15 : memref<1x128xi32, #tpu.memory_space<vmem>> -> memref<128xi32, #tpu.memory_space<vmem>>
      %dma_start3A_17 = arith.constant 0 : i32
      %dma_start3A_18 = arith.constant 0 : i32
      %dma_start3A_19 = tpu.memref_slice %arg2[%dma_start3A_17, %dma_start3A_18] : memref<10240x128xf32, #tpu.memory_space<hbm>> -> memref<10240x128xf32, #tpu.memory_space<hbm>>
      tpu.enqueue_indirect_dma source(%dma_start3A_19 : memref<10240x128xf32, #tpu.memory_space<hbm>>) target(%arg10 : memref<128x128xf32, #tpu.memory_space<vmem>>) offsets(%dma_start3A_16 : memref<128xi32, #tpu.memory_space<vmem>>) semaphore(%arg12 : memref<!tpu.dma_semaphore, #tpu.memory_space<semaphore_mem>>)
      %dma_start3A_20 = arith.constant 1 : i32
      %dma_start3A_21 = arith.constant 0 : i32
      %dma_start3A_22 = tpu.memref_slice %arg8[%dma_start3A_20, %dma_start3A_21] : memref<40x128xi32, #tpu.memory_space<vmem>> -> memref<1x128xi32, #tpu.memory_space<vmem>>
      %dma_start3A_23 = tpu.memref_squeeze %dma_start3A_22 : memref<1x128xi32, #tpu.memory_space<vmem>> -> memref<128xi32, #tpu.memory_space<vmem>>
      %dma_start3A_24 = arith.constant 0 : i32
      %dma_start3A_25 = arith.constant 0 : i32
      %dma_start3A_26 = tpu.memref_slice %arg2[%dma_start3A_24, %dma_start3A_25] : memref<10240x128xf32, #tpu.memory_space<hbm>> -> memref<10240x128xf32, #tpu.memory_space<hbm>>
      tpu.enqueue_indirect_dma source(%dma_start3A_26 : memref<10240x128xf32, #tpu.memory_space<hbm>>) target(%arg11 : memref<128x128xf32, #tpu.memory_space<vmem>>) offsets(%dma_start3A_23 : memref<128xi32, #tpu.memory_space<vmem>>) semaphore(%arg13 : memref<!tpu.dma_semaphore, #tpu.memory_space<semaphore_mem>>)
      %scan3A_27 = arith.constant 0 : i32
      %scan3A_28 = arith.constant 20 : i32
      %scan3A_29 = arith.addi %scan3A_27, %scan3A_28 : i32
      %scan3A_30 = arith.constant 1 : i32
      scf.for %scan3A_32 = %scan3A_27 to %scan3A_29 step %scan3A_30  : i32 {
        %mul3A_33 = arith.constant 2 : i32
        %mul3A_34 = arith.muli %mul3A_33, %scan3A_32 : i32
        %dma_wait3A = arith.constant 0 : i32
        %dma_wait3A_35 = tpu.memref_slice %arg8[%mul3A_34, %dma_wait3A] : memref<40x128xi32, #tpu.memory_space<vmem>> -> memref<1x128xi32, #tpu.memory_space<vmem>>
        %dma_wait3A_36 = tpu.memref_squeeze %dma_wait3A_35 : memref<1x128xi32, #tpu.memory_space<vmem>> -> memref<128xi32, #tpu.memory_space<vmem>>
        %dma_wait3A_37 = arith.constant 0 : i32
        %dma_wait3A_38 = arith.constant 0 : i32
        %dma_wait3A_39 = tpu.memref_slice %arg2[%dma_wait3A_37, %dma_wait3A_38] : memref<10240x128xf32, #tpu.memory_space<hbm>> -> memref<10240x128xf32, #tpu.memory_space<hbm>>
        tpu.wait_indirect_dma semaphore(%arg12 : memref<!tpu.dma_semaphore, #tpu.memory_space<semaphore_mem>>) src(%dma_wait3A_39 : memref<10240x128xf32, #tpu.memory_space<hbm>>) dst(%arg10 : memref<128x128xf32, #tpu.memory_space<vmem>>)
        "tpu.region"() ({
          %run_scoped3A = tpu.sem_alloc : memref<!tpu.dma_semaphore, #tpu.memory_space<semaphore_mem>>
          %dma_start3A_61 = arith.constant 0 : i32
          %dma_start3A_62 = tpu.memref_slice %arg9[%mul3A_34, %dma_start3A_61] : memref<40x128xi32, #tpu.memory_space<vmem>> -> memref<1x128xi32, #tpu.memory_space<vmem>>
          %dma_start3A_63 = tpu.memref_squeeze %dma_start3A_62 : memref<1x128xi32, #tpu.memory_space<vmem>> -> memref<128xi32, #tpu.memory_space<vmem>>
          %dma_start3A_64 = arith.constant 0 : i32
          %dma_start3A_65 = arith.constant 0 : i32
          %dma_start3A_66 = tpu.memref_slice %arg7[%dma_start3A_64, %dma_start3A_65] : memref<10240x128xf32, #tpu.memory_space<vmem_shared>> -> memref<10240x128xf32, #tpu.memory_space<vmem_shared>>
          tpu.enqueue_indirect_dma source(%arg10 : memref<128x128xf32, #tpu.memory_space<vmem>>) target(%dma_start3A_66 : memref<10240x128xf32, #tpu.memory_space<vmem_shared>>) offsets(%dma_start3A_63 : memref<128xi32, #tpu.memory_space<vmem>>) semaphore(%run_scoped3A : memref<!tpu.dma_semaphore, #tpu.memory_space<semaphore_mem>>) {add = true}
          %dma_wait3A_67 = arith.constant 0 : i32
          %dma_wait3A_68 = tpu.memref_slice %arg9[%mul3A_34, %dma_wait3A_67] : memref<40x128xi32, #tpu.memory_space<vmem>> -> memref<1x128xi32, #tpu.memory_space<vmem>>
          %dma_wait3A_69 = tpu.memref_squeeze %dma_wait3A_68 : memref<1x128xi32, #tpu.memory_space<vmem>> -> memref<128xi32, #tpu.memory_space<vmem>>
          %dma_wait3A_70 = arith.constant 0 : i32
          %dma_wait3A_71 = arith.constant 0 : i32
          %dma_wait3A_72 = tpu.memref_slice %arg7[%dma_wait3A_70, %dma_wait3A_71] : memref<10240x128xf32, #tpu.memory_space<vmem_shared>> -> memref<10240x128xf32, #tpu.memory_space<vmem_shared>>
          tpu.wait_indirect_dma semaphore(%run_scoped3A : memref<!tpu.dma_semaphore, #tpu.memory_space<semaphore_mem>>) src(%arg10 : memref<128x128xf32, #tpu.memory_space<vmem>>) dst(%dma_wait3A_72 : memref<10240x128xf32, #tpu.memory_space<vmem_shared>>)
          tpu.yield
        }) : () -> ()
        %add3A_40 = arith.constant 2 : i32
        %add3A_41 = arith.addi %mul3A_34, %add3A_40 : i32
        %lt3A = arith.constant 40 : i32
        %lt3A_42 = arith.cmpi slt, %add3A_41, %lt3A : i32
        %convert_element_type3A = arith.extui %lt3A_42 : i1 to i32
        %cond3A = arith.constant 0 : i32
        %cond3A_43 = arith.cmpi ne, %convert_element_type3A, %cond3A : i32
        scf.if %cond3A_43 {
          %add3A_61 = arith.constant 2 : i32
          %add3A_62 = arith.addi %mul3A_34, %add3A_61 : i32
          %dma_start3A_63 = arith.constant 0 : i32
          %dma_start3A_64 = tpu.memref_slice %arg8[%add3A_62, %dma_start3A_63] : memref<40x128xi32, #tpu.memory_space<vmem>> -> memref<1x128xi32, #tpu.memory_space<vmem>>
          %dma_start3A_65 = tpu.memref_squeeze %dma_start3A_64 : memref<1x128xi32, #tpu.memory_space<vmem>> -> memref<128xi32, #tpu.memory_space<vmem>>
          %dma_start3A_66 = arith.constant 0 : i32
          %dma_start3A_67 = arith.constant 0 : i32
          %dma_start3A_68 = tpu.memref_slice %arg2[%dma_start3A_66, %dma_start3A_67] : memref<10240x128xf32, #tpu.memory_space<hbm>> -> memref<10240x128xf32, #tpu.memory_space<hbm>>
          tpu.enqueue_indirect_dma source(%dma_start3A_68 : memref<10240x128xf32, #tpu.memory_space<hbm>>) target(%arg10 : memref<128x128xf32, #tpu.memory_space<vmem>>) offsets(%dma_start3A_65 : memref<128xi32, #tpu.memory_space<vmem>>) semaphore(%arg12 : memref<!tpu.dma_semaphore, #tpu.memory_space<semaphore_mem>>)
        } else {
        }
        %add3A_44 = arith.constant 1 : i32
        %add3A_45 = arith.addi %mul3A_34, %add3A_44 : i32
        %dma_wait3A_46 = arith.constant 0 : i32
        %dma_wait3A_47 = tpu.memref_slice %arg8[%add3A_45, %dma_wait3A_46] : memref<40x128xi32, #tpu.memory_space<vmem>> -> memref<1x128xi32, #tpu.memory_space<vmem>>
        %dma_wait3A_48 = tpu.memref_squeeze %dma_wait3A_47 : memref<1x128xi32, #tpu.memory_space<vmem>> -> memref<128xi32, #tpu.memory_space<vmem>>
        %dma_wait3A_49 = arith.constant 0 : i32
        %dma_wait3A_50 = arith.constant 0 : i32
        %dma_wait3A_51 = tpu.memref_slice %arg2[%dma_wait3A_49, %dma_wait3A_50] : memref<10240x128xf32, #tpu.memory_space<hbm>> -> memref<10240x128xf32, #tpu.memory_space<hbm>>
        tpu.wait_indirect_dma semaphore(%arg13 : memref<!tpu.dma_semaphore, #tpu.memory_space<semaphore_mem>>) src(%dma_wait3A_51 : memref<10240x128xf32, #tpu.memory_space<hbm>>) dst(%arg11 : memref<128x128xf32, #tpu.memory_space<vmem>>)
        %add3A_52 = arith.constant 1 : i32
        %add3A_53 = arith.addi %mul3A_34, %add3A_52 : i32
        "tpu.region"() ({
          %run_scoped3A = tpu.sem_alloc : memref<!tpu.dma_semaphore, #tpu.memory_space<semaphore_mem>>
          %dma_start3A_61 = arith.constant 0 : i32
          %dma_start3A_62 = tpu.memref_slice %arg9[%add3A_53, %dma_start3A_61] : memref<40x128xi32, #tpu.memory_space<vmem>> -> memref<1x128xi32, #tpu.memory_space<vmem>>
          %dma_start3A_63 = tpu.memref_squeeze %dma_start3A_62 : memref<1x128xi32, #tpu.memory_space<vmem>> -> memref<128xi32, #tpu.memory_space<vmem>>
          %dma_start3A_64 = arith.constant 0 : i32
          %dma_start3A_65 = arith.constant 0 : i32
          %dma_start3A_66 = tpu.memref_slice %arg7[%dma_start3A_64, %dma_start3A_65] : memref<10240x128xf32, #tpu.memory_space<vmem_shared>> -> memref<10240x128xf32, #tpu.memory_space<vmem_shared>>
          tpu.enqueue_indirect_dma source(%arg11 : memref<128x128xf32, #tpu.memory_space<vmem>>) target(%dma_start3A_66 : memref<10240x128xf32, #tpu.memory_space<vmem_shared>>) offsets(%dma_start3A_63 : memref<128xi32, #tpu.memory_space<vmem>>) semaphore(%run_scoped3A : memref<!tpu.dma_semaphore, #tpu.memory_space<semaphore_mem>>) {add = true}
          %dma_wait3A_67 = arith.constant 0 : i32
          %dma_wait3A_68 = tpu.memref_slice %arg9[%add3A_53, %dma_wait3A_67] : memref<40x128xi32, #tpu.memory_space<vmem>> -> memref<1x128xi32, #tpu.memory_space<vmem>>
          %dma_wait3A_69 = tpu.memref_squeeze %dma_wait3A_68 : memref<1x128xi32, #tpu.memory_space<vmem>> -> memref<128xi32, #tpu.memory_space<vmem>>
          %dma_wait3A_70 = arith.constant 0 : i32
          %dma_wait3A_71 = arith.constant 0 : i32
          %dma_wait3A_72 = tpu.memref_slice %arg7[%dma_wait3A_70, %dma_wait3A_71] : memref<10240x128xf32, #tpu.memory_space<vmem_shared>> -> memref<10240x128xf32, #tpu.memory_space<vmem_shared>>
          tpu.wait_indirect_dma semaphore(%run_scoped3A : memref<!tpu.dma_semaphore, #tpu.memory_space<semaphore_mem>>) src(%arg11 : memref<128x128xf32, #tpu.memory_space<vmem>>) dst(%dma_wait3A_72 : memref<10240x128xf32, #tpu.memory_space<vmem_shared>>)
          tpu.yield
        }) : () -> ()
        %add3A_54 = arith.constant 3 : i32
        %add3A_55 = arith.addi %mul3A_34, %add3A_54 : i32
        %lt3A_56 = arith.constant 40 : i32
        %lt3A_57 = arith.cmpi slt, %add3A_55, %lt3A_56 : i32
        %convert_element_type3A_58 = arith.extui %lt3A_57 : i1 to i32
        %cond3A_59 = arith.constant 0 : i32
        %cond3A_60 = arith.cmpi ne, %convert_element_type3A_58, %cond3A_59 : i32
        scf.if %cond3A_60 {
          %add3A_61 = arith.constant 3 : i32
          %add3A_62 = arith.addi %mul3A_34, %add3A_61 : i32
          %dma_start3A_63 = arith.constant 0 : i32
          %dma_start3A_64 = tpu.memref_slice %arg8[%add3A_62, %dma_start3A_63] : memref<40x128xi32, #tpu.memory_space<vmem>> -> memref<1x128xi32, #tpu.memory_space<vmem>>
          %dma_start3A_65 = tpu.memref_squeeze %dma_start3A_64 : memref<1x128xi32, #tpu.memory_space<vmem>> -> memref<128xi32, #tpu.memory_space<vmem>>
          %dma_start3A_66 = arith.constant 0 : i32
          %dma_start3A_67 = arith.constant 0 : i32
          %dma_start3A_68 = tpu.memref_slice %arg2[%dma_start3A_66, %dma_start3A_67] : memref<10240x128xf32, #tpu.memory_space<hbm>> -> memref<10240x128xf32, #tpu.memory_space<hbm>>
          tpu.enqueue_indirect_dma source(%dma_start3A_68 : memref<10240x128xf32, #tpu.memory_space<hbm>>) target(%arg11 : memref<128x128xf32, #tpu.memory_space<vmem>>) offsets(%dma_start3A_65 : memref<128xi32, #tpu.memory_space<vmem>>) semaphore(%arg13 : memref<!tpu.dma_semaphore, #tpu.memory_space<semaphore_mem>>)
        } else {
        }
      }
      %scan3A_31 = arith.constant 20 : i32
    }
    %scan3A_7 = arith.constant 2 : i32
    %barrier3A_8 = arith.constant 0 : index
    tpu.barrier barrier_id(%barrier3A_8)
    "tpu.region"() ({
      %run_scoped3A = tpu.sem_alloc : memref<!tpu.dma_semaphore, #tpu.memory_space<semaphore_mem>>
      %dma_start3A = arith.constant 0 : i32
      %dma_start3A_9 = tpu.memref_slice %arg6[%arg0, %mul3A_2, %dma_start3A] : memref<2x10240x128xf32, #tpu.memory_space<hbm>> -> memref<1x640x128xf32, #tpu.memory_space<hbm>>
      %dma_start3A_10 = tpu.memref_squeeze %dma_start3A_9 : memref<1x640x128xf32, #tpu.memory_space<hbm>> -> memref<640x128xf32, #tpu.memory_space<hbm>>
      %dma_start3A_11 = arith.constant 0 : i32
      %dma_start3A_12 = tpu.memref_slice %arg7[%mul3A_2, %dma_start3A_11] : memref<10240x128xf32, #tpu.memory_space<vmem_shared>> -> memref<640x128xf32, #tpu.memory_space<vmem_shared>>
      tpu.enqueue_dma source(%dma_start3A_12 : memref<640x128xf32, #tpu.memory_space<vmem_shared>>) target(%dma_start3A_10 : memref<640x128xf32, #tpu.memory_space<hbm>>) target_semaphore(%run_scoped3A : memref<!tpu.dma_semaphore, #tpu.memory_space<semaphore_mem>>)
      %dma_wait3A = arith.constant 0 : i32
      %dma_wait3A_13 = tpu.memref_slice %arg6[%arg0, %mul3A_2, %dma_wait3A] : memref<2x10240x128xf32, #tpu.memory_space<hbm>> -> memref<1x640x128xf32, #tpu.memory_space<hbm>>
      %dma_wait3A_14 = tpu.memref_squeeze %dma_wait3A_13 : memref<1x640x128xf32, #tpu.memory_space<hbm>> -> memref<640x128xf32, #tpu.memory_space<hbm>>
      %dma_wait3A_15 = arith.constant 0 : i32
      %dma_wait3A_16 = tpu.memref_slice %arg7[%mul3A_2, %dma_wait3A_15] : memref<10240x128xf32, #tpu.memory_space<vmem_shared>> -> memref<640x128xf32, #tpu.memory_space<vmem_shared>>
      tpu.wait_dma2 semaphore(%run_scoped3A : memref<!tpu.dma_semaphore, #tpu.memory_space<semaphore_mem>>) src(%dma_wait3A_16 : memref<640x128xf32, #tpu.memory_space<vmem_shared>>) dst(%dma_wait3A_14 : memref<640x128xf32, #tpu.memory_space<hbm>>)
      tpu.yield
    }) : () -> ()
    return
  }
}

#map = affine_map<(d0, d1) -> (0, 0)>
#map1 = affine_map<(d0, d1) -> (0, 0, 0)>
module attributes {stable_mosaic.version = 14 : i64} {
  func.func @agg_kernel(%arg0: i32, %arg1: i32, %arg2: memref<10240x128xf32, #tpu.memory_space<hbm>>, %arg3: memref<32x80x128xi32, #tpu.memory_space<hbm>>, %arg4: memref<32x80x128xi32, #tpu.memory_space<hbm>>, %arg5: memref<10240x128xf32, #tpu.memory_space<hbm>>, %arg6: memref<2x10240x128xf32, #tpu.memory_space<hbm>>, %arg7: memref<10240x128xf32, #tpu.memory_space<vmem_shared>>, %arg8: memref<40x128xi32, #tpu.memory_space<vmem>>, %arg9: memref<40x128xi32, #tpu.memory_space<vmem>>, %arg10: memref<128x128xf32, #tpu.memory_space<vmem>>, %arg11: memref<128x128xf32, #tpu.memory_space<vmem>>, %arg12: memref<!tpu.dma_semaphore, #tpu.memory_space<semaphore_mem>>, %arg13: memref<!tpu.dma_semaphore, #tpu.memory_space<semaphore_mem>>) attributes {dimension_semantics = [#tpu.dimension_semantics<core_parallel>, #tpu.dimension_semantics<subcore_parallel>], iteration_bounds = array<i64: 2, 16>, scalar_prefetch = 0 : i64, scratch_operands = 7 : i64, tpu.core_type = #tpu.core_type<sc_vector_subcore>, window_params = [{transform_indices = #map}, {transform_indices = #map1}, {transform_indices = #map1}, {transform_indices = #map}, {transform_indices = #map1}]} {
    %mul3A = arith.constant 2 : i32
    %mul3A_0 = arith.muli %arg1, %mul3A : i32
    %add3A = arith.addi %mul3A_0, %arg0 : i32
    %mul3A_1 = arith.constant 640 : i32
    %mul3A_2 = arith.muli %arg1, %mul3A_1 : i32
    "tpu.region"() ({
      %run_scoped3A = tpu.sem_alloc : memref<!tpu.dma_semaphore, #tpu.memory_space<semaphore_mem>>
      %dma_start3A = arith.constant 0 : i32
      %dma_start3A_9 = tpu.memref_slice %arg7[%mul3A_2, %dma_start3A] : memref<10240x128xf32, #tpu.memory_space<vmem_shared>> -> memref<640x128xf32, #tpu.memory_space<vmem_shared>>
      %dma_start3A_10 = arith.constant 0 : i32
      %dma_start3A_11 = tpu.memref_slice %arg5[%mul3A_2, %dma_start3A_10] : memref<10240x128xf32, #tpu.memory_space<hbm>> -> memref<640x128xf32, #tpu.memory_space<hbm>>
      tpu.enqueue_dma source(%dma_start3A_11 : memref<640x128xf32, #tpu.memory_space<hbm>>) target(%dma_start3A_9 : memref<640x128xf32, #tpu.memory_space<vmem_shared>>) target_semaphore(%run_scoped3A : memref<!tpu.dma_semaphore, #tpu.memory_space<semaphore_mem>>)
      %dma_wait3A = arith.constant 0 : i32
      %dma_wait3A_12 = tpu.memref_slice %arg7[%mul3A_2, %dma_wait3A] : memref<10240x128xf32, #tpu.memory_space<vmem_shared>> -> memref<640x128xf32, #tpu.memory_space<vmem_shared>>
      %dma_wait3A_13 = arith.constant 0 : i32
      %dma_wait3A_14 = tpu.memref_slice %arg5[%mul3A_2, %dma_wait3A_13] : memref<10240x128xf32, #tpu.memory_space<hbm>> -> memref<640x128xf32, #tpu.memory_space<hbm>>
      tpu.wait_dma2 semaphore(%run_scoped3A : memref<!tpu.dma_semaphore, #tpu.memory_space<semaphore_mem>>) src(%dma_wait3A_14 : memref<640x128xf32, #tpu.memory_space<hbm>>) dst(%dma_wait3A_12 : memref<640x128xf32, #tpu.memory_space<vmem_shared>>)
      tpu.yield
    }) : () -> ()
    %barrier3A = arith.constant 0 : index
    tpu.barrier barrier_id(%barrier3A)
    %scan3A = arith.constant 0 : i32
    %scan3A_3 = arith.constant 0 : i32
    %scan3A_4 = arith.constant 2 : i32
    %scan3A_5 = arith.addi %scan3A_3, %scan3A_4 : i32
    %scan3A_6 = arith.constant 1 : i32
    scf.for %scan3A_9 = %scan3A_3 to %scan3A_5 step %scan3A_6  : i32 {
      %mul3A_10 = arith.constant 40 : i32
      %mul3A_11 = arith.muli %scan3A_9, %mul3A_10 : i32
      "tpu.region"() ({
        %run_scoped3A = tpu.sem_alloc : memref<!tpu.dma_semaphore, #tpu.memory_space<semaphore_mem>>
        %dma_start3A_32 = arith.constant 0 : i32
        %dma_start3A_33 = tpu.memref_slice %arg3[%add3A, %mul3A_11, %dma_start3A_32] : memref<32x80x128xi32, #tpu.memory_space<hbm>> -> memref<1x40x128xi32, #tpu.memory_space<hbm>>
        %dma_start3A_34 = tpu.memref_squeeze %dma_start3A_33 : memref<1x40x128xi32, #tpu.memory_space<hbm>> -> memref<40x128xi32, #tpu.memory_space<hbm>>
        %dma_start3A_35 = arith.constant 0 : i32
        %dma_start3A_36 = tpu.memref_slice %arg3[%add3A, %mul3A_11, %dma_start3A_35] : memref<32x80x128xi32, #tpu.memory_space<hbm>> -> memref<1x40x128xi32, #tpu.memory_space<hbm>>
        %dma_start3A_37 = tpu.memref_squeeze %dma_start3A_36 : memref<1x40x128xi32, #tpu.memory_space<hbm>> -> memref<40x128xi32, #tpu.memory_space<hbm>>
        tpu.enqueue_dma source(%dma_start3A_37 : memref<40x128xi32, #tpu.memory_space<hbm>>) target(%arg8 : memref<40x128xi32, #tpu.memory_space<vmem>>) target_semaphore(%run_scoped3A : memref<!tpu.dma_semaphore, #tpu.memory_space<semaphore_mem>>)
        %dma_wait3A = arith.constant 0 : i32
        %dma_wait3A_38 = tpu.memref_slice %arg3[%add3A, %mul3A_11, %dma_wait3A] : memref<32x80x128xi32, #tpu.memory_space<hbm>> -> memref<1x40x128xi32, #tpu.memory_space<hbm>>
        %dma_wait3A_39 = tpu.memref_squeeze %dma_wait3A_38 : memref<1x40x128xi32, #tpu.memory_space<hbm>> -> memref<40x128xi32, #tpu.memory_space<hbm>>
        %dma_wait3A_40 = arith.constant 0 : i32
        %dma_wait3A_41 = tpu.memref_slice %arg3[%add3A, %mul3A_11, %dma_wait3A_40] : memref<32x80x128xi32, #tpu.memory_space<hbm>> -> memref<1x40x128xi32, #tpu.memory_space<hbm>>
        %dma_wait3A_42 = tpu.memref_squeeze %dma_wait3A_41 : memref<1x40x128xi32, #tpu.memory_space<hbm>> -> memref<40x128xi32, #tpu.memory_space<hbm>>
        tpu.wait_dma2 semaphore(%run_scoped3A : memref<!tpu.dma_semaphore, #tpu.memory_space<semaphore_mem>>) src(%dma_wait3A_42 : memref<40x128xi32, #tpu.memory_space<hbm>>) dst(%arg8 : memref<40x128xi32, #tpu.memory_space<vmem>>)
        tpu.yield
      }) : () -> ()
      %mul3A_12 = arith.constant 40 : i32
      %mul3A_13 = arith.muli %scan3A_9, %mul3A_12 : i32
      "tpu.region"() ({
        %run_scoped3A = tpu.sem_alloc : memref<!tpu.dma_semaphore, #tpu.memory_space<semaphore_mem>>
        %dma_start3A_32 = arith.constant 0 : i32
        %dma_start3A_33 = tpu.memref_slice %arg4[%add3A, %mul3A_13, %dma_start3A_32] : memref<32x80x128xi32, #tpu.memory_space<hbm>> -> memref<1x40x128xi32, #tpu.memory_space<hbm>>
        %dma_start3A_34 = tpu.memref_squeeze %dma_start3A_33 : memref<1x40x128xi32, #tpu.memory_space<hbm>> -> memref<40x128xi32, #tpu.memory_space<hbm>>
        %dma_start3A_35 = arith.constant 0 : i32
        %dma_start3A_36 = tpu.memref_slice %arg4[%add3A, %mul3A_13, %dma_start3A_35] : memref<32x80x128xi32, #tpu.memory_space<hbm>> -> memref<1x40x128xi32, #tpu.memory_space<hbm>>
        %dma_start3A_37 = tpu.memref_squeeze %dma_start3A_36 : memref<1x40x128xi32, #tpu.memory_space<hbm>> -> memref<40x128xi32, #tpu.memory_space<hbm>>
        tpu.enqueue_dma source(%dma_start3A_37 : memref<40x128xi32, #tpu.memory_space<hbm>>) target(%arg9 : memref<40x128xi32, #tpu.memory_space<vmem>>) target_semaphore(%run_scoped3A : memref<!tpu.dma_semaphore, #tpu.memory_space<semaphore_mem>>)
        %dma_wait3A = arith.constant 0 : i32
        %dma_wait3A_38 = tpu.memref_slice %arg4[%add3A, %mul3A_13, %dma_wait3A] : memref<32x80x128xi32, #tpu.memory_space<hbm>> -> memref<1x40x128xi32, #tpu.memory_space<hbm>>
        %dma_wait3A_39 = tpu.memref_squeeze %dma_wait3A_38 : memref<1x40x128xi32, #tpu.memory_space<hbm>> -> memref<40x128xi32, #tpu.memory_space<hbm>>
        %dma_wait3A_40 = arith.constant 0 : i32
        %dma_wait3A_41 = tpu.memref_slice %arg4[%add3A, %mul3A_13, %dma_wait3A_40] : memref<32x80x128xi32, #tpu.memory_space<hbm>> -> memref<1x40x128xi32, #tpu.memory_space<hbm>>
        %dma_wait3A_42 = tpu.memref_squeeze %dma_wait3A_41 : memref<1x40x128xi32, #tpu.memory_space<hbm>> -> memref<40x128xi32, #tpu.memory_space<hbm>>
        tpu.wait_dma2 semaphore(%run_scoped3A : memref<!tpu.dma_semaphore, #tpu.memory_space<semaphore_mem>>) src(%dma_wait3A_42 : memref<40x128xi32, #tpu.memory_space<hbm>>) dst(%arg9 : memref<40x128xi32, #tpu.memory_space<vmem>>)
        tpu.yield
      }) : () -> ()
      %dma_start3A = arith.constant 0 : i32
      %dma_start3A_14 = arith.constant 0 : i32
      %dma_start3A_15 = tpu.memref_slice %arg8[%dma_start3A, %dma_start3A_14] : memref<40x128xi32, #tpu.memory_space<vmem>> -> memref<1x128xi32, #tpu.memory_space<vmem>>
      %dma_start3A_16 = tpu.memref_squeeze %dma_start3A_15 : memref<1x128xi32, #tpu.memory_space<vmem>> -> memref<128xi32, #tpu.memory_space<vmem>>
      %dma_start3A_17 = arith.constant 0 : i32
      %dma_start3A_18 = arith.constant 0 : i32
      %dma_start3A_19 = tpu.memref_slice %arg2[%dma_start3A_17, %dma_start3A_18] : memref<10240x128xf32, #tpu.memory_space<hbm>> -> memref<10240x128xf32, #tpu.memory_space<hbm>>
      tpu.enqueue_indirect_dma source(%dma_start3A_19 : memref<10240x128xf32, #tpu.memory_space<hbm>>) target(%arg10 : memref<128x128xf32, #tpu.memory_space<vmem>>) offsets(%dma_start3A_16 : memref<128xi32, #tpu.memory_space<vmem>>) semaphore(%arg12 : memref<!tpu.dma_semaphore, #tpu.memory_space<semaphore_mem>>)
      %dma_start3A_20 = arith.constant 1 : i32
      %dma_start3A_21 = arith.constant 0 : i32
      %dma_start3A_22 = tpu.memref_slice %arg8[%dma_start3A_20, %dma_start3A_21] : memref<40x128xi32, #tpu.memory_space<vmem>> -> memref<1x128xi32, #tpu.memory_space<vmem>>
      %dma_start3A_23 = tpu.memref_squeeze %dma_start3A_22 : memref<1x128xi32, #tpu.memory_space<vmem>> -> memref<128xi32, #tpu.memory_space<vmem>>
      %dma_start3A_24 = arith.constant 0 : i32
      %dma_start3A_25 = arith.constant 0 : i32
      %dma_start3A_26 = tpu.memref_slice %arg2[%dma_start3A_24, %dma_start3A_25] : memref<10240x128xf32, #tpu.memory_space<hbm>> -> memref<10240x128xf32, #tpu.memory_space<hbm>>
      tpu.enqueue_indirect_dma source(%dma_start3A_26 : memref<10240x128xf32, #tpu.memory_space<hbm>>) target(%arg11 : memref<128x128xf32, #tpu.memory_space<vmem>>) offsets(%dma_start3A_23 : memref<128xi32, #tpu.memory_space<vmem>>) semaphore(%arg13 : memref<!tpu.dma_semaphore, #tpu.memory_space<semaphore_mem>>)
      %scan3A_27 = arith.constant 0 : i32
      %scan3A_28 = arith.constant 20 : i32
      %scan3A_29 = arith.addi %scan3A_27, %scan3A_28 : i32
      %scan3A_30 = arith.constant 1 : i32
      scf.for %scan3A_32 = %scan3A_27 to %scan3A_29 step %scan3A_30  : i32 {
        %mul3A_33 = arith.constant 2 : i32
        %mul3A_34 = arith.muli %mul3A_33, %scan3A_32 : i32
        %dma_wait3A = arith.constant 0 : i32
        %dma_wait3A_35 = tpu.memref_slice %arg8[%mul3A_34, %dma_wait3A] : memref<40x128xi32, #tpu.memory_space<vmem>> -> memref<1x128xi32, #tpu.memory_space<vmem>>
        %dma_wait3A_36 = tpu.memref_squeeze %dma_wait3A_35 : memref<1x128xi32, #tpu.memory_space<vmem>> -> memref<128xi32, #tpu.memory_space<vmem>>
        %dma_wait3A_37 = arith.constant 0 : i32
        %dma_wait3A_38 = arith.constant 0 : i32
        %dma_wait3A_39 = tpu.memref_slice %arg2[%dma_wait3A_37, %dma_wait3A_38] : memref<10240x128xf32, #tpu.memory_space<hbm>> -> memref<10240x128xf32, #tpu.memory_space<hbm>>
        tpu.wait_indirect_dma semaphore(%arg12 : memref<!tpu.dma_semaphore, #tpu.memory_space<semaphore_mem>>) src(%dma_wait3A_39 : memref<10240x128xf32, #tpu.memory_space<hbm>>) dst(%arg10 : memref<128x128xf32, #tpu.memory_space<vmem>>)
        "tpu.region"() ({
          %run_scoped3A = tpu.sem_alloc : memref<!tpu.dma_semaphore, #tpu.memory_space<semaphore_mem>>
          %dma_start3A_61 = arith.constant 0 : i32
          %dma_start3A_62 = tpu.memref_slice %arg9[%mul3A_34, %dma_start3A_61] : memref<40x128xi32, #tpu.memory_space<vmem>> -> memref<1x128xi32, #tpu.memory_space<vmem>>
          %dma_start3A_63 = tpu.memref_squeeze %dma_start3A_62 : memref<1x128xi32, #tpu.memory_space<vmem>> -> memref<128xi32, #tpu.memory_space<vmem>>
          %dma_start3A_64 = arith.constant 0 : i32
          %dma_start3A_65 = arith.constant 0 : i32
          %dma_start3A_66 = tpu.memref_slice %arg7[%dma_start3A_64, %dma_start3A_65] : memref<10240x128xf32, #tpu.memory_space<vmem_shared>> -> memref<10240x128xf32, #tpu.memory_space<vmem_shared>>
          tpu.enqueue_indirect_dma source(%arg10 : memref<128x128xf32, #tpu.memory_space<vmem>>) target(%dma_start3A_66 : memref<10240x128xf32, #tpu.memory_space<vmem_shared>>) offsets(%dma_start3A_63 : memref<128xi32, #tpu.memory_space<vmem>>) semaphore(%run_scoped3A : memref<!tpu.dma_semaphore, #tpu.memory_space<semaphore_mem>>) {add = true}
          %dma_wait3A_67 = arith.constant 0 : i32
          %dma_wait3A_68 = tpu.memref_slice %arg9[%mul3A_34, %dma_wait3A_67] : memref<40x128xi32, #tpu.memory_space<vmem>> -> memref<1x128xi32, #tpu.memory_space<vmem>>
          %dma_wait3A_69 = tpu.memref_squeeze %dma_wait3A_68 : memref<1x128xi32, #tpu.memory_space<vmem>> -> memref<128xi32, #tpu.memory_space<vmem>>
          %dma_wait3A_70 = arith.constant 0 : i32
          %dma_wait3A_71 = arith.constant 0 : i32
          %dma_wait3A_72 = tpu.memref_slice %arg7[%dma_wait3A_70, %dma_wait3A_71] : memref<10240x128xf32, #tpu.memory_space<vmem_shared>> -> memref<10240x128xf32, #tpu.memory_space<vmem_shared>>
          tpu.wait_indirect_dma semaphore(%run_scoped3A : memref<!tpu.dma_semaphore, #tpu.memory_space<semaphore_mem>>) src(%arg10 : memref<128x128xf32, #tpu.memory_space<vmem>>) dst(%dma_wait3A_72 : memref<10240x128xf32, #tpu.memory_space<vmem_shared>>)
          tpu.yield
        }) : () -> ()
        %add3A_40 = arith.constant 2 : i32
        %add3A_41 = arith.addi %mul3A_34, %add3A_40 : i32
        %lt3A = arith.constant 40 : i32
        %lt3A_42 = arith.cmpi slt, %add3A_41, %lt3A : i32
        %convert_element_type3A = arith.extui %lt3A_42 : i1 to i32
        %cond3A = arith.constant 0 : i32
        %cond3A_43 = arith.cmpi ne, %convert_element_type3A, %cond3A : i32
        scf.if %cond3A_43 {
          %add3A_61 = arith.constant 2 : i32
          %add3A_62 = arith.addi %mul3A_34, %add3A_61 : i32
          %dma_start3A_63 = arith.constant 0 : i32
          %dma_start3A_64 = tpu.memref_slice %arg8[%add3A_62, %dma_start3A_63] : memref<40x128xi32, #tpu.memory_space<vmem>> -> memref<1x128xi32, #tpu.memory_space<vmem>>
          %dma_start3A_65 = tpu.memref_squeeze %dma_start3A_64 : memref<1x128xi32, #tpu.memory_space<vmem>> -> memref<128xi32, #tpu.memory_space<vmem>>
          %dma_start3A_66 = arith.constant 0 : i32
          %dma_start3A_67 = arith.constant 0 : i32
          %dma_start3A_68 = tpu.memref_slice %arg2[%dma_start3A_66, %dma_start3A_67] : memref<10240x128xf32, #tpu.memory_space<hbm>> -> memref<10240x128xf32, #tpu.memory_space<hbm>>
          tpu.enqueue_indirect_dma source(%dma_start3A_68 : memref<10240x128xf32, #tpu.memory_space<hbm>>) target(%arg10 : memref<128x128xf32, #tpu.memory_space<vmem>>) offsets(%dma_start3A_65 : memref<128xi32, #tpu.memory_space<vmem>>) semaphore(%arg12 : memref<!tpu.dma_semaphore, #tpu.memory_space<semaphore_mem>>)
        } else {
        }
        %add3A_44 = arith.constant 1 : i32
        %add3A_45 = arith.addi %mul3A_34, %add3A_44 : i32
        %dma_wait3A_46 = arith.constant 0 : i32
        %dma_wait3A_47 = tpu.memref_slice %arg8[%add3A_45, %dma_wait3A_46] : memref<40x128xi32, #tpu.memory_space<vmem>> -> memref<1x128xi32, #tpu.memory_space<vmem>>
        %dma_wait3A_48 = tpu.memref_squeeze %dma_wait3A_47 : memref<1x128xi32, #tpu.memory_space<vmem>> -> memref<128xi32, #tpu.memory_space<vmem>>
        %dma_wait3A_49 = arith.constant 0 : i32
        %dma_wait3A_50 = arith.constant 0 : i32
        %dma_wait3A_51 = tpu.memref_slice %arg2[%dma_wait3A_49, %dma_wait3A_50] : memref<10240x128xf32, #tpu.memory_space<hbm>> -> memref<10240x128xf32, #tpu.memory_space<hbm>>
        tpu.wait_indirect_dma semaphore(%arg13 : memref<!tpu.dma_semaphore, #tpu.memory_space<semaphore_mem>>) src(%dma_wait3A_51 : memref<10240x128xf32, #tpu.memory_space<hbm>>) dst(%arg11 : memref<128x128xf32, #tpu.memory_space<vmem>>)
        %add3A_52 = arith.constant 1 : i32
        %add3A_53 = arith.addi %mul3A_34, %add3A_52 : i32
        "tpu.region"() ({
          %run_scoped3A = tpu.sem_alloc : memref<!tpu.dma_semaphore, #tpu.memory_space<semaphore_mem>>
          %dma_start3A_61 = arith.constant 0 : i32
          %dma_start3A_62 = tpu.memref_slice %arg9[%add3A_53, %dma_start3A_61] : memref<40x128xi32, #tpu.memory_space<vmem>> -> memref<1x128xi32, #tpu.memory_space<vmem>>
          %dma_start3A_63 = tpu.memref_squeeze %dma_start3A_62 : memref<1x128xi32, #tpu.memory_space<vmem>> -> memref<128xi32, #tpu.memory_space<vmem>>
          %dma_start3A_64 = arith.constant 0 : i32
          %dma_start3A_65 = arith.constant 0 : i32
          %dma_start3A_66 = tpu.memref_slice %arg7[%dma_start3A_64, %dma_start3A_65] : memref<10240x128xf32, #tpu.memory_space<vmem_shared>> -> memref<10240x128xf32, #tpu.memory_space<vmem_shared>>
          tpu.enqueue_indirect_dma source(%arg11 : memref<128x128xf32, #tpu.memory_space<vmem>>) target(%dma_start3A_66 : memref<10240x128xf32, #tpu.memory_space<vmem_shared>>) offsets(%dma_start3A_63 : memref<128xi32, #tpu.memory_space<vmem>>) semaphore(%run_scoped3A : memref<!tpu.dma_semaphore, #tpu.memory_space<semaphore_mem>>) {add = true}
          %dma_wait3A_67 = arith.constant 0 : i32
          %dma_wait3A_68 = tpu.memref_slice %arg9[%add3A_53, %dma_wait3A_67] : memref<40x128xi32, #tpu.memory_space<vmem>> -> memref<1x128xi32, #tpu.memory_space<vmem>>
          %dma_wait3A_69 = tpu.memref_squeeze %dma_wait3A_68 : memref<1x128xi32, #tpu.memory_space<vmem>> -> memref<128xi32, #tpu.memory_space<vmem>>
          %dma_wait3A_70 = arith.constant 0 : i32
          %dma_wait3A_71 = arith.constant 0 : i32
          %dma_wait3A_72 = tpu.memref_slice %arg7[%dma_wait3A_70, %dma_wait3A_71] : memref<10240x128xf32, #tpu.memory_space<vmem_shared>> -> memref<10240x128xf32, #tpu.memory_space<vmem_shared>>
          tpu.wait_indirect_dma semaphore(%run_scoped3A : memref<!tpu.dma_semaphore, #tpu.memory_space<semaphore_mem>>) src(%arg11 : memref<128x128xf32, #tpu.memory_space<vmem>>) dst(%dma_wait3A_72 : memref<10240x128xf32, #tpu.memory_space<vmem_shared>>)
          tpu.yield
        }) : () -> ()
        %add3A_54 = arith.constant 3 : i32
        %add3A_55 = arith.addi %mul3A_34, %add3A_54 : i32
        %lt3A_56 = arith.constant 40 : i32
        %lt3A_57 = arith.cmpi slt, %add3A_55, %lt3A_56 : i32
        %convert_element_type3A_58 = arith.extui %lt3A_57 : i1 to i32
        %cond3A_59 = arith.constant 0 : i32
        %cond3A_60 = arith.cmpi ne, %convert_element_type3A_58, %cond3A_59 : i32
        scf.if %cond3A_60 {
          %add3A_61 = arith.constant 3 : i32
          %add3A_62 = arith.addi %mul3A_34, %add3A_61 : i32
          %dma_start3A_63 = arith.constant 0 : i32
          %dma_start3A_64 = tpu.memref_slice %arg8[%add3A_62, %dma_start3A_63] : memref<40x128xi32, #tpu.memory_space<vmem>> -> memref<1x128xi32, #tpu.memory_space<vmem>>
          %dma_start3A_65 = tpu.memref_squeeze %dma_start3A_64 : memref<1x128xi32, #tpu.memory_space<vmem>> -> memref<128xi32, #tpu.memory_space<vmem>>
          %dma_start3A_66 = arith.constant 0 : i32
          %dma_start3A_67 = arith.constant 0 : i32
          %dma_start3A_68 = tpu.memref_slice %arg2[%dma_start3A_66, %dma_start3A_67] : memref<10240x128xf32, #tpu.memory_space<hbm>> -> memref<10240x128xf32, #tpu.memory_space<hbm>>
          tpu.enqueue_indirect_dma source(%dma_start3A_68 : memref<10240x128xf32, #tpu.memory_space<hbm>>) target(%arg11 : memref<128x128xf32, #tpu.memory_space<vmem>>) offsets(%dma_start3A_65 : memref<128xi32, #tpu.memory_space<vmem>>) semaphore(%arg13 : memref<!tpu.dma_semaphore, #tpu.memory_space<semaphore_mem>>)
        } else {
        }
      }
      %scan3A_31 = arith.constant 20 : i32
    }
    %scan3A_7 = arith.constant 2 : i32
    %barrier3A_8 = arith.constant 0 : index
    tpu.barrier barrier_id(%barrier3A_8)
    "tpu.region"() ({
      %run_scoped3A = tpu.sem_alloc : memref<!tpu.dma_semaphore, #tpu.memory_space<semaphore_mem>>
      %dma_start3A = arith.constant 0 : i32
      %dma_start3A_9 = tpu.memref_slice %arg6[%arg0, %mul3A_2, %dma_start3A] : memref<2x10240x128xf32, #tpu.memory_space<hbm>> -> memref<1x640x128xf32, #tpu.memory_space<hbm>>
      %dma_start3A_10 = tpu.memref_squeeze %dma_start3A_9 : memref<1x640x128xf32, #tpu.memory_space<hbm>> -> memref<640x128xf32, #tpu.memory_space<hbm>>
      %dma_start3A_11 = arith.constant 0 : i32
      %dma_start3A_12 = tpu.memref_slice %arg7[%mul3A_2, %dma_start3A_11] : memref<10240x128xf32, #tpu.memory_space<vmem_shared>> -> memref<640x128xf32, #tpu.memory_space<vmem_shared>>
      tpu.enqueue_dma source(%dma_start3A_12 : memref<640x128xf32, #tpu.memory_space<vmem_shared>>) target(%dma_start3A_10 : memref<640x128xf32, #tpu.memory_space<hbm>>) target_semaphore(%run_scoped3A : memref<!tpu.dma_semaphore, #tpu.memory_space<semaphore_mem>>)
      %dma_wait3A = arith.constant 0 : i32
      %dma_wait3A_13 = tpu.memref_slice %arg6[%arg0, %mul3A_2, %dma_wait3A] : memref<2x10240x128xf32, #tpu.memory_space<hbm>> -> memref<1x640x128xf32, #tpu.memory_space<hbm>>
      %dma_wait3A_14 = tpu.memref_squeeze %dma_wait3A_13 : memref<1x640x128xf32, #tpu.memory_space<hbm>> -> memref<640x128xf32, #tpu.memory_space<hbm>>
      %dma_wait3A_15 = arith.constant 0 : i32
      %dma_wait3A_16 = tpu.memref_slice %arg7[%mul3A_2, %dma_wait3A_15] : memref<10240x128xf32, #tpu.memory_space<vmem_shared>> -> memref<640x128xf32, #tpu.memory_space<vmem_shared>>
      tpu.wait_dma2 semaphore(%run_scoped3A : memref<!tpu.dma_semaphore, #tpu.memory_space<semaphore_mem>>) src(%dma_wait3A_16 : memref<640x128xf32, #tpu.memory_space<vmem_shared>>) dst(%dma_wait3A_14 : memref<640x128xf32, #tpu.memory_space<hbm>>)
      tpu.yield
    }) : () -> ()
    return
  }
}

module attributes {stable_mosaic.version = 14 : i64} {
  func.func @body(%arg0: i32, %arg1: memref<5120x128xf32, #tpu.memory_space<vmem>>, %arg2: memref<128x128xf32, #tpu.memory_space<vmem>>, %arg3: memref<2x5120x128xf32, #tpu.memory_space<vmem>>, %arg4: memref<5120x128xf32, #tpu.memory_space<vmem>>) attributes {dimension_semantics = [#tpu.dimension_semantics<arbitrary>], iteration_bounds = array<i64: 2>, scalar_prefetch = 0 : i64, scratch_operands = 0 : i64, tpu.core_type = #tpu.core_type<tc>, window_params = [{transform_indices = @transform_0, window_bounds = array<i64: 5120, 128>}, {pipeline_mode = #tpu.pipeline_mode<synchronous>, transform_indices = @transform_1, window_bounds = array<i64: 128, 128>}, {transform_indices = @transform_2, window_bounds = array<i64: 2, 5120, 128>}, {transform_indices = @transform_3, window_bounds = array<i64: 5120, 128>}]} {
    %get3A = arith.constant 0 : index
    %get3A_0 = arith.constant 0 : index
    %get3A_1 = arith.constant 0 : index
    %get3A_2 = vector.load %arg3[%get3A, %get3A_0, %get3A_1] : memref<2x5120x128xf32, #tpu.memory_space<vmem>>, vector<1x5120x1xf32>
    %get3A_3 = vector.shape_cast %get3A_2 : vector<1x5120x1xf32> to vector<5120x1xf32>
    %get3A_4 = arith.constant 1 : index
    %get3A_5 = arith.constant 0 : index
    %get3A_6 = arith.constant 0 : index
    %get3A_7 = vector.load %arg3[%get3A_4, %get3A_5, %get3A_6] : memref<2x5120x128xf32, #tpu.memory_space<vmem>>, vector<1x5120x1xf32>
    %get3A_8 = vector.shape_cast %get3A_7 : vector<1x5120x1xf32> to vector<5120x1xf32>
    %add3A = arith.addf %get3A_3, %get3A_8 : vector<5120x1xf32>
    %max3A = arith.constant 1.000000e+00 : f32
    %max3A_9 = vector.broadcast %max3A : f32 to vector<5120x1xf32>
    %max3A_10 = arith.maximumf %add3A, %max3A_9 : vector<5120x1xf32>
    %rsqrt3A = math.rsqrt %max3A_10 : vector<5120x1xf32>
    %get3A_11 = arith.constant 0 : index
    %get3A_12 = arith.constant 0 : index
    %get3A_13 = vector.load %arg1[%get3A_11, %get3A_12] : memref<5120x128xf32, #tpu.memory_space<vmem>>, vector<5120x128xf32>
    %get3A_14 = arith.constant 0 : index
    %get3A_15 = arith.constant 0 : index
    %get3A_16 = vector.load %arg2[%get3A_14, %get3A_15] : memref<128x128xf32, #tpu.memory_space<vmem>>, vector<128x128xf32>
    %dot_general3A = arith.constant dense<0.000000e+00> : vector<5120x128xf32>
    %dot_general3A_17 = tpu.matmul %get3A_13, %get3A_16, %dot_general3A {dimension_numbers = #tpu.dot_dimension_numbers<[1], [0], [0], [1], [0, 0, 1, 1], [], []>, transpose_lhs_hint = false} : vector<5120x128xf32>, vector<128x128xf32>, vector<5120x128xf32> -> vector<5120x128xf32>
    %mul3A = vector.broadcast %rsqrt3A : vector<5120x1xf32> to vector<5120x128xf32>
    %mul3A_18 = arith.mulf %dot_general3A_17, %mul3A : vector<5120x128xf32>
    %swap3A = arith.constant 0 : index
    %swap3A_19 = arith.constant 0 : index
    %swap3A_20 = vector.load %arg4[%swap3A, %swap3A_19] : memref<5120x128xf32, #tpu.memory_space<vmem>>, vector<5120x128xf32>
    tpu.vector_store %arg4[%swap3A, %swap3A_19], %mul3A_18 {strides = array<i32>} : memref<5120x128xf32, #tpu.memory_space<vmem>>, vector<5120x128xf32>,
    return
  }
  func.func @transform_0(%arg0: i32) -> (i32, i32) {
    %c0_i32 = arith.constant 0 : i32
    %c0_i32_0 = arith.constant 0 : i32
    return %arg0, %c0_i32 : i32, i32
  }
  func.func @transform_1(%arg0: i32) -> (i32, i32) {
    %c0_i32 = arith.constant 0 : i32
    %c0_i32_0 = arith.constant 0 : i32
    %c0_i32_1 = arith.constant 0 : i32
    return %c0_i32, %c0_i32_0 : i32, i32
  }
  func.func @transform_2(%arg0: i32) -> (i32, i32, i32) {
    %c0_i32 = arith.constant 0 : i32
    %c0_i32_0 = arith.constant 0 : i32
    %c0_i32_1 = arith.constant 0 : i32
    return %c0_i32, %arg0, %c0_i32_0 : i32, i32, i32
  }
  func.func @transform_3(%arg0: i32) -> (i32, i32) {
    %c0_i32 = arith.constant 0 : i32
    %c0_i32_0 = arith.constant 0 : i32
    return %arg0, %c0_i32 : i32, i32
  }
}

module attributes {stable_mosaic.version = 14 : i64} {
  func.func @body(%arg0: i32, %arg1: memref<2x5120x128xf32, #tpu.memory_space<vmem>>, %arg2: memref<2x5120x128xf32, #tpu.memory_space<vmem>>, %arg3: memref<1x128xf32, #tpu.memory_space<vmem>>, %arg4: memref<5120x128xf32, #tpu.memory_space<vmem>>) attributes {dimension_semantics = [#tpu.dimension_semantics<arbitrary>], iteration_bounds = array<i64: 2>, scalar_prefetch = 0 : i64, scratch_operands = 0 : i64, tpu.core_type = #tpu.core_type<tc>, window_params = [{transform_indices = @transform_0, window_bounds = array<i64: 2, 5120, 128>}, {transform_indices = @transform_1, window_bounds = array<i64: 2, 5120, 128>}, {pipeline_mode = #tpu.pipeline_mode<synchronous>, transform_indices = @transform_2, window_bounds = array<i64: 1, 128>}, {transform_indices = @transform_3, window_bounds = array<i64: 5120, 128>}]} {
    %get3A = arith.constant 0 : index
    %get3A_0 = arith.constant 0 : index
    %get3A_1 = arith.constant 0 : index
    %get3A_2 = vector.load %arg1[%get3A, %get3A_0, %get3A_1] : memref<2x5120x128xf32, #tpu.memory_space<vmem>>, vector<1x5120x128xf32>
    %get3A_3 = vector.shape_cast %get3A_2 : vector<1x5120x128xf32> to vector<5120x128xf32>
    %get3A_4 = arith.constant 1 : index
    %get3A_5 = arith.constant 0 : index
    %get3A_6 = arith.constant 0 : index
    %get3A_7 = vector.load %arg1[%get3A_4, %get3A_5, %get3A_6] : memref<2x5120x128xf32, #tpu.memory_space<vmem>>, vector<1x5120x128xf32>
    %get3A_8 = vector.shape_cast %get3A_7 : vector<1x5120x128xf32> to vector<5120x128xf32>
    %add3A = arith.addf %get3A_3, %get3A_8 : vector<5120x128xf32>
    %get3A_9 = arith.constant 0 : index
    %get3A_10 = arith.constant 0 : index
    %get3A_11 = arith.constant 0 : index
    %get3A_12 = vector.load %arg2[%get3A_9, %get3A_10, %get3A_11] : memref<2x5120x128xf32, #tpu.memory_space<vmem>>, vector<1x5120x1xf32>
    %get3A_13 = vector.shape_cast %get3A_12 : vector<1x5120x1xf32> to vector<5120x1xf32>
    %get3A_14 = arith.constant 1 : index
    %get3A_15 = arith.constant 0 : index
    %get3A_16 = arith.constant 0 : index
    %get3A_17 = vector.load %arg2[%get3A_14, %get3A_15, %get3A_16] : memref<2x5120x128xf32, #tpu.memory_space<vmem>>, vector<1x5120x1xf32>
    %get3A_18 = vector.shape_cast %get3A_17 : vector<1x5120x1xf32> to vector<5120x1xf32>
    %add3A_19 = arith.addf %get3A_13, %get3A_18 : vector<5120x1xf32>
    %max3A = arith.constant 1.000000e+00 : f32
    %max3A_20 = vector.broadcast %max3A : f32 to vector<5120x1xf32>
    %max3A_21 = arith.maximumf %add3A_19, %max3A_20 : vector<5120x1xf32>
    %rsqrt3A = math.rsqrt %max3A_21 : vector<5120x1xf32>
    %mul3A = vector.broadcast %rsqrt3A : vector<5120x1xf32> to vector<5120x128xf32>
    %mul3A_22 = arith.mulf %add3A, %mul3A : vector<5120x128xf32>
    %get3A_23 = arith.constant 0 : index
    %get3A_24 = arith.constant 0 : index
    %get3A_25 = vector.load %arg3[%get3A_23, %get3A_24] : memref<1x128xf32, #tpu.memory_space<vmem>>, vector<1x128xf32>
    %add3A_26 = vector.broadcast %get3A_25 : vector<1x128xf32> to vector<5120x128xf32>
    %add3A_27 = arith.addf %mul3A_22, %add3A_26 : vector<5120x128xf32>
    %iota3A = tpu.iota {dimensions = array<i32: 1>} : vector<1x128xi32>
    %lt3A = arith.constant 40 : i32
    %lt3A_28 = vector.broadcast %lt3A : i32 to vector<1x128xi32>
    %lt3A_29 = arith.cmpi slt, %iota3A, %lt3A_28 : vector<1x128xi32>
    %jit3A = arith.constant 0xFF800000 : f32
    %broadcast_in_dim3A = vector.shape_cast %lt3A_29 : vector<1x128xi1> to vector<1x128xi1>
    %broadcast_in_dim3A_30 = vector.broadcast %broadcast_in_dim3A : vector<1x128xi1> to vector<5120x128xi1>
    %broadcast_in_dim3A_31 = vector.broadcast %jit3A : f32 to vector<5120x128xf32>
    %select_n3A = arith.select %broadcast_in_dim3A_30, %add3A_27, %broadcast_in_dim3A_31 : vector<5120x128xi1>, vector<5120x128xf32>
    %reduce_max3A = arith.constant dense<0xFF800000> : vector<5120xf32>
    %reduce_max3A_32 = vector.multi_reduction <maximumf>, %select_n3A, %reduce_max3A [1] : vector<5120x128xf32> to vector<5120xf32>
    %broadcast_in_dim3A_33 = vector.shape_cast %reduce_max3A_32 : vector<5120xf32> to vector<5120x1xf32>
    %sub3A = vector.broadcast %broadcast_in_dim3A_33 : vector<5120x1xf32> to vector<5120x128xf32>
    %sub3A_34 = arith.subf %select_n3A, %sub3A : vector<5120x128xf32>
    %exp3A = math.exp %sub3A_34 : vector<5120x128xf32>
    %reduce_sum3A = arith.constant dense<0.000000e+00> : vector<5120xf32>
    %reduce_sum3A_35 = vector.multi_reduction <add>, %exp3A, %reduce_sum3A [1] : vector<5120x128xf32> to vector<5120xf32>
    %broadcast_in_dim3A_36 = vector.shape_cast %reduce_sum3A_35 : vector<5120xf32> to vector<5120x1xf32>
    %log3A = math.log %broadcast_in_dim3A_36 : vector<5120x1xf32>
    %add3A_37 = arith.addf %broadcast_in_dim3A_33, %log3A : vector<5120x1xf32>
    %sub3A_38 = vector.broadcast %add3A_37 : vector<5120x1xf32> to vector<5120x128xf32>
    %sub3A_39 = arith.subf %add3A_27, %sub3A_38 : vector<5120x128xf32>
    %swap3A = arith.constant 0 : index
    %swap3A_40 = arith.constant 0 : index
    %swap3A_41 = vector.load %arg4[%swap3A, %swap3A_40] : memref<5120x128xf32, #tpu.memory_space<vmem>>, vector<5120x128xf32>
    tpu.vector_store %arg4[%swap3A, %swap3A_40], %sub3A_39 {strides = array<i32>} : memref<5120x128xf32, #tpu.memory_space<vmem>>, vector<5120x128xf32>,
    return
  }
  func.func @transform_0(%arg0: i32) -> (i32, i32, i32) {
    %c0_i32 = arith.constant 0 : i32
    %c0_i32_0 = arith.constant 0 : i32
    %c0_i32_1 = arith.constant 0 : i32
    return %c0_i32, %arg0, %c0_i32_0 : i32, i32, i32
  }
  func.func @transform_1(%arg0: i32) -> (i32, i32, i32) {
    %c0_i32 = arith.constant 0 : i32
    %c0_i32_0 = arith.constant 0 : i32
    %c0_i32_1 = arith.constant 0 : i32
    return %c0_i32, %arg0, %c0_i32_0 : i32, i32, i32
  }
  func.func @transform_2(%arg0: i32) -> (i32, i32) {
    %c0_i32 = arith.constant 0 : i32
    %c0_i32_0 = arith.constant 0 : i32
    %c0_i32_1 = arith.constant 0 : i32
    return %c0_i32, %c0_i32_0 : i32, i32
  }
  func.func @transform_3(%arg0: i32) -> (i32, i32) {
    %c0_i32 = arith.constant 0 : i32
    %c0_i32_0 = arith.constant 0 : i32
    return %arg0, %c0_i32 : i32, i32
  }
}

module attributes {stable_mosaic.version = 14 : i64} {
  func.func @body(%arg0: i32, %arg1: memref<2x5120x128xf32, #tpu.memory_space<vmem>>, %arg2: memref<2x5120x128xf32, #tpu.memory_space<vmem>>, %arg3: memref<1x128xf32, #tpu.memory_space<vmem>>, %arg4: memref<128x128xf32, #tpu.memory_space<vmem>>, %arg5: memref<2x5120x128xf32, #tpu.memory_space<vmem>>, %arg6: memref<5120x128xf32, #tpu.memory_space<vmem>>) attributes {dimension_semantics = [#tpu.dimension_semantics<arbitrary>], iteration_bounds = array<i64: 2>, scalar_prefetch = 0 : i64, scratch_operands = 0 : i64, tpu.core_type = #tpu.core_type<tc>, window_params = [{transform_indices = @transform_0, window_bounds = array<i64: 2, 5120, 128>}, {transform_indices = @transform_1, window_bounds = array<i64: 2, 5120, 128>}, {pipeline_mode = #tpu.pipeline_mode<synchronous>, transform_indices = @transform_2, window_bounds = array<i64: 1, 128>}, {pipeline_mode = #tpu.pipeline_mode<synchronous>, transform_indices = @transform_3, window_bounds = array<i64: 128, 128>}, {transform_indices = @transform_4, window_bounds = array<i64: 2, 5120, 128>}, {transform_indices = @transform_5, window_bounds = array<i64: 5120, 128>}]} {
    %get3A = arith.constant 0 : index
    %get3A_0 = arith.constant 0 : index
    %get3A_1 = arith.constant 0 : index
    %get3A_2 = vector.load %arg1[%get3A, %get3A_0, %get3A_1] : memref<2x5120x128xf32, #tpu.memory_space<vmem>>, vector<1x5120x128xf32>
    %get3A_3 = vector.shape_cast %get3A_2 : vector<1x5120x128xf32> to vector<5120x128xf32>
    %get3A_4 = arith.constant 1 : index
    %get3A_5 = arith.constant 0 : index
    %get3A_6 = arith.constant 0 : index
    %get3A_7 = vector.load %arg1[%get3A_4, %get3A_5, %get3A_6] : memref<2x5120x128xf32, #tpu.memory_space<vmem>>, vector<1x5120x128xf32>
    %get3A_8 = vector.shape_cast %get3A_7 : vector<1x5120x128xf32> to vector<5120x128xf32>
    %add3A = arith.addf %get3A_3, %get3A_8 : vector<5120x128xf32>
    %get3A_9 = arith.constant 0 : index
    %get3A_10 = arith.constant 0 : index
    %get3A_11 = arith.constant 0 : index
    %get3A_12 = vector.load %arg2[%get3A_9, %get3A_10, %get3A_11] : memref<2x5120x128xf32, #tpu.memory_space<vmem>>, vector<1x5120x1xf32>
    %get3A_13 = vector.shape_cast %get3A_12 : vector<1x5120x1xf32> to vector<5120x1xf32>
    %get3A_14 = arith.constant 1 : index
    %get3A_15 = arith.constant 0 : index
    %get3A_16 = arith.constant 0 : index
    %get3A_17 = vector.load %arg2[%get3A_14, %get3A_15, %get3A_16] : memref<2x5120x128xf32, #tpu.memory_space<vmem>>, vector<1x5120x1xf32>
    %get3A_18 = vector.shape_cast %get3A_17 : vector<1x5120x1xf32> to vector<5120x1xf32>
    %add3A_19 = arith.addf %get3A_13, %get3A_18 : vector<5120x1xf32>
    %max3A = arith.constant 1.000000e+00 : f32
    %max3A_20 = vector.broadcast %max3A : f32 to vector<5120x1xf32>
    %max3A_21 = arith.maximumf %add3A_19, %max3A_20 : vector<5120x1xf32>
    %rsqrt3A = math.rsqrt %max3A_21 : vector<5120x1xf32>
    %mul3A = vector.broadcast %rsqrt3A : vector<5120x1xf32> to vector<5120x128xf32>
    %mul3A_22 = arith.mulf %add3A, %mul3A : vector<5120x128xf32>
    %get3A_23 = arith.constant 0 : index
    %get3A_24 = arith.constant 0 : index
    %get3A_25 = vector.load %arg3[%get3A_23, %get3A_24] : memref<1x128xf32, #tpu.memory_space<vmem>>, vector<1x128xf32>
    %add3A_26 = vector.broadcast %get3A_25 : vector<1x128xf32> to vector<5120x128xf32>
    %add3A_27 = arith.addf %mul3A_22, %add3A_26 : vector<5120x128xf32>
    %max3A_28 = arith.constant 0.000000e+00 : f32
    %max3A_29 = vector.broadcast %max3A_28 : f32 to vector<5120x128xf32>
    %max3A_30 = arith.maximumf %add3A_27, %max3A_29 : vector<5120x128xf32>
    %get3A_31 = arith.constant 0 : index
    %get3A_32 = arith.constant 0 : index
    %get3A_33 = vector.load %arg4[%get3A_31, %get3A_32] : memref<128x128xf32, #tpu.memory_space<vmem>>, vector<128x128xf32>
    %dot_general3A = arith.constant dense<0.000000e+00> : vector<5120x128xf32>
    %dot_general3A_34 = tpu.matmul %max3A_30, %get3A_33, %dot_general3A {dimension_numbers = #tpu.dot_dimension_numbers<[1], [0], [0], [1], [0, 0, 1, 1], [], []>, transpose_lhs_hint = false} : vector<5120x128xf32>, vector<128x128xf32>, vector<5120x128xf32> -> vector<5120x128xf32>
    %get3A_35 = arith.constant 0 : index
    %get3A_36 = arith.constant 0 : index
    %get3A_37 = arith.constant 0 : index
    %get3A_38 = vector.load %arg5[%get3A_35, %get3A_36, %get3A_37] : memref<2x5120x128xf32, #tpu.memory_space<vmem>>, vector<1x5120x1xf32>
    %get3A_39 = vector.shape_cast %get3A_38 : vector<1x5120x1xf32> to vector<5120x1xf32>
    %get3A_40 = arith.constant 1 : index
    %get3A_41 = arith.constant 0 : index
    %get3A_42 = arith.constant 0 : index
    %get3A_43 = vector.load %arg5[%get3A_40, %get3A_41, %get3A_42] : memref<2x5120x128xf32, #tpu.memory_space<vmem>>, vector<1x5120x1xf32>
    %get3A_44 = vector.shape_cast %get3A_43 : vector<1x5120x1xf32> to vector<5120x1xf32>
    %add3A_45 = arith.addf %get3A_39, %get3A_44 : vector<5120x1xf32>
    %max3A_46 = arith.constant 1.000000e+00 : f32
    %max3A_47 = vector.broadcast %max3A_46 : f32 to vector<5120x1xf32>
    %max3A_48 = arith.maximumf %add3A_45, %max3A_47 : vector<5120x1xf32>
    %rsqrt3A_49 = math.rsqrt %max3A_48 : vector<5120x1xf32>
    %mul3A_50 = vector.broadcast %rsqrt3A_49 : vector<5120x1xf32> to vector<5120x128xf32>
    %mul3A_51 = arith.mulf %dot_general3A_34, %mul3A_50 : vector<5120x128xf32>
    %swap3A = arith.constant 0 : index
    %swap3A_52 = arith.constant 0 : index
    %swap3A_53 = vector.load %arg6[%swap3A, %swap3A_52] : memref<5120x128xf32, #tpu.memory_space<vmem>>, vector<5120x128xf32>
    tpu.vector_store %arg6[%swap3A, %swap3A_52], %mul3A_51 {strides = array<i32>} : memref<5120x128xf32, #tpu.memory_space<vmem>>, vector<5120x128xf32>,
    return
  }
  func.func @transform_0(%arg0: i32) -> (i32, i32, i32) {
    %c0_i32 = arith.constant 0 : i32
    %c0_i32_0 = arith.constant 0 : i32
    %c0_i32_1 = arith.constant 0 : i32
    return %c0_i32, %arg0, %c0_i32_0 : i32, i32, i32
  }
  func.func @transform_1(%arg0: i32) -> (i32, i32, i32) {
    %c0_i32 = arith.constant 0 : i32
    %c0_i32_0 = arith.constant 0 : i32
    %c0_i32_1 = arith.constant 0 : i32
    return %c0_i32, %arg0, %c0_i32_0 : i32, i32, i32
  }
  func.func @transform_2(%arg0: i32) -> (i32, i32) {
    %c0_i32 = arith.constant 0 : i32
    %c0_i32_0 = arith.constant 0 : i32
    %c0_i32_1 = arith.constant 0 : i32
    return %c0_i32, %c0_i32_0 : i32, i32
  }
  func.func @transform_3(%arg0: i32) -> (i32, i32) {
    %c0_i32 = arith.constant 0 : i32
    %c0_i32_0 = arith.constant 0 : i32
    %c0_i32_1 = arith.constant 0 : i32
    return %c0_i32, %c0_i32_0 : i32, i32
  }
  func.func @transform_4(%arg0: i32) -> (i32, i32, i32) {
    %c0_i32 = arith.constant 0 : i32
    %c0_i32_0 = arith.constant 0 : i32
    %c0_i32_1 = arith.constant 0 : i32
    return %c0_i32, %arg0, %c0_i32_0 : i32, i32, i32
  }
  func.func @transform_5(%arg0: i32) -> (i32, i32) {
    %c0_i32 = arith.constant 0 : i32
    %c0_i32_0 = arith.constant 0 : i32
    return %arg0, %c0_i32 : i32, i32
  }
}

</mosaic_0001>

<sc_bundles>
// kernel: kernel.11.cloned.1.call-start
scs
__scs_entry_jumppad:
0x0: {  	(pc) =	sbr.rel $0x88, $3  }
0x1: {  	(tag) =	ssettag $0x0;
	lr =	simm.s32 $0x1  }
0x2: {  	[smem:$0x3F99] =	sst lr;
	_ =	strace $0xD0000000  }
0x3: {  	_ = 	snop  }
0x4: {  	_ = 	snop  }
0x5: {  	_ = 	snop  }
0x6: {  	_ = 	snop  }
0x7: {  	_ = 	snop  }
__scs_overlays_trampoline_lowered:
0x8: {  	[smem:$0x3FA8] =	sst s0  }
0x9: {  	[smem:$0x3FA9] =	sst s1  }
0xa: {  	[smem:$0x3FAA] =	sst s2  }
0xb: {  	[smem:$0x3FAB] =	sst s3  }
0xc: {  	[smem:$0x3FAC] =	sst s4  }
0xd: {  	[smem:$0x3FAD] =	sst s5  }
0xe: {  	[smem:$0x3FAE] =	sst s6  }
0xf: {  	[smem:$0x3FAF] =	sst s7  }
0x10: {  	[smem:$0x3FB0] =	sst s8  }
0x11: {  	[smem:$0x3FB1] =	sst s9;
	s0 =	simm.s32 @!p0 $0x0  }
0x12: {  	s1 =	sld [smem:$0x3F97];
	s0 =	simm.s32 @p0 $0x1  }
0x13: {  	[smem:$0x3FB2] =	sst s0;
	s0 =	simm.s32 @!p1 $0x0  }
0x14: {  	s2 =	sld [smem:$0x3F96];
	s0 =	simm.s32 @p1 $0x1  }
0x15: {  	[smem:$0x3FB3] =	sst s0;
	s0 =	simm.s32 @!p2 $0x0  }
0x16: {  	s3 =	sld [smem:$0x3FDB];
	s0 =	simm.s32 @p2 $0x1  }
0x17: {  	s4 =	simm.s32 $0x1BF5;
	[smem:$0x3FB5] =	sst s0  }
0x18: {  	s0 =	sld [smem:$0x3F98];
	_ =	swait.ge [sflag:s4], $0x0  }
0x19: {  	s7 =	sld [smem:$0x3F99]  }
0x1a: {  	s8 =	sadd.s32 $0xFFFFE003, lr  }
0x1b: {  	s9 =	sadd.s32 $0xFFFFFEF7, lr;
	s5 =	simm.s32 $0xFFFFFFFF;
	p2 =	slt.u32 s8, $0xFFFFF086  }
0x1c: {  	p1 =	slt.u32 s9, $0xF7A;
	s5 =	simm.s32 @!p2 $0x0  }
0x1d: {  	s5 =	simm.s32 @p1 $0x1;
	p0 =	seq.s32 s7, s2  }
0x1e: {  	s7 =	smul.u32 @!p0 $0xF7A, s2;
	p2 =	seq.s32 @!p0 s5, $0x0  }
0x1f: {  	s9 =	smul.u32 $0xF7A, s1;
	s8 =	simm.s32 @!p0 $0x1BF5;
	p2 =	por !p2, p0  }
0x20: {  	[sflag:s8] =	ssyncset.s32 @!p0 $0xFFFFF086;
	s6 =	sadd.s32 @!p0 s3, s7;
	s7 =	simm.s32 @!p0 $0x108  }
0x21: {  	s3 =	sadd.s32 s3, s9;
	s6 =	sadd.s32 @!p0 $0x88, s6;
	s7 =	simm.s32 @p2 $0x1082  }
0x22: {  	[simem:s7], [sflag:s8] =	dma.local @!p0 [hbm:s6], $0xF7A  }
0x23: {  	s9 =	sor.u32 $0xD0000000, s2;
	s6 =	simm.s32 $0x108;
	_ =	swait.ge @!p0 [sflag:s8], $0x0  }
0x24: {  	s3 =	sadd.s32 $0x88, s3;
	s6 =	simm.s32 @!p1 $0x1082;
	[sflag:s4] =	ssyncset.s32 $0xFFFFF086  }
0x25: {  	[simem:s6], [sflag:s4] =	dma.local [hbm:s3], $0xF7A  }
0x26: {  	[smem:$0x3F99] =	sst s1;
	(tag) =	ssettag s2;
	_ =	strace s9  }
0x27: {  	s1 =	sld [smem:$0x3FA9]  }
0x28: {  	s2 =	sld [smem:$0x3FAA]  }
0x29: {  	s4 =	sld [smem:$0x3FAC]  }
0x2a: {  	p0 =	seq.s32 s5, $0x0;
	s5 =	sld [smem:$0x3FAD]  }
0x2b: {  	s6 =	sld [smem:$0x3FAE]  }
0x2c: {  	s7 =	sld [smem:$0x3FAF]  }
0x2d: {  	s3 =	simm.s32 $0x108;
	s8 =	sld [smem:$0x3FB0]  }
0x2e: {  	s3 =	simm.s32 @!p0 $0x1082;
	s9 =	sld [smem:$0x3FB1]  }
0x2f: {  	lr =	sadd.s32 s0, s3;
	s0 =	sld [smem:$0x3FA8]  }
0x30: {  	s3 =	sld [smem:$0x3FAB]  }
0x31: {  	[smem:$0x3FB4] =	sst s10  }
0x32: {  	s10 =	sld [smem:$0x3FB2];
	_ =	sdelay $0x3  }
0x33: {  	p0 =	seq.s32 s10, $0x1;
	s10 =	sld [smem:$0x3FB4];
	_ =	sdelay $0x3  }
0x34: {  	[smem:$0x3FB4] =	sst s10  }
0x35: {  	s10 =	sld [smem:$0x3FB3];
	_ =	sdelay $0x3  }
0x36: {  	p1 =	seq.s32 s10, $0x1;
	s10 =	sld [smem:$0x3FB4];
	_ =	sdelay $0x3  }
0x37: {  	[smem:$0x3FB4] =	sst s10  }
0x38: {  	s10 =	sld [smem:$0x3FB5]  }
0x39: {  	_ = 	snop;
	(pc) =	sbr.ind lr, $3  }
0x3a: {  	_ = 	snop  }
0x3b: {  	_ = 	snop  }
0x3c: {  	p2 =	seq.s32 s10, $0x1;
	s10 =	sld [smem:$0x3FB4]  }
0x3d: {  	_ =	shalt  }
0x3e: {  	_ =	shalt  }
0x3f: {  	_ =	shalt  }
0x40: {  	_ =	shalt  }
0x41: {  	_ =	shalt  }
0x42: {  	_ =	shalt  }
0x43: {  	_ =	shalt  }
0x44: {  	_ =	shalt  }
0x45: {  	_ =	shalt  }
0x46: {  	_ =	shalt  }
0x47: {  	_ =	shalt  }
0x48: {  	_ =	shalt  }
0x49: {  	_ =	shalt  }
0x4a: {  	_ =	shalt  }
0x4b: {  	_ =	shalt  }
0x4c: {  	_ =	shalt  }
0x4d: {  	_ =	shalt  }
0x4e: {  	_ =	shalt  }
0x4f: {  	_ =	shalt  }
0x50: {  	_ =	shalt  }
0x51: {  	_ =	shalt  }
0x52: {  	_ =	shalt  }
0x53: {  	_ =	shalt  }
0x54: {  	_ =	shalt  }
0x55: {  	_ =	shalt  }
0x56: {  	_ =	shalt  }
0x57: {  	_ =	shalt  }
0x58: {  	_ =	shalt  }
0x59: {  	_ =	shalt  }
0x5a: {  	_ =	shalt  }
0x5b: {  	_ =	shalt  }
0x5c: {  	_ =	shalt  }
0x5d: {  	_ =	shalt  }
0x5e: {  	_ =	shalt  }
0x5f: {  	_ =	shalt  }
0x60: {  	_ =	shalt  }
0x61: {  	_ =	shalt  }
0x62: {  	_ =	shalt  }
0x63: {  	_ =	shalt  }
0x64: {  	_ =	shalt  }
0x65: {  	_ =	shalt  }
0x66: {  	_ =	shalt  }
0x67: {  	_ =	shalt  }
0x68: {  	_ =	shalt  }
0x69: {  	_ =	shalt  }
0x6a: {  	_ =	shalt  }
0x6b: {  	_ =	shalt  }
0x6c: {  	_ =	shalt  }
0x6d: {  	_ =	shalt  }
0x6e: {  	_ =	shalt  }
0x6f: {  	_ =	shalt  }
0x70: {  	_ =	shalt  }
0x71: {  	_ =	shalt  }
0x72: {  	_ =	shalt  }
0x73: {  	_ =	shalt  }
0x74: {  	_ =	shalt  }
0x75: {  	_ =	shalt  }
0x76: {  	_ =	shalt  }
0x77: {  	_ =	shalt  }
0x78: {  	_ =	shalt  }
0x79: {  	_ =	shalt  }
0x7a: {  	_ =	shalt  }
0x7b: {  	_ =	shalt  }
0x7c: {  	_ =	shalt  }
0x7d: {  	_ =	shalt  }
0x7e: {  	_ =	shalt  }
0x7f: {  	_ =	shalt  }
0x80: {  	_ =	shalt  }
0x81: {  	_ =	shalt  }
0x82: {  	_ =	shalt  }
0x83: {  	_ =	shalt  }
0x84: {  	_ =	shalt  }
0x85: {  	_ =	shalt  }
0x86: {  	_ =	shalt  }
0x87: {  	_ =	shalt  }
.Lfunc_end0:
.L_simem_size_0:
called_computation_lowered:
.L_overlay_start_0:
0x88: {  	s2 =	sld [smem:$0x3FD9]  }
0x89: {  	s3 =	sld [smem:$0x3FFE];
	_ =	sdelay $0x1  }
0x8a: {  	s1 =	srdreg.scid  }
0x8b: {  	s0 =	sand.u32 $0x1, s1  }
0x8c: {  	s17 =	sshll.u32 s0, $0xA;
	s2 =	sadd.s32 s3, s2  }
0x8d: {  	s2 =	sadd.s32 s2, s17  }
0x8e: {  	[smem:$0x3FC0] =	sst s2  }
0x8f: {  	_ = 	snop  }
0x90: {  	s18 =	sld [smem:$0x3FD0];
	(tm) =	ssettm $0x1  }
0x91: {  	s19 =	sld [smem:$0x3FFB];
	_ =	sdelay $0x3  }
0x92: {  	_ =	strace s19  }
0x93: {  	s2 =	sld [smem:$0x3FFC];
	_ =	sdelay $0x3  }
0x94: {  	_ =	strace s2  }
0x95: {  	s2 =	sld [smem:$0x3FFD];
	_ =	sdelay $0x3  }
0x96: {  	_ =	strace s2  }
0x97: {  	_ =	strace $0x8FFFFFFF  }
0x98: {  	s20 =	sld [smem:$0x3FDB];
	_ =	sdelay $0x1  }
0x99: {  	s4 =	simm.s32 $_scs_section_size  }
0x9a: {  	s5 =	simm.s32 $_size__tile_overlayer_lowered;
	s6 =	simm.s32 $_tile_overlayer_lowered  }
0x9b: {  	s7 =	simm.s32 $0x1BFF;
	s21 =	sshll.u32 s6, $0x1;
	s4 =	sadd.s32 s4, s20  }
0x9c: {  	s22 =	simm.s32 $0x0;
	s5 =	sshll.u32 s5, $0x1;
	s6 =	sadd.s32 s21, s4  }
0x9d: {  	[timem:s22], [sflag:s7] =	dma.local [hbm:s6], s5  }
0x9e: {  	_ =	swait.ge [sflag:s7], s5  }
0x9f: {  	s5 =	ssub.s32 $0x0, s5;
	[sflag:s7] =	ssyncset.done $0x0  }
0xa0: {  	[sflag:s7] =	ssyncadd.s32 s5;
	_ =	sdelay $0x1  }
0xa1: {  	s23 =	simm.s32 $0x1B8B  }
0xa2: {  	_ =	swait.ge [sflag:s23], $0x1  }
0xa3: {  	[sflag:s23] =	ssyncset.done $0x0  }
0xa4: {  	[sflag:s23] =	ssyncadd.s32 $0xFFFFFFFF  }
0xa5: {  	s5 =	sld [smem:$0x0]  }
0xa6: {  	s6 =	sand.u32 $0xFFFFFFFE, s1  }
0xa7: {  	p0 =	sne.s32 s1, s6  }
0xa8: {  	s6 =	sshll.u32 @p0 s6, $0xE  }
0xa9: {  	s6 =	sadd.s32 @p0 $0x11B8D, s6;
	s7 =	sshll.u32 @p0 s5, $0x11  }
0xaa: {  	s6 =	sor.u32 @p0 s7, s6  }
0xab: {  	[sflag:s6] =	ssyncadd.remote.s32 @p0 $0x1;
	_ =	sdelay $0x1  }
0xac: {  	s6 =	simm.s32 @p0 $0x1B8D  }
0xad: {  	_ =	swait.eq @p0 [sflag:s6], $0x1  }
0xae: {  	[sflag:s6] =	ssyncadd.s32 @p0 $0xFFFFFFFF  }
0xaf: {  	s7 =	sshll.u32 @!p0 s1, $0xE  }
0xb0: {  	s7 =	sor.u32 @!p0 $0x4000, s7;
	s6 =	simm.s32 @!p0 $0x1B8D  }
0xb1: {  	s5 =	sshll.u32 @!p0 s5, $0x11;
	s7 =	sadd.s32 @!p0 $0x11B8D, s7;
	_ =	swait.eq @!p0 [sflag:s6], $0x1  }
0xb2: {  	s5 =	sor.u32 @!p0 s5, s7;
	[sflag:s6] =	ssyncadd.s32 @!p0 $0xFFFFFFFF  }
0xb3: {  	s25 =	simm.s32 $0x1B8E;
	s24 =	sld [smem:$0x3FFE];
	[sflag:s5] =	ssyncadd.remote.s32 @!p0 $0x1  }
0xb4: {  	s26 =	simm.s32 $execute0_lowered;
	[smem:$0x3FD2] =	sst s25  }
0xb5: {  	s6 =	sshll.u32 s26, $0x1;
	_ =	strace $0x80000049;
	[dreg:$0x1] =	wrdreg $0xFFFFFFFF  }
0xb6: {  	s28 =	simm.s32 $_size_execute0_lowered;
	s4 =	sadd.s32 s4, s6;
	[dreg:$0x0] =	wrdreg $0x0  }
0xb7: {  	s6 =	sshll.u32 s28, $0x1;
	[dreg:$0x2] =	wrdreg s4  }
0xb8: {  	[dreg:$0x3] =	wrdreg s6  }
0xb9: {  	[dreg:$0x4] =	wrdreg $0xC0  }
0xba: {  	_ =	task [dreg:s22], $0x5FFFF  }
0xbb: {  	[dreg:$0x1] =	wrdreg $0xFFFFFFFF  }
0xbc: {  	[dreg:$0x0] =	wrdreg $0x60  }
0xbd: {  	[dreg:$0x2] =	wrdreg s18  }
0xbe: {  	[dreg:$0x3] =	wrdreg s24  }
0xbf: {  	[dreg:$0x4] =	wrdreg $0x0  }
0xc0: {  	[dreg:$0x5] =	wrdreg $0x9  }
0xc1: {  	_ =	task.clear_ibuf [dreg:s22], $0x6FFFF;
	_ =	strace $0x90000049  }
0xc2: {  	s29 =	simm.s32 $0x9;
	_ =	strace $0x8000004B  }
0xc3: {  	_ =	swait.ge [sflag:s29], $0x1  }
0xc4: {  	[sflag:s29] =	ssyncadd.s32 $0xFFFFFFFF  }
0xc5: {  	_ =	strace $0x9000004B  }
0xc6: {  	_ =	sfence  }
0xc7: {  	s30 =	sld [smem:$0x0];
	_ =	sdelay $0x2  }
0xc8: {  	s31 =	sshll.u32 s1, $0xD;
	s1 =	sshrl.u32 s1, $0x2  }
0xc9: {  	s4 =	sand.u32 $0x4000, s31;
	s1 =	sadd.s32 s1, s30  }
0xca: {  	s0 =	sor.u32 s4, s0;
	s1 =	sshll.u32 s1, $0x11  }
0xcb: {  	s0 =	sor.u32 s1, s0  }
0xcc: {  	s0 =	sadd.s32 $0x8F2B, s0  }
0xcd: {  	[sflag:s0] =	ssyncadd.remote.s32 $0x1  }
0xce: {  	_ =	sfence.sel $0xFFFF  }
0xcf: {  	[dreg:$0x0] =	wrdreg $0xFFFFFFFF;
	(pc) =	sbr.abs _section_cstart, $3  }
0xd0: {  	[dreg:$0x1] =	wrdreg $0xFFFFFFFF  }
0xd1: {  	_ =	task.clear_ibuf [dreg:s22], $0x2FFFF;
	_ =	strace $0x9FFFFFFF  }
0xd2: {  	(tm) =	ssettm $0x7FFFFFFF  }
0xd3: {  	_ =	shalt  }
tec
execute0_lowered:
.L_overlay_start_1:
0x0: {  	(tag) =	ssettag $0x1  }
0x1: {  	s7 =	rddreg [dreg:$0x0]  }
0x2: {  	s5 =	rddreg [dreg:$0x1]  }
0x3: {  	s2 =	rddreg [dreg:$0x2]  }
0x4: {  	s0 =	rddreg [dreg:$0x3]  }
0x5: {  	s1 =	stileid.u32;
	s4 =	srdreg.scid  }
0x6: {  	s3 =	simm.s32 $0x0;
	s15 =	simm.s32 $0x0;
	s6 =	smul.u32 $0x14000, s1  }
0x7: {  	s8 =	sand.u32 $0x1, s4;
	[smem:$0x7FF] =	sst s3;
	s4 =	sadd.s32 $0x35000, s5  }
0x8: {  	s12 =	sshll.u32 s1, $0x1;
	s13 =	smul.u32 $0x50000, s1;
	s29 =	sshll.u32 s1, $0x6  }
0x9: {  	s9 =	smul.u32 $0x140000, s8;
	_ =	strace $0x8000004A;
	s25 =	ssub.s32 $0x2, s8  }
0xa: {  	s26 =	sor.u32 s8, s12;
	s12 =	simm.s32 $0x16800;
	s10 =	sshrl.u32 s6, $0x3  }
0xb: {  	s11 =	sshrl.u32 s25, $0x1;
	s28 =	sshrl.u32 s13, $0x2;
	s30 =	smul.u32 $0x500, s26  }
0xc: {  	s13 =	simm.s32 $0x14000;
	s6 =	sadd.s32 s6, s9;
	s24 =	sadd.s32 s10, s5  }
0xd: {  	s10 =	ssub.s32 s25, s11;
	s31 =	sadd.s32 s28, s2;
	s11 =	simm.s32 $0x1  }
0xe: {  	s6 =	sshrl.u32 s6, $0x3;
	s7 =	sadd.s32 s7, s30;
	s9 =	smax.u32 s10, $0x1  }
0xf: {  	s10 =	sshrl.u32 s31, $0x3;
	s14 =	sadd.s32 s6, s5;
	s5 =	sadd.s32 $0xD000, s24  }
0x10: {  	s6 =	sor.u32 $0x1C01, s29;
	s8 =	sadd.s32 $0xAD000, s14;
	s14 =	simm.s32 $0x80  }
.LBB2_1:
0x11: {  	[spmem:s10], [sflag:s6] =	dma.local [hbm:s5], $0x2800  }
0x12: {  	_ =	swait.ge [sflag:s11], $0x2800  }
0x13: {  	[sflag:s11] =	ssyncset.done $0x0  }
0x14: {  	[sflag:s11] =	ssyncadd.s32 $0xFFFFD800  }
0x15: {  	[tilespmem:s12], [sflag:$0x1] =	stream.linear.gather [hbm4b:s4+s3], $0x4000, $0x38;
	[tilespmem:$0x1A800] =	vst v63  }
0x16: {  	_ =	swait.ge [sflag:s11], $0x4000  }
0x17: {  	[sflag:s11] =	ssyncset.done $0x0  }
0x18: {  	[sflag:s11] =	ssyncadd.s32 $0xFFFFC000  }
0x19: {  	[tilespmem:s13], [sflag:$0x1] =	stream.linear.gather [hbm4b:s7+s3], $0x2800, $0x38;
	[tilespmem:$0x1A800] =	vst v63  }
0x1a: {  	_ =	swait.ge [sflag:s11], $0x2800  }
0x1b: {  	[sflag:s11] =	ssyncset.done $0x0  }
0x1c: {  	[sflag:s11] =	ssyncadd.s32 $0xFFFFD800  }
0x1d: {  	s16 =	simm.s32 $0x14000;
	[bflag:$0x0] =	sbarrier.arrive $0xFFFF  }
0x1e: {  	[spmem:s2] =	stream.indirect.scatter.add.f32 [tilespmem:s12], [sflag:$0x1], $0x80, s16, s14, $0xb8;
	[tilespmem:$0x1A800] =	vst v63  }
0x1f: {  	s16 =	simm.s32 $0x200;
	_ =	swait.ge [sflag:s11], $0x4000  }
.LBB2_2:
0x20: {  	s17 =	sshra.s32 s16, $0x2;
	[sflag:s11] =	ssyncset.done $0x0;
	p0 =	sne.s32 s16, $0x9E00  }
.Ltmp0:
0x21: {  	s17 =	sadd.s32 $0x14000, s17;
	[sflag:s11] =	ssyncadd.s32 $0xFFFFC000;
	(pc) =	sbr.rel @p0 .LBB2_2-.Ltmp0, $3  }
0x22: {  	[spmem:s2] =	stream.indirect.scatter.add.f32 [tilespmem:s12], [sflag:$0x1], $0x80, s17, s14, $0xb8;
	[tilespmem:$0x1A800] =	vst v63  }
0x23: {  	s16 =	sadd.s32 $0x200, s16;
	_ =	sdelay $0x1  }
0x24: {  	_ =	swait.ge [sflag:s11], $0x4000  }
0x25: {  	[sflag:s11] =	ssyncset.done $0x0;
	s15 =	sadd.s32 $0x1, s15  }
0x26: {  	[sflag:s11] =	ssyncadd.s32 $0xFFFFC000;
	p0 =	sne.s32 s15, s9  }
.Ltmp1:
0x27: {  	[bflag:$0x0] =	sbarrier.arrive $0xFFFF;
	(pc) =	sbr.rel @p0 .LBB2_1-.Ltmp1, $4  }
0x28: {  	[hbm:s8], [sflag:s6] =	dma.local [spmem:s10], $0x2800  }
0x29: {  	_ =	swait.ge [sflag:s11], $0x2800  }
0x2a: {  	[sflag:s11] =	ssyncset.done $0x0  }
0x2b: {  	[sflag:s11] =	ssyncadd.s32 $0xFFFFD800  }
0x2c: {  	_ =	sfence.sel $0x180000  }
0x2d: {  	[bflag:$0x0] =	sbarrier.arrive $0xFFFF  }
0x2e: {  	p0 =	sne.s32 s1, $0x0;
	_ =	strace $0x9000004A  }
0x2f: {  	s0 =	sadd.s32 @!p0 $0x100000, s0;
	[bflag:$0x2] =	sbarrier.arrive $0xFFFF  }
0x30: {  	[sflag:s0] =	ssyncadd.tile.s32 @!p0 $0x1;
	_ =	shalt  }
.Lfunc_end2:
_tile_overlayer_lowered:
.L_overlay_start_2:
0x31: {  	(tag) =	ssettag $0x2  }
0x32: {  	s0 =	rddreg [dreg:$0x0];
	s2 =	stileid.u32  }
0x33: {  	s1 =	rddreg [dreg:$0x1];
	p0 =	sne.s32 s2, $0x0  }
0x34: {  	s3 =	rddreg [dreg:$0x2];
	[bflag:$0x3] =	sbarrier.arrive $0xFFFF;
	s2 =	simm.s32 @!p0 $0x1C01  }
0x35: {  	[timem:s3], [sflag:s2] =	dma.local @!p0 [hbm:s0], s1  }
0x36: {  	s0 =	simm.s32 @!p0 $0x1  }
0x37: {  	_ =	swait.ge @!p0 [sflag:s0], s1  }
0x38: {  	s1 =	ssub.s32 @!p0 $0x0, s1;
	[sflag:s0] =	ssyncset.done @!p0 $0x0  }
0x39: {  	[sflag:s0] =	ssyncadd.s32 @!p0 s1  }
0x3a: {  	[bflag:$0x3] =	sbarrier.arrive $0xFFFF  }
0x3b: {  	_ =	shalt  }

// kernel: kernel.14.cloned.1.call-start
scs
__scs_entry_jumppad:
0x0: {  	(pc) =	sbr.rel $0x88, $3  }
0x1: {  	(tag) =	ssettag $0x0;
	lr =	simm.s32 $0x1  }
0x2: {  	[smem:$0x3F99] =	sst lr;
	_ =	strace $0xD0000000  }
0x3: {  	_ = 	snop  }
0x4: {  	_ = 	snop  }
0x5: {  	_ = 	snop  }
0x6: {  	_ = 	snop  }
0x7: {  	_ = 	snop  }
__scs_overlays_trampoline_lowered:
0x8: {  	[smem:$0x3FA8] =	sst s0  }
0x9: {  	[smem:$0x3FA9] =	sst s1  }
0xa: {  	[smem:$0x3FAA] =	sst s2  }
0xb: {  	[smem:$0x3FAB] =	sst s3  }
0xc: {  	[smem:$0x3FAC] =	sst s4  }
0xd: {  	[smem:$0x3FAD] =	sst s5  }
0xe: {  	[smem:$0x3FAE] =	sst s6  }
0xf: {  	[smem:$0x3FAF] =	sst s7  }
0x10: {  	[smem:$0x3FB0] =	sst s8  }
0x11: {  	[smem:$0x3FB1] =	sst s9;
	s0 =	simm.s32 @!p0 $0x0  }
0x12: {  	s1 =	sld [smem:$0x3F97];
	s0 =	simm.s32 @p0 $0x1  }
0x13: {  	[smem:$0x3FB2] =	sst s0;
	s0 =	simm.s32 @!p1 $0x0  }
0x14: {  	s2 =	sld [smem:$0x3F96];
	s0 =	simm.s32 @p1 $0x1  }
0x15: {  	[smem:$0x3FB3] =	sst s0;
	s0 =	simm.s32 @!p2 $0x0  }
0x16: {  	s3 =	sld [smem:$0x3FDB];
	s0 =	simm.s32 @p2 $0x1  }
0x17: {  	s4 =	simm.s32 $0x1BF5;
	[smem:$0x3FB5] =	sst s0  }
0x18: {  	s0 =	sld [smem:$0x3F98];
	_ =	swait.ge [sflag:s4], $0x0  }
0x19: {  	s7 =	sld [smem:$0x3F99]  }
0x1a: {  	s8 =	sadd.s32 $0xFFFFE003, lr  }
0x1b: {  	s9 =	sadd.s32 $0xFFFFFEF7, lr;
	s5 =	simm.s32 $0xFFFFFFFF;
	p2 =	slt.u32 s8, $0xFFFFF086  }
0x1c: {  	p1 =	slt.u32 s9, $0xF7A;
	s5 =	simm.s32 @!p2 $0x0  }
0x1d: {  	s5 =	simm.s32 @p1 $0x1;
	p0 =	seq.s32 s7, s2  }
0x1e: {  	s7 =	smul.u32 @!p0 $0xF7A, s2;
	p2 =	seq.s32 @!p0 s5, $0x0  }
0x1f: {  	s9 =	smul.u32 $0xF7A, s1;
	s8 =	simm.s32 @!p0 $0x1BF5;
	p2 =	por !p2, p0  }
0x20: {  	[sflag:s8] =	ssyncset.s32 @!p0 $0xFFFFF086;
	s6 =	sadd.s32 @!p0 s3, s7;
	s7 =	simm.s32 @!p0 $0x108  }
0x21: {  	s3 =	sadd.s32 s3, s9;
	s6 =	sadd.s32 @!p0 $0x88, s6;
	s7 =	simm.s32 @p2 $0x1082  }
0x22: {  	[simem:s7], [sflag:s8] =	dma.local @!p0 [hbm:s6], $0xF7A  }
0x23: {  	s9 =	sor.u32 $0xD0000000, s2;
	s6 =	simm.s32 $0x108;
	_ =	swait.ge @!p0 [sflag:s8], $0x0  }
0x24: {  	s3 =	sadd.s32 $0x88, s3;
	s6 =	simm.s32 @!p1 $0x1082;
	[sflag:s4] =	ssyncset.s32 $0xFFFFF086  }
0x25: {  	[simem:s6], [sflag:s4] =	dma.local [hbm:s3], $0xF7A  }
0x26: {  	[smem:$0x3F99] =	sst s1;
	(tag) =	ssettag s2;
	_ =	strace s9  }
0x27: {  	s1 =	sld [smem:$0x3FA9]  }
0x28: {  	s2 =	sld [smem:$0x3FAA]  }
0x29: {  	s4 =	sld [smem:$0x3FAC]  }
0x2a: {  	p0 =	seq.s32 s5, $0x0;
	s5 =	sld [smem:$0x3FAD]  }
0x2b: {  	s6 =	sld [smem:$0x3FAE]  }
0x2c: {  	s7 =	sld [smem:$0x3FAF]  }
0x2d: {  	s3 =	simm.s32 $0x108;
	s8 =	sld [smem:$0x3FB0]  }
0x2e: {  	s3 =	simm.s32 @!p0 $0x1082;
	s9 =	sld [smem:$0x3FB1]  }
0x2f: {  	lr =	sadd.s32 s0, s3;
	s0 =	sld [smem:$0x3FA8]  }
0x30: {  	s3 =	sld [smem:$0x3FAB]  }
0x31: {  	[smem:$0x3FB4] =	sst s10  }
0x32: {  	s10 =	sld [smem:$0x3FB2];
	_ =	sdelay $0x3  }
0x33: {  	p0 =	seq.s32 s10, $0x1;
	s10 =	sld [smem:$0x3FB4];
	_ =	sdelay $0x3  }
0x34: {  	[smem:$0x3FB4] =	sst s10  }
0x35: {  	s10 =	sld [smem:$0x3FB3];
	_ =	sdelay $0x3  }
0x36: {  	p1 =	seq.s32 s10, $0x1;
	s10 =	sld [smem:$0x3FB4];
	_ =	sdelay $0x3  }
0x37: {  	[smem:$0x3FB4] =	sst s10  }
0x38: {  	s10 =	sld [smem:$0x3FB5]  }
0x39: {  	_ = 	snop;
	(pc) =	sbr.ind lr, $3  }
0x3a: {  	_ = 	snop  }
0x3b: {  	_ = 	snop  }
0x3c: {  	p2 =	seq.s32 s10, $0x1;
	s10 =	sld [smem:$0x3FB4]  }
0x3d: {  	_ =	shalt  }
0x3e: {  	_ =	shalt  }
0x3f: {  	_ =	shalt  }
0x40: {  	_ =	shalt  }
0x41: {  	_ =	shalt  }
0x42: {  	_ =	shalt  }
0x43: {  	_ =	shalt  }
0x44: {  	_ =	shalt  }
0x45: {  	_ =	shalt  }
0x46: {  	_ =	shalt  }
0x47: {  	_ =	shalt  }
0x48: {  	_ =	shalt  }
0x49: {  	_ =	shalt  }
0x4a: {  	_ =	shalt  }
0x4b: {  	_ =	shalt  }
0x4c: {  	_ =	shalt  }
0x4d: {  	_ =	shalt  }
0x4e: {  	_ =	shalt  }
0x4f: {  	_ =	shalt  }
0x50: {  	_ =	shalt  }
0x51: {  	_ =	shalt  }
0x52: {  	_ =	shalt  }
0x53: {  	_ =	shalt  }
0x54: {  	_ =	shalt  }
0x55: {  	_ =	shalt  }
0x56: {  	_ =	shalt  }
0x57: {  	_ =	shalt  }
0x58: {  	_ =	shalt  }
0x59: {  	_ =	shalt  }
0x5a: {  	_ =	shalt  }
0x5b: {  	_ =	shalt  }
0x5c: {  	_ =	shalt  }
0x5d: {  	_ =	shalt  }
0x5e: {  	_ =	shalt  }
0x5f: {  	_ =	shalt  }
0x60: {  	_ =	shalt  }
0x61: {  	_ =	shalt  }
0x62: {  	_ =	shalt  }
0x63: {  	_ =	shalt  }
0x64: {  	_ =	shalt  }
0x65: {  	_ =	shalt  }
0x66: {  	_ =	shalt  }
0x67: {  	_ =	shalt  }
0x68: {  	_ =	shalt  }
0x69: {  	_ =	shalt  }
0x6a: {  	_ =	shalt  }
0x6b: {  	_ =	shalt  }
0x6c: {  	_ =	shalt  }
0x6d: {  	_ =	shalt  }
0x6e: {  	_ =	shalt  }
0x6f: {  	_ =	shalt  }
0x70: {  	_ =	shalt  }
0x71: {  	_ =	shalt  }
0x72: {  	_ =	shalt  }
0x73: {  	_ =	shalt  }
0x74: {  	_ =	shalt  }
0x75: {  	_ =	shalt  }
0x76: {  	_ =	shalt  }
0x77: {  	_ =	shalt  }
0x78: {  	_ =	shalt  }
0x79: {  	_ =	shalt  }
0x7a: {  	_ =	shalt  }
0x7b: {  	_ =	shalt  }
0x7c: {  	_ =	shalt  }
0x7d: {  	_ =	shalt  }
0x7e: {  	_ =	shalt  }
0x7f: {  	_ =	shalt  }
0x80: {  	_ =	shalt  }
0x81: {  	_ =	shalt  }
0x82: {  	_ =	shalt  }
0x83: {  	_ =	shalt  }
0x84: {  	_ =	shalt  }
0x85: {  	_ =	shalt  }
0x86: {  	_ =	shalt  }
0x87: {  	_ =	shalt  }
.Lfunc_end0:
.L_simem_size_0:
called_computation.1_lowered:
.L_overlay_start_0:
0x88: {  	s2 =	sld [smem:$0x3FD9]  }
0x89: {  	s3 =	sld [smem:$0x3FFE];
	_ =	sdelay $0x1  }
0x8a: {  	s1 =	srdreg.scid  }
0x8b: {  	s0 =	sand.u32 $0x1, s1  }
0x8c: {  	s16 =	sshll.u32 s0, $0xA;
	s2 =	sadd.s32 s3, s2  }
0x8d: {  	s2 =	sadd.s32 s2, s16  }
0x8e: {  	[smem:$0x3FC0] =	sst s2  }
0x8f: {  	_ = 	snop  }
0x90: {  	(tm) =	ssettm $0x1  }
0x91: {  	s17 =	sld [smem:$0x3FFB];
	_ =	sdelay $0x3  }
0x92: {  	_ =	strace s17  }
0x93: {  	s2 =	sld [smem:$0x3FFC];
	_ =	sdelay $0x3  }
0x94: {  	_ =	strace s2  }
0x95: {  	s2 =	sld [smem:$0x3FFD];
	_ =	sdelay $0x3  }
0x96: {  	_ =	strace s2  }
0x97: {  	_ =	strace $0x8FFFFFFF  }
0x98: {  	s18 =	sld [smem:$0x3FDB];
	_ =	sdelay $0x1  }
0x99: {  	s19 =	simm.s32 $_scs_section_size  }
0x9a: {  	s4 =	simm.s32 $_size__tile_overlayer_lowered;
	s5 =	simm.s32 $_tile_overlayer_lowered  }
0x9b: {  	s22 =	simm.s32 $0x1BFF;
	s21 =	sshll.u32 s5, $0x1;
	s2 =	sadd.s32 s19, s18  }
0x9c: {  	s6 =	simm.s32 $0x0;
	s20 =	sshll.u32 s4, $0x1;
	s4 =	sadd.s32 s21, s2  }
0x9d: {  	[timem:s6], [sflag:s22] =	dma.local [hbm:s4], s20  }
0x9e: {  	_ =	swait.ge [sflag:s22], s20  }
0x9f: {  	s3 =	ssub.s32 $0x0, s20;
	[sflag:s22] =	ssyncset.done $0x0  }
0xa0: {  	[sflag:s22] =	ssyncadd.s32 s3;
	_ =	sdelay $0x1  }
0xa1: {  	s23 =	simm.s32 $0x1B8B  }
0xa2: {  	_ =	swait.ge [sflag:s23], $0x1  }
0xa3: {  	[sflag:s23] =	ssyncset.done $0x0  }
0xa4: {  	s25 =	simm.s32 $0x1B8E;
	s24 =	sld [smem:$0x3FFE];
	[sflag:s23] =	ssyncadd.s32 $0xFFFFFFFF  }
0xa5: {  	s26 =	simm.s32 $execute0_lowered;
	[smem:$0x3FD2] =	sst s25  }
0xa6: {  	s4 =	sshll.u32 s26, $0x1;
	_ =	strace $0x80000046;
	[dreg:$0x1] =	wrdreg $0xFFFFFFFF  }
0xa7: {  	s28 =	simm.s32 $_size_execute0_lowered;
	s2 =	sadd.s32 s2, s4;
	[dreg:$0x0] =	wrdreg $0x0  }
0xa8: {  	s4 =	sshll.u32 s28, $0x1;
	[dreg:$0x2] =	wrdreg s2  }
0xa9: {  	[dreg:$0x3] =	wrdreg s4  }
0xaa: {  	[dreg:$0x4] =	wrdreg $0xC0  }
0xab: {  	_ =	task [dreg:s6], $0x5FFFF  }
0xac: {  	[dreg:$0x1] =	wrdreg $0xFFFFFFFF  }
0xad: {  	[dreg:$0x0] =	wrdreg $0x60  }
0xae: {  	[dreg:$0x2] =	wrdreg s24  }
0xaf: {  	[dreg:$0x3] =	wrdreg $0x0  }
0xb0: {  	[dreg:$0x4] =	wrdreg $0xA  }
0xb1: {  	_ =	task.clear_ibuf [dreg:s6], $0x5FFFF;
	_ =	strace $0x90000046  }
0xb2: {  	s29 =	simm.s32 $0xA;
	_ =	strace $0x80000048  }
0xb3: {  	_ =	swait.ge [sflag:s29], $0x1  }
0xb4: {  	[sflag:s29] =	ssyncadd.s32 $0xFFFFFFFF  }
0xb5: {  	_ =	strace $0x90000048  }
0xb6: {  	_ =	sfence  }
0xb7: {  	s30 =	sld [smem:$0x0];
	_ =	sdelay $0x2  }
0xb8: {  	s31 =	sshll.u32 s1, $0xD;
	s1 =	sshrl.u32 s1, $0x2  }
0xb9: {  	s3 =	sand.u32 $0x4000, s31;
	s1 =	sadd.s32 s1, s30  }
0xba: {  	s0 =	sor.u32 s3, s0;
	s1 =	sshll.u32 s1, $0x11  }
0xbb: {  	s0 =	sor.u32 s1, s0  }
0xbc: {  	s0 =	sadd.s32 $0x8F2B, s0  }
0xbd: {  	[sflag:s0] =	ssyncadd.remote.s32 $0x1  }
0xbe: {  	_ =	sfence.sel $0xFFFF  }
0xbf: {  	[dreg:$0x0] =	wrdreg $0xFFFFFFFF;
	(pc) =	sbr.abs _section_cstart, $3  }
0xc0: {  	[dreg:$0x1] =	wrdreg $0xFFFFFFFF  }
0xc1: {  	_ =	task.clear_ibuf [dreg:s6], $0x2FFFF;
	_ =	strace $0x9FFFFFFF  }
0xc2: {  	(tm) =	ssettm $0x7FFFFFFF  }
0xc3: {  	_ =	shalt  }
tec
execute0_lowered:
.L_overlay_start_1:
0x0: {  	(tag) =	ssettag $0x1  }
0x1: {  	s1 =	srdreg.scid  }
0x2: {  	s0 =	stileid.u32;
	s6 =	rddreg [dreg:$0x0]  }
0x3: {  	s2 =	rddreg [dreg:$0x1];
	s3 =	simm.s32 $0x0;
	s14 =	simm.s32 $0x80  }
0x4: {  	s15 =	simm.s32 $0x0;
	s5 =	sand.u32 $0x1, s1;
	s7 =	smul.u32 $0x14000, s0  }
0x5: {  	s26 =	sshll.u32 s0, $0x1;
	[smem:$0x7FF] =	sst s3;
	s28 =	smul.u32 $0x50000, s0  }
0x6: {  	s31 =	sshll.u32 s0, $0x6;
	s1 =	sor.u32 s5, s26;
	s8 =	smul.u32 $0x140000, s5  }
0x7: {  	s5 =	ssub.s32 $0x2, s5;
	s4 =	smul.u32 $0x500, s1;
	s1 =	rddreg [dreg:$0x2]  }
0x8: {  	_ =	strace $0x80000047;
	s10 =	sshrl.u32 s7, $0x3;
	s29 =	sshrl.u32 s5, $0x1  }
0x9: {  	s30 =	sshrl.u32 s28, $0x2;
	s7 =	sadd.s32 s7, s8;
	s10 =	sadd.s32 s10, s6  }
0xa: {  	s12 =	ssub.s32 s5, s29;
	s13 =	sadd.s32 s30, s2;
	s9 =	sadd.s32 s4, s6  }
0xb: {  	s4 =	sadd.s32 $0x35000, s6;
	s7 =	sshrl.u32 s7, $0x3;
	s5 =	sadd.s32 $0xD000, s10  }
0xc: {  	s10 =	sshrl.u32 s13, $0x3;
	s13 =	simm.s32 $0x14000;
	s11 =	sadd.s32 s7, s6  }
0xd: {  	s6 =	sor.u32 $0x1C01, s31;
	s7 =	sadd.s32 $0x3000, s9;
	s9 =	smax.u32 s12, $0x1  }
0xe: {  	s12 =	simm.s32 $0x16800;
	s8 =	sadd.s32 $0x5D000, s11;
	s11 =	simm.s32 $0x1  }
.LBB2_1:
0xf: {  	[spmem:s10], [sflag:s6] =	dma.local [hbm:s5], $0x2800  }
0x10: {  	_ =	swait.ge [sflag:s11], $0x2800  }
0x11: {  	[sflag:s11] =	ssyncset.done $0x0  }
0x12: {  	[sflag:s11] =	ssyncadd.s32 $0xFFFFD800  }
0x13: {  	[tilespmem:s12], [sflag:$0x1] =	stream.linear.gather [hbm4b:s4+s3], $0x4000, $0x38;
	[tilespmem:$0x1A800] =	vst v63  }
0x14: {  	_ =	swait.ge [sflag:s11], $0x4000  }
0x15: {  	[sflag:s11] =	ssyncset.done $0x0  }
0x16: {  	[sflag:s11] =	ssyncadd.s32 $0xFFFFC000  }
0x17: {  	[tilespmem:s13], [sflag:$0x1] =	stream.linear.gather [hbm4b:s7+s3], $0x2800, $0x38;
	[tilespmem:$0x1A800] =	vst v63  }
0x18: {  	_ =	swait.ge [sflag:s11], $0x2800  }
0x19: {  	[sflag:s11] =	ssyncset.done $0x0  }
0x1a: {  	[sflag:s11] =	ssyncadd.s32 $0xFFFFD800  }
0x1b: {  	s16 =	simm.s32 $0x14000;
	[bflag:$0x0] =	sbarrier.arrive $0xFFFF  }
0x1c: {  	[spmem:s2] =	stream.indirect.scatter.add.f32 [tilespmem:s12], [sflag:$0x1], $0x80, s16, s14, $0xb8;
	[tilespmem:$0x1A800] =	vst v63  }
0x1d: {  	s16 =	simm.s32 $0x200;
	_ =	swait.ge [sflag:s11], $0x4000  }
.LBB2_2:
0x1e: {  	s17 =	sshra.s32 s16, $0x2;
	[sflag:s11] =	ssyncset.done $0x0;
	p0 =	sne.s32 s16, $0x9E00  }
.Ltmp0:
0x1f: {  	s17 =	sadd.s32 $0x14000, s17;
	[sflag:s11] =	ssyncadd.s32 $0xFFFFC000;
	(pc) =	sbr.rel @p0 .LBB2_2-.Ltmp0, $3  }
0x20: {  	[spmem:s2] =	stream.indirect.scatter.add.f32 [tilespmem:s12], [sflag:$0x1], $0x80, s17, s14, $0xb8;
	[tilespmem:$0x1A800] =	vst v63  }
0x21: {  	s16 =	sadd.s32 $0x200, s16;
	_ =	sdelay $0x1  }
0x22: {  	_ =	swait.ge [sflag:s11], $0x4000  }
0x23: {  	[sflag:s11] =	ssyncset.done $0x0;
	s15 =	sadd.s32 $0x1, s15  }
0x24: {  	[sflag:s11] =	ssyncadd.s32 $0xFFFFC000;
	p0 =	sne.s32 s15, s9  }
.Ltmp1:
0x25: {  	[bflag:$0x0] =	sbarrier.arrive $0xFFFF;
	(pc) =	sbr.rel @p0 .LBB2_1-.Ltmp1, $4  }
0x26: {  	[hbm:s8], [sflag:s6] =	dma.local [spmem:s10], $0x2800  }
0x27: {  	_ =	swait.ge [sflag:s11], $0x2800  }
0x28: {  	[sflag:s11] =	ssyncset.done $0x0  }
0x29: {  	[sflag:s11] =	ssyncadd.s32 $0xFFFFD800  }
0x2a: {  	_ =	sfence.sel $0x180000  }
0x2b: {  	[bflag:$0x0] =	sbarrier.arrive $0xFFFF  }
0x2c: {  	p0 =	sne.s32 s0, $0x0;
	_ =	strace $0x90000047  }
0x2d: {  	s0 =	sadd.s32 @!p0 $0x100000, s1;
	[bflag:$0x2] =	sbarrier.arrive $0xFFFF  }
0x2e: {  	[sflag:s0] =	ssyncadd.tile.s32 @!p0 $0x1;
	_ =	shalt  }
.Lfunc_end2:
_tile_overlayer_lowered:
.L_overlay_start_2:
0x2f: {  	(tag) =	ssettag $0x2  }
0x30: {  	s0 =	rddreg [dreg:$0x0];
	s2 =	stileid.u32  }
0x31: {  	s1 =	rddreg [dreg:$0x1];
	p0 =	sne.s32 s2, $0x0  }
0x32: {  	s3 =	rddreg [dreg:$0x2];
	[bflag:$0x3] =	sbarrier.arrive $0xFFFF;
	s2 =	simm.s32 @!p0 $0x1C01  }
0x33: {  	[timem:s3], [sflag:s2] =	dma.local @!p0 [hbm:s0], s1  }
0x34: {  	s0 =	simm.s32 @!p0 $0x1  }
0x35: {  	_ =	swait.ge @!p0 [sflag:s0], s1  }
0x36: {  	s1 =	ssub.s32 @!p0 $0x0, s1;
	[sflag:s0] =	ssyncset.done @!p0 $0x0  }
0x37: {  	[sflag:s0] =	ssyncadd.s32 @!p0 s1  }
0x38: {  	[bflag:$0x3] =	sbarrier.arrive $0xFFFF  }
0x39: {  	_ =	shalt  }

// kernel: kernel.17.cloned.1.call-start
scs
__scs_entry_jumppad:
0x0: {  	(pc) =	sbr.rel $0x88, $3  }
0x1: {  	(tag) =	ssettag $0x0;
	lr =	simm.s32 $0x1  }
0x2: {  	[smem:$0x3F99] =	sst lr;
	_ =	strace $0xD0000000  }
0x3: {  	_ = 	snop  }
0x4: {  	_ = 	snop  }
0x5: {  	_ = 	snop  }
0x6: {  	_ = 	snop  }
0x7: {  	_ = 	snop  }
__scs_overlays_trampoline_lowered:
0x8: {  	[smem:$0x3FA8] =	sst s0  }
0x9: {  	[smem:$0x3FA9] =	sst s1  }
0xa: {  	[smem:$0x3FAA] =	sst s2  }
0xb: {  	[smem:$0x3FAB] =	sst s3  }
0xc: {  	[smem:$0x3FAC] =	sst s4  }
0xd: {  	[smem:$0x3FAD] =	sst s5  }
0xe: {  	[smem:$0x3FAE] =	sst s6  }
0xf: {  	[smem:$0x3FAF] =	sst s7  }
0x10: {  	[smem:$0x3FB0] =	sst s8  }
0x11: {  	[smem:$0x3FB1] =	sst s9;
	s0 =	simm.s32 @!p0 $0x0  }
0x12: {  	s1 =	sld [smem:$0x3F97];
	s0 =	simm.s32 @p0 $0x1  }
0x13: {  	[smem:$0x3FB2] =	sst s0;
	s0 =	simm.s32 @!p1 $0x0  }
0x14: {  	s2 =	sld [smem:$0x3F96];
	s0 =	simm.s32 @p1 $0x1  }
0x15: {  	[smem:$0x3FB3] =	sst s0;
	s0 =	simm.s32 @!p2 $0x0  }
0x16: {  	s3 =	sld [smem:$0x3FDB];
	s0 =	simm.s32 @p2 $0x1  }
0x17: {  	s4 =	simm.s32 $0x1BF5;
	[smem:$0x3FB5] =	sst s0  }
0x18: {  	s0 =	sld [smem:$0x3F98];
	_ =	swait.ge [sflag:s4], $0x0  }
0x19: {  	s7 =	sld [smem:$0x3F99]  }
0x1a: {  	s8 =	sadd.s32 $0xFFFFE003, lr  }
0x1b: {  	s9 =	sadd.s32 $0xFFFFFEF7, lr;
	s5 =	simm.s32 $0xFFFFFFFF;
	p2 =	slt.u32 s8, $0xFFFFF086  }
0x1c: {  	p1 =	slt.u32 s9, $0xF7A;
	s5 =	simm.s32 @!p2 $0x0  }
0x1d: {  	s5 =	simm.s32 @p1 $0x1;
	p0 =	seq.s32 s7, s2  }
0x1e: {  	s7 =	smul.u32 @!p0 $0xF7A, s2;
	p2 =	seq.s32 @!p0 s5, $0x0  }
0x1f: {  	s9 =	smul.u32 $0xF7A, s1;
	s8 =	simm.s32 @!p0 $0x1BF5;
	p2 =	por !p2, p0  }
0x20: {  	[sflag:s8] =	ssyncset.s32 @!p0 $0xFFFFF086;
	s6 =	sadd.s32 @!p0 s3, s7;
	s7 =	simm.s32 @!p0 $0x108  }
0x21: {  	s3 =	sadd.s32 s3, s9;
	s6 =	sadd.s32 @!p0 $0x88, s6;
	s7 =	simm.s32 @p2 $0x1082  }
0x22: {  	[simem:s7], [sflag:s8] =	dma.local @!p0 [hbm:s6], $0xF7A  }
0x23: {  	s9 =	sor.u32 $0xD0000000, s2;
	s6 =	simm.s32 $0x108;
	_ =	swait.ge @!p0 [sflag:s8], $0x0  }
0x24: {  	s3 =	sadd.s32 $0x88, s3;
	s6 =	simm.s32 @!p1 $0x1082;
	[sflag:s4] =	ssyncset.s32 $0xFFFFF086  }
0x25: {  	[simem:s6], [sflag:s4] =	dma.local [hbm:s3], $0xF7A  }
0x26: {  	[smem:$0x3F99] =	sst s1;
	(tag) =	ssettag s2;
	_ =	strace s9  }
0x27: {  	s1 =	sld [smem:$0x3FA9]  }
0x28: {  	s2 =	sld [smem:$0x3FAA]  }
0x29: {  	s4 =	sld [smem:$0x3FAC]  }
0x2a: {  	p0 =	seq.s32 s5, $0x0;
	s5 =	sld [smem:$0x3FAD]  }
0x2b: {  	s6 =	sld [smem:$0x3FAE]  }
0x2c: {  	s7 =	sld [smem:$0x3FAF]  }
0x2d: {  	s3 =	simm.s32 $0x108;
	s8 =	sld [smem:$0x3FB0]  }
0x2e: {  	s3 =	simm.s32 @!p0 $0x1082;
	s9 =	sld [smem:$0x3FB1]  }
0x2f: {  	lr =	sadd.s32 s0, s3;
	s0 =	sld [smem:$0x3FA8]  }
0x30: {  	s3 =	sld [smem:$0x3FAB]  }
0x31: {  	[smem:$0x3FB4] =	sst s10  }
0x32: {  	s10 =	sld [smem:$0x3FB2];
	_ =	sdelay $0x3  }
0x33: {  	p0 =	seq.s32 s10, $0x1;
	s10 =	sld [smem:$0x3FB4];
	_ =	sdelay $0x3  }
0x34: {  	[smem:$0x3FB4] =	sst s10  }
0x35: {  	s10 =	sld [smem:$0x3FB3];
	_ =	sdelay $0x3  }
0x36: {  	p1 =	seq.s32 s10, $0x1;
	s10 =	sld [smem:$0x3FB4];
	_ =	sdelay $0x3  }
0x37: {  	[smem:$0x3FB4] =	sst s10  }
0x38: {  	s10 =	sld [smem:$0x3FB5]  }
0x39: {  	_ = 	snop;
	(pc) =	sbr.ind lr, $3  }
0x3a: {  	_ = 	snop  }
0x3b: {  	_ = 	snop  }
0x3c: {  	p2 =	seq.s32 s10, $0x1;
	s10 =	sld [smem:$0x3FB4]  }
0x3d: {  	_ =	shalt  }
0x3e: {  	_ =	shalt  }
0x3f: {  	_ =	shalt  }
0x40: {  	_ =	shalt  }
0x41: {  	_ =	shalt  }
0x42: {  	_ =	shalt  }
0x43: {  	_ =	shalt  }
0x44: {  	_ =	shalt  }
0x45: {  	_ =	shalt  }
0x46: {  	_ =	shalt  }
0x47: {  	_ =	shalt  }
0x48: {  	_ =	shalt  }
0x49: {  	_ =	shalt  }
0x4a: {  	_ =	shalt  }
0x4b: {  	_ =	shalt  }
0x4c: {  	_ =	shalt  }
0x4d: {  	_ =	shalt  }
0x4e: {  	_ =	shalt  }
0x4f: {  	_ =	shalt  }
0x50: {  	_ =	shalt  }
0x51: {  	_ =	shalt  }
0x52: {  	_ =	shalt  }
0x53: {  	_ =	shalt  }
0x54: {  	_ =	shalt  }
0x55: {  	_ =	shalt  }
0x56: {  	_ =	shalt  }
0x57: {  	_ =	shalt  }
0x58: {  	_ =	shalt  }
0x59: {  	_ =	shalt  }
0x5a: {  	_ =	shalt  }
0x5b: {  	_ =	shalt  }
0x5c: {  	_ =	shalt  }
0x5d: {  	_ =	shalt  }
0x5e: {  	_ =	shalt  }
0x5f: {  	_ =	shalt  }
0x60: {  	_ =	shalt  }
0x61: {  	_ =	shalt  }
0x62: {  	_ =	shalt  }
0x63: {  	_ =	shalt  }
0x64: {  	_ =	shalt  }
0x65: {  	_ =	shalt  }
0x66: {  	_ =	shalt  }
0x67: {  	_ =	shalt  }
0x68: {  	_ =	shalt  }
0x69: {  	_ =	shalt  }
0x6a: {  	_ =	shalt  }
0x6b: {  	_ =	shalt  }
0x6c: {  	_ =	shalt  }
0x6d: {  	_ =	shalt  }
0x6e: {  	_ =	shalt  }
0x6f: {  	_ =	shalt  }
0x70: {  	_ =	shalt  }
0x71: {  	_ =	shalt  }
0x72: {  	_ =	shalt  }
0x73: {  	_ =	shalt  }
0x74: {  	_ =	shalt  }
0x75: {  	_ =	shalt  }
0x76: {  	_ =	shalt  }
0x77: {  	_ =	shalt  }
0x78: {  	_ =	shalt  }
0x79: {  	_ =	shalt  }
0x7a: {  	_ =	shalt  }
0x7b: {  	_ =	shalt  }
0x7c: {  	_ =	shalt  }
0x7d: {  	_ =	shalt  }
0x7e: {  	_ =	shalt  }
0x7f: {  	_ =	shalt  }
0x80: {  	_ =	shalt  }
0x81: {  	_ =	shalt  }
0x82: {  	_ =	shalt  }
0x83: {  	_ =	shalt  }
0x84: {  	_ =	shalt  }
0x85: {  	_ =	shalt  }
0x86: {  	_ =	shalt  }
0x87: {  	_ =	shalt  }
.Lfunc_end0:
.L_simem_size_0:
called_computation.2_lowered:
.L_overlay_start_0:
0x88: {  	s2 =	sld [smem:$0x3FD9]  }
0x89: {  	s3 =	sld [smem:$0x3FFE];
	_ =	sdelay $0x1  }
0x8a: {  	s1 =	srdreg.scid  }
0x8b: {  	s0 =	sand.u32 $0x1, s1  }
0x8c: {  	s17 =	sshll.u32 s0, $0xA;
	s2 =	sadd.s32 s3, s2  }
0x8d: {  	s2 =	sadd.s32 s2, s17  }
0x8e: {  	[smem:$0x3FC0] =	sst s2  }
0x8f: {  	_ = 	snop  }
0x90: {  	s18 =	sld [smem:$0x3FD0];
	(tm) =	ssettm $0x1  }
0x91: {  	s19 =	sld [smem:$0x3FFB];
	_ =	sdelay $0x3  }
0x92: {  	_ =	strace s19  }
0x93: {  	s2 =	sld [smem:$0x3FFC];
	_ =	sdelay $0x3  }
0x94: {  	_ =	strace s2  }
0x95: {  	s2 =	sld [smem:$0x3FFD];
	_ =	sdelay $0x3  }
0x96: {  	_ =	strace s2  }
0x97: {  	_ =	strace $0x8FFFFFFF  }
0x98: {  	s20 =	sld [smem:$0x3FDB];
	_ =	sdelay $0x1  }
0x99: {  	s4 =	simm.s32 $_scs_section_size  }
0x9a: {  	s5 =	simm.s32 $_size__tile_overlayer_lowered;
	s6 =	simm.s32 $_tile_overlayer_lowered  }
0x9b: {  	s7 =	simm.s32 $0x1BFF;
	s21 =	sshll.u32 s6, $0x1;
	s4 =	sadd.s32 s4, s20  }
0x9c: {  	s22 =	simm.s32 $0x0;
	s5 =	sshll.u32 s5, $0x1;
	s6 =	sadd.s32 s21, s4  }
0x9d: {  	[timem:s22], [sflag:s7] =	dma.local [hbm:s6], s5  }
0x9e: {  	_ =	swait.ge [sflag:s7], s5  }
0x9f: {  	s5 =	ssub.s32 $0x0, s5;
	[sflag:s7] =	ssyncset.done $0x0  }
0xa0: {  	[sflag:s7] =	ssyncadd.s32 s5;
	_ =	sdelay $0x1  }
0xa1: {  	s23 =	simm.s32 $0x1B8B  }
0xa2: {  	_ =	swait.ge [sflag:s23], $0x1  }
0xa3: {  	[sflag:s23] =	ssyncset.done $0x0  }
0xa4: {  	[sflag:s23] =	ssyncadd.s32 $0xFFFFFFFF  }
0xa5: {  	s5 =	sld [smem:$0x0]  }
0xa6: {  	s6 =	sand.u32 $0xFFFFFFFE, s1  }
0xa7: {  	p0 =	sne.s32 s1, s6  }
0xa8: {  	s6 =	sshll.u32 @p0 s6, $0xE  }
0xa9: {  	s6 =	sadd.s32 @p0 $0x11B8D, s6;
	s7 =	sshll.u32 @p0 s5, $0x11  }
0xaa: {  	s6 =	sor.u32 @p0 s7, s6  }
0xab: {  	[sflag:s6] =	ssyncadd.remote.s32 @p0 $0x1;
	_ =	sdelay $0x1  }
0xac: {  	s6 =	simm.s32 @p0 $0x1B8D  }
0xad: {  	_ =	swait.eq @p0 [sflag:s6], $0x1  }
0xae: {  	[sflag:s6] =	ssyncadd.s32 @p0 $0xFFFFFFFF  }
0xaf: {  	s7 =	sshll.u32 @!p0 s1, $0xE  }
0xb0: {  	s7 =	sor.u32 @!p0 $0x4000, s7;
	s6 =	simm.s32 @!p0 $0x1B8D  }
0xb1: {  	s5 =	sshll.u32 @!p0 s5, $0x11;
	s7 =	sadd.s32 @!p0 $0x11B8D, s7;
	_ =	swait.eq @!p0 [sflag:s6], $0x1  }
0xb2: {  	s5 =	sor.u32 @!p0 s5, s7;
	[sflag:s6] =	ssyncadd.s32 @!p0 $0xFFFFFFFF  }
0xb3: {  	s25 =	simm.s32 $0x1B8E;
	s24 =	sld [smem:$0x3FFE];
	[sflag:s5] =	ssyncadd.remote.s32 @!p0 $0x1  }
0xb4: {  	s26 =	simm.s32 $execute0_lowered;
	[smem:$0x3FD2] =	sst s25  }
0xb5: {  	s6 =	sshll.u32 s26, $0x1;
	_ =	strace $0x8000004C;
	[dreg:$0x1] =	wrdreg $0xFFFFFFFF  }
0xb6: {  	s28 =	simm.s32 $_size_execute0_lowered;
	s4 =	sadd.s32 s4, s6;
	[dreg:$0x0] =	wrdreg $0x0  }
0xb7: {  	s6 =	sshll.u32 s28, $0x1;
	[dreg:$0x2] =	wrdreg s4  }
0xb8: {  	[dreg:$0x3] =	wrdreg s6  }
0xb9: {  	[dreg:$0x4] =	wrdreg $0xC0  }
0xba: {  	_ =	task [dreg:s22], $0x5FFFF  }
0xbb: {  	[dreg:$0x1] =	wrdreg $0xFFFFFFFF  }
0xbc: {  	[dreg:$0x0] =	wrdreg $0x60  }
0xbd: {  	[dreg:$0x2] =	wrdreg s24  }
0xbe: {  	[dreg:$0x3] =	wrdreg s18  }
0xbf: {  	[dreg:$0x4] =	wrdreg $0x0  }
0xc0: {  	[dreg:$0x5] =	wrdreg $0xA  }
0xc1: {  	_ =	task.clear_ibuf [dreg:s22], $0x6FFFF;
	_ =	strace $0x9000004C  }
0xc2: {  	s29 =	simm.s32 $0xA;
	_ =	strace $0x8000004E  }
0xc3: {  	_ =	swait.ge [sflag:s29], $0x1  }
0xc4: {  	[sflag:s29] =	ssyncadd.s32 $0xFFFFFFFF  }
0xc5: {  	_ =	strace $0x9000004E  }
0xc6: {  	_ =	sfence  }
0xc7: {  	s30 =	sld [smem:$0x0];
	_ =	sdelay $0x2  }
0xc8: {  	s31 =	sshll.u32 s1, $0xD;
	s1 =	sshrl.u32 s1, $0x2  }
0xc9: {  	s4 =	sand.u32 $0x4000, s31;
	s1 =	sadd.s32 s1, s30  }
0xca: {  	s0 =	sor.u32 s4, s0;
	s1 =	sshll.u32 s1, $0x11  }
0xcb: {  	s0 =	sor.u32 s1, s0  }
0xcc: {  	s0 =	sadd.s32 $0x8F2B, s0  }
0xcd: {  	[sflag:s0] =	ssyncadd.remote.s32 $0x1  }
0xce: {  	_ =	sfence.sel $0xFFFF  }
0xcf: {  	[dreg:$0x0] =	wrdreg $0xFFFFFFFF;
	(pc) =	sbr.abs _section_cstart, $3  }
0xd0: {  	[dreg:$0x1] =	wrdreg $0xFFFFFFFF  }
0xd1: {  	_ =	task.clear_ibuf [dreg:s22], $0x2FFFF;
	_ =	strace $0x9FFFFFFF  }
0xd2: {  	(tm) =	ssettm $0x7FFFFFFF  }
0xd3: {  	_ =	shalt  }
tec
execute0_lowered:
.L_overlay_start_1:
0x0: {  	(tag) =	ssettag $0x1  }
0x1: {  	s5 =	rddreg [dreg:$0x0]  }
0x2: {  	s12 =	rddreg [dreg:$0x1]  }
0x3: {  	s2 =	rddreg [dreg:$0x2]  }
0x4: {  	s0 =	rddreg [dreg:$0x3]  }
0x5: {  	s1 =	stileid.u32;
	s4 =	srdreg.scid;
	s3 =	simm.s32 $0x0  }
0x6: {  	s16 =	simm.s32 $0x15400;
	s17 =	simm.s32 $0x80;
	s18 =	simm.s32 $0x16800  }
0x7: {  	s19 =	simm.s32 $0x14080;
	s20 =	simm.s32 $0x1A800;
	s21 =	simm.s32 $0x1  }
0x8: {  	s22 =	simm.s32 $0x2;
	s6 =	smul.u32 $0x14000, s1;
	s7 =	sand.u32 $0x1, s4  }
0x9: {  	[smem:$0x7FF] =	sst s3;
	s4 =	sadd.s32 $0xFD000, s5;
	s11 =	sadd.s32 $0x3000, s5  }
0xa: {  	s13 =	sshll.u32 s1, $0x1;
	s14 =	smul.u32 $0x50000, s1;
	s28 =	sshll.u32 s1, $0x6  }
0xb: {  	s8 =	smul.u32 $0x140000, s7;
	_ =	strace $0x8000004D;
	s24 =	ssub.s32 $0x2, s7  }
0xc: {  	s25 =	sor.u32 s7, s13;
	s9 =	sshrl.u32 s6, $0x3;
	s10 =	sshrl.u32 s24, $0x1  }
0xd: {  	s26 =	sshrl.u32 s14, $0x2;
	s29 =	smul.u32 $0x2800, s25;
	s25 =	simm.s32 $0x0  }
0xe: {  	s6 =	sadd.s32 s6, s8;
	s23 =	sadd.s32 s9, s5;
	s9 =	ssub.s32 s24, s10  }
0xf: {  	s30 =	sadd.s32 s26, s2;
	s24 =	simm.s32 $0x16780;
	s6 =	sshrl.u32 s6, $0x3  }
0x10: {  	s8 =	smax.u32 s9, $0x1;
	s31 =	sshrl.u32 s29, $0x3;
	s13 =	sshrl.u32 s30, $0x3  }
0x11: {  	s15 =	sadd.s32 s6, s5;
	s5 =	sadd.s32 $0xD000, s23;
	s6 =	sor.u32 $0x1C03, s28  }
0x12: {  	s9 =	sadd.s32 s11, s31;
	s10 =	sadd.s32 s12, s31;
	s14 =	sadd.s32 $0x280, s31  }
0x13: {  	s23 =	simm.s32 $0x16700;
	s7 =	sadd.s32 $0x125000, s15;
	s11 =	sadd.s32 s11, s14  }
0x14: {  	s12 =	sadd.s32 s12, s14;
	s14 =	simm.s32 $0x3;
	s15 =	simm.s32 $0x14000  }
.LBB2_1:
0x15: {  	[spmem:s13], [sflag:s6] =	dma.local [hbm:s5], $0x2800  }
0x16: {  	_ =	swait.ge [sflag:s14], $0x2800  }
0x17: {  	[sflag:s14] =	ssyncset.done $0x0  }
0x18: {  	[sflag:s14] =	ssyncadd.s32 $0xFFFFD800  }
0x19: {  	[bflag:$0x0] =	sbarrier.arrive $0xFFFF  }
0x1a: {  	[tilespmem:s15], [sflag:$0x3] =	stream.linear.gather [hbm4b:s9+s3], $0x1400, $0x38;
	[tilespmem:$0x1E800] =	vst v63  }
0x1b: {  	_ =	swait.ge [sflag:s14], $0x1400  }
0x1c: {  	[sflag:s14] =	ssyncset.done $0x0  }
0x1d: {  	[sflag:s14] =	ssyncadd.s32 $0xFFFFEC00  }
0x1e: {  	[tilespmem:s16], [sflag:$0x3] =	stream.linear.gather [hbm4b:s10+s3], $0x1400, $0x38;
	[tilespmem:$0x1E800] =	vst v63  }
0x1f: {  	_ =	swait.ge [sflag:s14], $0x1400  }
0x20: {  	[sflag:s14] =	ssyncset.done $0x0  }
0x21: {  	[sflag:s14] =	ssyncadd.s32 $0xFFFFEC00  }
0x22: {  	[tilespmem:s18], [sflag:$0x1] =	stream.indirect.gather [hbm4b:s4+s17], $0x80, s15, s17, $0xb8;
	[tilespmem:$0x1E800] =	vst v63  }
0x23: {  	_ = 	snop  }
0x24: {  	[tilespmem:s20], [sflag:$0x2] =	stream.indirect.gather [hbm4b:s4+s17], $0x80, s19, s17, $0xb8;
	[tilespmem:$0x1E800] =	vst v63  }
0x25: {  	_ =	swait.ge [sflag:s21], $0x4000  }
0x26: {  	[sflag:s21] =	ssyncset.done $0x0  }
0x27: {  	s26 =	simm.s32 $0x15400;
	[sflag:s21] =	ssyncadd.s32 $0xFFFFC000  }
0x28: {  	[spmem:s2] =	stream.indirect.scatter.add.f32 [tilespmem:s18], [sflag:$0x3], $0x80, s26, s17, $0xb8;
	[tilespmem:$0x1E800] =	vst v63  }
0x29: {  	_ =	swait.ge [sflag:s14], $0x4000  }
0x2a: {  	[sflag:s14] =	ssyncset.done $0x0  }
0x2b: {  	s30 =	simm.s32 $0x14100;
	[sflag:s14] =	ssyncadd.s32 $0xFFFFC000  }
0x2c: {  	[tilespmem:s18], [sflag:$0x1] =	stream.indirect.gather [hbm4b:s4+s17], $0x80, s30, s17, $0xb8;
	[tilespmem:$0x1E800] =	vst v63  }
0x2d: {  	_ =	swait.ge [sflag:s22], $0x4000  }
0x2e: {  	[sflag:s22] =	ssyncset.done $0x0  }
0x2f: {  	s31 =	simm.s32 $0x15480;
	[sflag:s22] =	ssyncadd.s32 $0xFFFFC000  }
0x30: {  	[spmem:s2] =	stream.indirect.scatter.add.f32 [tilespmem:s20], [sflag:$0x3], $0x80, s31, s17, $0xb8;
	[tilespmem:$0x1E800] =	vst v63  }
0x31: {  	_ =	swait.ge [sflag:s14], $0x4000  }
0x32: {  	[sflag:s14] =	ssyncset.done $0x0  }
0x33: {  	s28 =	simm.s32 $0x14180;
	s26 =	simm.s32 $0x400;
	[sflag:s14] =	ssyncadd.s32 $0xFFFFC000  }
.LBB2_2:
0x34: {  	[tilespmem:s20], [sflag:$0x2] =	stream.indirect.gather [hbm4b:s4+s17], $0x80, s28, s17, $0xb8;
	[tilespmem:$0x1E800] =	vst v63  }
0x35: {  	s28 =	smov.u32 s26  }
0x36: {  	p0 =	sne.s32 s26, $0x4800;
	s26 =	sadd.s32 $0x400, s26;
	_ =	swait.ge [sflag:s21], $0x4000  }
0x37: {  	s28 =	sshra.s32 s28, $0x2;
	[sflag:s21] =	ssyncset.done $0x0  }
0x38: {  	s29 =	sadd.s32 $0x15400, s28;
	[sflag:s21] =	ssyncadd.s32 $0xFFFFC000  }
0x39: {  	[spmem:s2] =	stream.indirect.scatter.add.f32 [tilespmem:s18], [sflag:$0x3], $0x80, s29, s17, $0xb8;
	[tilespmem:$0x1E800] =	vst v63  }
0x3a: {  	_ =	swait.ge [sflag:s14], $0x4000  }
0x3b: {  	[sflag:s14] =	ssyncset.done $0x0  }
0x3c: {  	s29 =	sadd.s32 $0x14100, s28;
	[sflag:s14] =	ssyncadd.s32 $0xFFFFC000  }
0x3d: {  	[tilespmem:s18], [sflag:$0x1] =	stream.indirect.gather [hbm4b:s4+s17], $0x80, s29, s17, $0xb8;
	[tilespmem:$0x1E800] =	vst v63  }
0x3e: {  	_ =	swait.ge [sflag:s22], $0x4000  }
0x3f: {  	[sflag:s22] =	ssyncset.done $0x0  }
.Ltmp0:
0x40: {  	s29 =	sadd.s32 $0x15480, s28;
	[sflag:s22] =	ssyncadd.s32 $0xFFFFC000;
	(pc) =	sbr.rel @p0 .LBB2_2-.Ltmp0, $4  }
0x41: {  	[spmem:s2] =	stream.indirect.scatter.add.f32 [tilespmem:s20], [sflag:$0x3], $0x80, s29, s17, $0xb8;
	[tilespmem:$0x1E800] =	vst v63  }
0x42: {  	_ =	swait.ge [sflag:s14], $0x4000  }
0x43: {  	[sflag:s14] =	ssyncset.done $0x0  }
0x44: {  	s28 =	sadd.s32 $0x14180, s28;
	[sflag:s14] =	ssyncadd.s32 $0xFFFFC000  }
0x45: {  	[tilespmem:s20], [sflag:$0x2] =	stream.indirect.gather [hbm4b:s4+s17], $0x80, s28, s17, $0xb8;
	[tilespmem:$0x1E800] =	vst v63  }
0x46: {  	_ =	swait.ge [sflag:s21], $0x4000  }
0x47: {  	[sflag:s21] =	ssyncset.done $0x0  }
0x48: {  	[sflag:s21] =	ssyncadd.s32 $0xFFFFC000  }
0x49: {  	[spmem:s2] =	stream.indirect.scatter.add.f32 [tilespmem:s18], [sflag:$0x3], $0x80, s23, s17, $0xb8;
	[tilespmem:$0x1E800] =	vst v63  }
0x4a: {  	_ =	swait.ge [sflag:s14], $0x4000  }
0x4b: {  	[sflag:s14] =	ssyncset.done $0x0  }
0x4c: {  	[sflag:s14] =	ssyncadd.s32 $0xFFFFC000  }
0x4d: {  	_ =	swait.ge [sflag:s22], $0x4000  }
0x4e: {  	[sflag:s22] =	ssyncset.done $0x0  }
0x4f: {  	[sflag:s22] =	ssyncadd.s32 $0xFFFFC000  }
0x50: {  	[spmem:s2] =	stream.indirect.scatter.add.f32 [tilespmem:s20], [sflag:$0x3], $0x80, s24, s17, $0xb8;
	[tilespmem:$0x1E800] =	vst v63  }
0x51: {  	_ =	swait.ge [sflag:s14], $0x4000  }
0x52: {  	[sflag:s14] =	ssyncset.done $0x0  }
0x53: {  	s26 =	simm.s32 $0x0;
	[sflag:s14] =	ssyncadd.s32 $0xFFFFC000  }
0x54: {  	[tilespmem:s15], [sflag:$0x3] =	stream.linear.gather [hbm4b:s11+s26], $0x1400, $0x38;
	[tilespmem:$0x1E800] =	vst v63  }
0x55: {  	_ =	swait.ge [sflag:s14], $0x1400  }
0x56: {  	[sflag:s14] =	ssyncset.done $0x0  }
0x57: {  	[sflag:s14] =	ssyncadd.s32 $0xFFFFEC00  }
0x58: {  	[tilespmem:s16], [sflag:$0x3] =	stream.linear.gather [hbm4b:s12+s26], $0x1400, $0x38;
	[tilespmem:$0x1E800] =	vst v63  }
0x59: {  	_ =	swait.ge [sflag:s14], $0x1400  }
0x5a: {  	[sflag:s14] =	ssyncset.done $0x0  }
0x5b: {  	[sflag:s14] =	ssyncadd.s32 $0xFFFFEC00  }
0x5c: {  	[tilespmem:s18], [sflag:$0x1] =	stream.indirect.gather [hbm4b:s4+s17], $0x80, s15, s17, $0xb8;
	[tilespmem:$0x1E800] =	vst v63  }
0x5d: {  	_ = 	snop  }
0x5e: {  	[tilespmem:s20], [sflag:$0x2] =	stream.indirect.gather [hbm4b:s4+s17], $0x80, s19, s17, $0xb8;
	[tilespmem:$0x1E800] =	vst v63  }
0x5f: {  	_ =	swait.ge [sflag:s21], $0x4000  }
0x60: {  	[sflag:s21] =	ssyncset.done $0x0  }
0x61: {  	s29 =	simm.s32 $0x15400;
	[sflag:s21] =	ssyncadd.s32 $0xFFFFC000  }
0x62: {  	[spmem:s2] =	stream.indirect.scatter.add.f32 [tilespmem:s18], [sflag:$0x3], $0x80, s29, s17, $0xb8;
	[tilespmem:$0x1E800] =	vst v63  }
0x63: {  	_ =	swait.ge [sflag:s14], $0x4000  }
0x64: {  	[sflag:s14] =	ssyncset.done $0x0  }
0x65: {  	s30 =	simm.s32 $0x14100;
	[sflag:s14] =	ssyncadd.s32 $0xFFFFC000  }
0x66: {  	[tilespmem:s18], [sflag:$0x1] =	stream.indirect.gather [hbm4b:s4+s17], $0x80, s30, s17, $0xb8;
	[tilespmem:$0x1E800] =	vst v63  }
0x67: {  	_ =	swait.ge [sflag:s22], $0x4000  }
0x68: {  	[sflag:s22] =	ssyncset.done $0x0  }
0x69: {  	s31 =	simm.s32 $0x15480;
	[sflag:s22] =	ssyncadd.s32 $0xFFFFC000  }
0x6a: {  	[spmem:s2] =	stream.indirect.scatter.add.f32 [tilespmem:s20], [sflag:$0x3], $0x80, s31, s17, $0xb8;
	[tilespmem:$0x1E800] =	vst v63  }
0x6b: {  	_ =	swait.ge [sflag:s14], $0x4000  }
0x6c: {  	[sflag:s14] =	ssyncset.done $0x0  }
0x6d: {  	s28 =	simm.s32 $0x14180;
	s26 =	simm.s32 $0x400;
	[sflag:s14] =	ssyncadd.s32 $0xFFFFC000  }
.LBB2_4:
0x6e: {  	[tilespmem:s20], [sflag:$0x2] =	stream.indirect.gather [hbm4b:s4+s17], $0x80, s28, s17, $0xb8;
	[tilespmem:$0x1E800] =	vst v63  }
0x6f: {  	s28 =	smov.u32 s26  }
0x70: {  	p0 =	sne.s32 s26, $0x4800;
	s26 =	sadd.s32 $0x400, s26;
	_ =	swait.ge [sflag:s21], $0x4000  }
0x71: {  	s28 =	sshra.s32 s28, $0x2;
	[sflag:s21] =	ssyncset.done $0x0  }
0x72: {  	s29 =	sadd.s32 $0x15400, s28;
	[sflag:s21] =	ssyncadd.s32 $0xFFFFC000  }
0x73: {  	[spmem:s2] =	stream.indirect.scatter.add.f32 [tilespmem:s18], [sflag:$0x3], $0x80, s29, s17, $0xb8;
	[tilespmem:$0x1E800] =	vst v63  }
0x74: {  	_ =	swait.ge [sflag:s14], $0x4000  }
0x75: {  	[sflag:s14] =	ssyncset.done $0x0  }
0x76: {  	s29 =	sadd.s32 $0x14100, s28;
	[sflag:s14] =	ssyncadd.s32 $0xFFFFC000  }
0x77: {  	[tilespmem:s18], [sflag:$0x1] =	stream.indirect.gather [hbm4b:s4+s17], $0x80, s29, s17, $0xb8;
	[tilespmem:$0x1E800] =	vst v63  }
0x78: {  	_ =	swait.ge [sflag:s22], $0x4000  }
0x79: {  	[sflag:s22] =	ssyncset.done $0x0  }
.Ltmp1:
0x7a: {  	s29 =	sadd.s32 $0x15480, s28;
	[sflag:s22] =	ssyncadd.s32 $0xFFFFC000;
	(pc) =	sbr.rel @p0 .LBB2_4-.Ltmp1, $4  }
0x7b: {  	[spmem:s2] =	stream.indirect.scatter.add.f32 [tilespmem:s20], [sflag:$0x3], $0x80, s29, s17, $0xb8;
	[tilespmem:$0x1E800] =	vst v63  }
0x7c: {  	_ =	swait.ge [sflag:s14], $0x4000  }
0x7d: {  	[sflag:s14] =	ssyncset.done $0x0  }
0x7e: {  	s28 =	sadd.s32 $0x14180, s28;
	[sflag:s14] =	ssyncadd.s32 $0xFFFFC000  }
0x7f: {  	[tilespmem:s20], [sflag:$0x2] =	stream.indirect.gather [hbm4b:s4+s17], $0x80, s28, s17, $0xb8;
	[tilespmem:$0x1E800] =	vst v63  }
0x80: {  	_ =	swait.ge [sflag:s21], $0x4000  }
0x81: {  	[sflag:s21] =	ssyncset.done $0x0  }
0x82: {  	[sflag:s21] =	ssyncadd.s32 $0xFFFFC000  }
0x83: {  	[spmem:s2] =	stream.indirect.scatter.add.f32 [tilespmem:s18], [sflag:$0x3], $0x80, s23, s17, $0xb8;
	[tilespmem:$0x1E800] =	vst v63  }
0x84: {  	_ =	swait.ge [sflag:s14], $0x4000  }
0x85: {  	[sflag:s14] =	ssyncset.done $0x0  }
0x86: {  	[sflag:s14] =	ssyncadd.s32 $0xFFFFC000  }
0x87: {  	_ =	swait.ge [sflag:s22], $0x4000  }
0x88: {  	[sflag:s22] =	ssyncset.done $0x0  }
0x89: {  	[sflag:s22] =	ssyncadd.s32 $0xFFFFC000  }
0x8a: {  	[spmem:s2] =	stream.indirect.scatter.add.f32 [tilespmem:s20], [sflag:$0x3], $0x80, s24, s17, $0xb8;
	[tilespmem:$0x1E800] =	vst v63  }
0x8b: {  	_ =	swait.ge [sflag:s14], $0x4000  }
0x8c: {  	s25 =	sadd.s32 $0x1, s25;
	[sflag:s14] =	ssyncset.done $0x0  }
0x8d: {  	p0 =	sne.s32 s25, s8;
	[sflag:s14] =	ssyncadd.s32 $0xFFFFC000  }
.Ltmp2:
0x8e: {  	[bflag:$0x0] =	sbarrier.arrive $0xFFFF;
	(pc) =	sbr.rel @p0 .LBB2_1-.Ltmp2, $4  }
0x8f: {  	[hbm:s7], [sflag:s6] =	dma.local [spmem:s13], $0x2800  }
0x90: {  	_ =	swait.ge [sflag:s14], $0x2800  }
0x91: {  	[sflag:s14] =	ssyncset.done $0x0  }
0x92: {  	[sflag:s14] =	ssyncadd.s32 $0xFFFFD800  }
0x93: {  	_ =	sfence.sel $0x180000  }
0x94: {  	[bflag:$0x0] =	sbarrier.arrive $0xFFFF  }
0x95: {  	p0 =	sne.s32 s1, $0x0;
	_ =	strace $0x9000004D  }
0x96: {  	s0 =	sadd.s32 @!p0 $0x100000, s0;
	[bflag:$0x2] =	sbarrier.arrive $0xFFFF  }
0x97: {  	[sflag:s0] =	ssyncadd.tile.s32 @!p0 $0x1;
	_ =	shalt  }
.Lfunc_end2:
_tile_overlayer_lowered:
.L_overlay_start_2:
0x98: {  	(tag) =	ssettag $0x2  }
0x99: {  	s0 =	rddreg [dreg:$0x0];
	s2 =	stileid.u32  }
0x9a: {  	s1 =	rddreg [dreg:$0x1];
	p0 =	sne.s32 s2, $0x0  }
0x9b: {  	s3 =	rddreg [dreg:$0x2];
	[bflag:$0x3] =	sbarrier.arrive $0xFFFF;
	s2 =	simm.s32 @!p0 $0x1C03  }
0x9c: {  	[timem:s3], [sflag:s2] =	dma.local @!p0 [hbm:s0], s1  }
0x9d: {  	s0 =	simm.s32 @!p0 $0x3  }
0x9e: {  	_ =	swait.ge @!p0 [sflag:s0], s1  }
0x9f: {  	s1 =	ssub.s32 @!p0 $0x0, s1;
	[sflag:s0] =	ssyncset.done @!p0 $0x0  }
0xa0: {  	[sflag:s0] =	ssyncadd.s32 @!p0 s1  }
0xa1: {  	[bflag:$0x3] =	sbarrier.arrive $0xFFFF  }
0xa2: {  	_ =	shalt  }

// kernel: kernel.20.cloned.1.call-start
scs
__scs_entry_jumppad:
0x0: {  	(pc) =	sbr.rel $0x88, $3  }
0x1: {  	(tag) =	ssettag $0x0;
	lr =	simm.s32 $0x1  }
0x2: {  	[smem:$0x3F99] =	sst lr;
	_ =	strace $0xD0000000  }
0x3: {  	_ = 	snop  }
0x4: {  	_ = 	snop  }
0x5: {  	_ = 	snop  }
0x6: {  	_ = 	snop  }
0x7: {  	_ = 	snop  }
__scs_overlays_trampoline_lowered:
0x8: {  	[smem:$0x3FA8] =	sst s0  }
0x9: {  	[smem:$0x3FA9] =	sst s1  }
0xa: {  	[smem:$0x3FAA] =	sst s2  }
0xb: {  	[smem:$0x3FAB] =	sst s3  }
0xc: {  	[smem:$0x3FAC] =	sst s4  }
0xd: {  	[smem:$0x3FAD] =	sst s5  }
0xe: {  	[smem:$0x3FAE] =	sst s6  }
0xf: {  	[smem:$0x3FAF] =	sst s7  }
0x10: {  	[smem:$0x3FB0] =	sst s8  }
0x11: {  	[smem:$0x3FB1] =	sst s9;
	s0 =	simm.s32 @!p0 $0x0  }
0x12: {  	s1 =	sld [smem:$0x3F97];
	s0 =	simm.s32 @p0 $0x1  }
0x13: {  	[smem:$0x3FB2] =	sst s0;
	s0 =	simm.s32 @!p1 $0x0  }
0x14: {  	s2 =	sld [smem:$0x3F96];
	s0 =	simm.s32 @p1 $0x1  }
0x15: {  	[smem:$0x3FB3] =	sst s0;
	s0 =	simm.s32 @!p2 $0x0  }
0x16: {  	s3 =	sld [smem:$0x3FDB];
	s0 =	simm.s32 @p2 $0x1  }
0x17: {  	s4 =	simm.s32 $0x1BF5;
	[smem:$0x3FB5] =	sst s0  }
0x18: {  	s0 =	sld [smem:$0x3F98];
	_ =	swait.ge [sflag:s4], $0x0  }
0x19: {  	s7 =	sld [smem:$0x3F99]  }
0x1a: {  	s8 =	sadd.s32 $0xFFFFE003, lr  }
0x1b: {  	s9 =	sadd.s32 $0xFFFFFEF7, lr;
	s5 =	simm.s32 $0xFFFFFFFF;
	p2 =	slt.u32 s8, $0xFFFFF086  }
0x1c: {  	p1 =	slt.u32 s9, $0xF7A;
	s5 =	simm.s32 @!p2 $0x0  }
0x1d: {  	s5 =	simm.s32 @p1 $0x1;
	p0 =	seq.s32 s7, s2  }
0x1e: {  	s7 =	smul.u32 @!p0 $0xF7A, s2;
	p2 =	seq.s32 @!p0 s5, $0x0  }
0x1f: {  	s9 =	smul.u32 $0xF7A, s1;
	s8 =	simm.s32 @!p0 $0x1BF5;
	p2 =	por !p2, p0  }
0x20: {  	[sflag:s8] =	ssyncset.s32 @!p0 $0xFFFFF086;
	s6 =	sadd.s32 @!p0 s3, s7;
	s7 =	simm.s32 @!p0 $0x108  }
0x21: {  	s3 =	sadd.s32 s3, s9;
	s6 =	sadd.s32 @!p0 $0x88, s6;
	s7 =	simm.s32 @p2 $0x1082  }
0x22: {  	[simem:s7], [sflag:s8] =	dma.local @!p0 [hbm:s6], $0xF7A  }
0x23: {  	s9 =	sor.u32 $0xD0000000, s2;
	s6 =	simm.s32 $0x108;
	_ =	swait.ge @!p0 [sflag:s8], $0x0  }
0x24: {  	s3 =	sadd.s32 $0x88, s3;
	s6 =	simm.s32 @!p1 $0x1082;
	[sflag:s4] =	ssyncset.s32 $0xFFFFF086  }
0x25: {  	[simem:s6], [sflag:s4] =	dma.local [hbm:s3], $0xF7A  }
0x26: {  	[smem:$0x3F99] =	sst s1;
	(tag) =	ssettag s2;
	_ =	strace s9  }
0x27: {  	s1 =	sld [smem:$0x3FA9]  }
0x28: {  	s2 =	sld [smem:$0x3FAA]  }
0x29: {  	s4 =	sld [smem:$0x3FAC]  }
0x2a: {  	p0 =	seq.s32 s5, $0x0;
	s5 =	sld [smem:$0x3FAD]  }
0x2b: {  	s6 =	sld [smem:$0x3FAE]  }
0x2c: {  	s7 =	sld [smem:$0x3FAF]  }
0x2d: {  	s3 =	simm.s32 $0x108;
	s8 =	sld [smem:$0x3FB0]  }
0x2e: {  	s3 =	simm.s32 @!p0 $0x1082;
	s9 =	sld [smem:$0x3FB1]  }
0x2f: {  	lr =	sadd.s32 s0, s3;
	s0 =	sld [smem:$0x3FA8]  }
0x30: {  	s3 =	sld [smem:$0x3FAB]  }
0x31: {  	[smem:$0x3FB4] =	sst s10  }
0x32: {  	s10 =	sld [smem:$0x3FB2];
	_ =	sdelay $0x3  }
0x33: {  	p0 =	seq.s32 s10, $0x1;
	s10 =	sld [smem:$0x3FB4];
	_ =	sdelay $0x3  }
0x34: {  	[smem:$0x3FB4] =	sst s10  }
0x35: {  	s10 =	sld [smem:$0x3FB3];
	_ =	sdelay $0x3  }
0x36: {  	p1 =	seq.s32 s10, $0x1;
	s10 =	sld [smem:$0x3FB4];
	_ =	sdelay $0x3  }
0x37: {  	[smem:$0x3FB4] =	sst s10  }
0x38: {  	s10 =	sld [smem:$0x3FB5]  }
0x39: {  	_ = 	snop;
	(pc) =	sbr.ind lr, $3  }
0x3a: {  	_ = 	snop  }
0x3b: {  	_ = 	snop  }
0x3c: {  	p2 =	seq.s32 s10, $0x1;
	s10 =	sld [smem:$0x3FB4]  }
0x3d: {  	_ =	shalt  }
0x3e: {  	_ =	shalt  }
0x3f: {  	_ =	shalt  }
0x40: {  	_ =	shalt  }
0x41: {  	_ =	shalt  }
0x42: {  	_ =	shalt  }
0x43: {  	_ =	shalt  }
0x44: {  	_ =	shalt  }
0x45: {  	_ =	shalt  }
0x46: {  	_ =	shalt  }
0x47: {  	_ =	shalt  }
0x48: {  	_ =	shalt  }
0x49: {  	_ =	shalt  }
0x4a: {  	_ =	shalt  }
0x4b: {  	_ =	shalt  }
0x4c: {  	_ =	shalt  }
0x4d: {  	_ =	shalt  }
0x4e: {  	_ =	shalt  }
0x4f: {  	_ =	shalt  }
0x50: {  	_ =	shalt  }
0x51: {  	_ =	shalt  }
0x52: {  	_ =	shalt  }
0x53: {  	_ =	shalt  }
0x54: {  	_ =	shalt  }
0x55: {  	_ =	shalt  }
0x56: {  	_ =	shalt  }
0x57: {  	_ =	shalt  }
0x58: {  	_ =	shalt  }
0x59: {  	_ =	shalt  }
0x5a: {  	_ =	shalt  }
0x5b: {  	_ =	shalt  }
0x5c: {  	_ =	shalt  }
0x5d: {  	_ =	shalt  }
0x5e: {  	_ =	shalt  }
0x5f: {  	_ =	shalt  }
0x60: {  	_ =	shalt  }
0x61: {  	_ =	shalt  }
0x62: {  	_ =	shalt  }
0x63: {  	_ =	shalt  }
0x64: {  	_ =	shalt  }
0x65: {  	_ =	shalt  }
0x66: {  	_ =	shalt  }
0x67: {  	_ =	shalt  }
0x68: {  	_ =	shalt  }
0x69: {  	_ =	shalt  }
0x6a: {  	_ =	shalt  }
0x6b: {  	_ =	shalt  }
0x6c: {  	_ =	shalt  }
0x6d: {  	_ =	shalt  }
0x6e: {  	_ =	shalt  }
0x6f: {  	_ =	shalt  }
0x70: {  	_ =	shalt  }
0x71: {  	_ =	shalt  }
0x72: {  	_ =	shalt  }
0x73: {  	_ =	shalt  }
0x74: {  	_ =	shalt  }
0x75: {  	_ =	shalt  }
0x76: {  	_ =	shalt  }
0x77: {  	_ =	shalt  }
0x78: {  	_ =	shalt  }
0x79: {  	_ =	shalt  }
0x7a: {  	_ =	shalt  }
0x7b: {  	_ =	shalt  }
0x7c: {  	_ =	shalt  }
0x7d: {  	_ =	shalt  }
0x7e: {  	_ =	shalt  }
0x7f: {  	_ =	shalt  }
0x80: {  	_ =	shalt  }
0x81: {  	_ =	shalt  }
0x82: {  	_ =	shalt  }
0x83: {  	_ =	shalt  }
0x84: {  	_ =	shalt  }
0x85: {  	_ =	shalt  }
0x86: {  	_ =	shalt  }
0x87: {  	_ =	shalt  }
.Lfunc_end0:
.L_simem_size_0:
called_computation.3_lowered:
.L_overlay_start_0:
0x88: {  	s2 =	sld [smem:$0x3FD9]  }
0x89: {  	s3 =	sld [smem:$0x3FFE];
	_ =	sdelay $0x1  }
0x8a: {  	s1 =	srdreg.scid  }
0x8b: {  	s0 =	sand.u32 $0x1, s1  }
0x8c: {  	s17 =	sshll.u32 s0, $0xA;
	s2 =	sadd.s32 s3, s2  }
0x8d: {  	s2 =	sadd.s32 s2, s17  }
0x8e: {  	[smem:$0x3FC0] =	sst s2  }
0x8f: {  	_ = 	snop  }
0x90: {  	s2 =	sld [smem:$0x3FD0];
	(tm) =	ssettm $0x1  }
0x91: {  	s18 =	sld [smem:$0x3FFB];
	_ =	sdelay $0x3  }
0x92: {  	_ =	strace s18  }
0x93: {  	s3 =	sld [smem:$0x3FFC];
	_ =	sdelay $0x3  }
0x94: {  	_ =	strace s3  }
0x95: {  	s3 =	sld [smem:$0x3FFD];
	_ =	sdelay $0x3  }
0x96: {  	_ =	strace s3  }
0x97: {  	_ =	strace $0x8FFFFFFF  }
0x98: {  	s19 =	sld [smem:$0x3FDB];
	_ =	sdelay $0x1  }
0x99: {  	s4 =	simm.s32 $_scs_section_size  }
0x9a: {  	s5 =	simm.s32 $_size__tile_overlayer_lowered;
	s6 =	simm.s32 $_tile_overlayer_lowered  }
0x9b: {  	s22 =	simm.s32 $0x1BFF;
	s21 =	sshll.u32 s6, $0x1;
	s3 =	sadd.s32 s4, s19  }
0x9c: {  	s7 =	simm.s32 $0x0;
	s20 =	sshll.u32 s5, $0x1;
	s5 =	sadd.s32 s21, s3  }
0x9d: {  	[timem:s7], [sflag:s22] =	dma.local [hbm:s5], s20  }
0x9e: {  	_ =	swait.ge [sflag:s22], s20  }
0x9f: {  	s4 =	ssub.s32 $0x0, s20;
	[sflag:s22] =	ssyncset.done $0x0  }
0xa0: {  	[sflag:s22] =	ssyncadd.s32 s4;
	_ =	sdelay $0x1  }
0xa1: {  	s23 =	simm.s32 $0x1B8B  }
0xa2: {  	_ =	swait.ge [sflag:s23], $0x1  }
0xa3: {  	[sflag:s23] =	ssyncset.done $0x0  }
0xa4: {  	s25 =	simm.s32 $0x1B8E;
	s24 =	sld [smem:$0x3FFE];
	[sflag:s23] =	ssyncadd.s32 $0xFFFFFFFF  }
0xa5: {  	s26 =	simm.s32 $execute0_lowered;
	[smem:$0x3FD2] =	sst s25  }
0xa6: {  	s5 =	sshll.u32 s26, $0x1;
	_ =	strace $0x8000004F;
	[dreg:$0x1] =	wrdreg $0xFFFFFFFF  }
0xa7: {  	s28 =	simm.s32 $_size_execute0_lowered;
	s3 =	sadd.s32 s3, s5;
	[dreg:$0x0] =	wrdreg $0x0  }
0xa8: {  	s5 =	sshll.u32 s28, $0x1;
	[dreg:$0x2] =	wrdreg s3  }
0xa9: {  	[dreg:$0x3] =	wrdreg s5  }
0xaa: {  	[dreg:$0x4] =	wrdreg $0xC0  }
0xab: {  	_ =	task [dreg:s7], $0x5FFFF  }
0xac: {  	[dreg:$0x1] =	wrdreg $0xFFFFFFFF  }
0xad: {  	[dreg:$0x0] =	wrdreg $0x60  }
0xae: {  	[dreg:$0x2] =	wrdreg s24  }
0xaf: {  	[dreg:$0x3] =	wrdreg s2  }
0xb0: {  	[dreg:$0x4] =	wrdreg $0x0  }
0xb1: {  	[dreg:$0x5] =	wrdreg $0x9  }
0xb2: {  	_ =	task.clear_ibuf [dreg:s7], $0x6FFFF;
	_ =	strace $0x9000004F  }
0xb3: {  	s29 =	simm.s32 $0x9;
	_ =	strace $0x80000051  }
0xb4: {  	_ =	swait.ge [sflag:s29], $0x1  }
0xb5: {  	[sflag:s29] =	ssyncadd.s32 $0xFFFFFFFF  }
0xb6: {  	_ =	strace $0x90000051  }
0xb7: {  	_ =	sfence  }
0xb8: {  	s30 =	sld [smem:$0x0];
	_ =	sdelay $0x2  }
0xb9: {  	s31 =	sshll.u32 s1, $0xD;
	s1 =	sshrl.u32 s1, $0x2  }
0xba: {  	s3 =	sand.u32 $0x4000, s31;
	s1 =	sadd.s32 s1, s30  }
0xbb: {  	s0 =	sor.u32 s3, s0;
	s1 =	sshll.u32 s1, $0x11  }
0xbc: {  	s0 =	sor.u32 s1, s0  }
0xbd: {  	s0 =	sadd.s32 $0x8F2B, s0  }
0xbe: {  	[sflag:s0] =	ssyncadd.remote.s32 $0x1  }
0xbf: {  	_ =	sfence.sel $0xFFFF  }
0xc0: {  	[dreg:$0x0] =	wrdreg $0xFFFFFFFF;
	(pc) =	sbr.abs _section_cstart, $3  }
0xc1: {  	[dreg:$0x1] =	wrdreg $0xFFFFFFFF  }
0xc2: {  	_ =	task.clear_ibuf [dreg:s7], $0x2FFFF;
	_ =	strace $0x9FFFFFFF  }
0xc3: {  	(tm) =	ssettm $0x7FFFFFFF  }
tec
execute0_lowered:
.L_overlay_start_1:
0x0: {  	(tag) =	ssettag $0x1  }
0x1: {  	s5 =	rddreg [dreg:$0x0]  }
0x2: {  	s12 =	rddreg [dreg:$0x1]  }
0x3: {  	s2 =	rddreg [dreg:$0x2]  }
0x4: {  	s0 =	rddreg [dreg:$0x3]  }
0x5: {  	s1 =	stileid.u32;
	s4 =	srdreg.scid;
	s3 =	simm.s32 $0x0  }
0x6: {  	s16 =	simm.s32 $0x15400;
	s17 =	simm.s32 $0x80;
	s18 =	simm.s32 $0x16800  }
0x7: {  	s19 =	simm.s32 $0x14080;
	s20 =	simm.s32 $0x1A800;
	s21 =	simm.s32 $0x1  }
0x8: {  	s22 =	simm.s32 $0x2;
	s6 =	smul.u32 $0x14000, s1;
	s7 =	sand.u32 $0x1, s4  }
0x9: {  	[smem:$0x7FF] =	sst s3;
	s4 =	sadd.s32 $0x35000, s5;
	s11 =	sadd.s32 $0x3000, s5  }
0xa: {  	s13 =	sshll.u32 s1, $0x1;
	s14 =	smul.u32 $0x50000, s1;
	s28 =	sshll.u32 s1, $0x6  }
0xb: {  	s8 =	smul.u32 $0x140000, s7;
	_ =	strace $0x80000050;
	s24 =	ssub.s32 $0x2, s7  }
0xc: {  	s25 =	sor.u32 s7, s13;
	s9 =	sshrl.u32 s6, $0x3;
	s10 =	sshrl.u32 s24, $0x1  }
0xd: {  	s26 =	sshrl.u32 s14, $0x2;
	s29 =	smul.u32 $0x2800, s25;
	s25 =	simm.s32 $0x0  }
0xe: {  	s6 =	sadd.s32 s6, s8;
	s23 =	sadd.s32 s9, s5;
	s9 =	ssub.s32 s24, s10  }
0xf: {  	s30 =	sadd.s32 s26, s2;
	s24 =	simm.s32 $0x16780;
	s6 =	sshrl.u32 s6, $0x3  }
0x10: {  	s8 =	smax.u32 s9, $0x1;
	s31 =	sshrl.u32 s29, $0x3;
	s13 =	sshrl.u32 s30, $0x3  }
0x11: {  	s15 =	sadd.s32 s6, s5;
	s5 =	sadd.s32 $0xD000, s23;
	s6 =	sor.u32 $0x1C03, s28  }
0x12: {  	s9 =	sadd.s32 s11, s31;
	s10 =	sadd.s32 s12, s31;
	s14 =	sadd.s32 $0x280, s31  }
0x13: {  	s23 =	simm.s32 $0x16700;
	s7 =	sadd.s32 $0xFD000, s15;
	s11 =	sadd.s32 s11, s14  }
0x14: {  	s12 =	sadd.s32 s12, s14;
	s14 =	simm.s32 $0x3;
	s15 =	simm.s32 $0x14000  }
.LBB2_1:
0x15: {  	[spmem:s13], [sflag:s6] =	dma.local [hbm:s5], $0x2800  }
0x16: {  	_ =	swait.ge [sflag:s14], $0x2800  }
0x17: {  	[sflag:s14] =	ssyncset.done $0x0  }
0x18: {  	[sflag:s14] =	ssyncadd.s32 $0xFFFFD800  }
0x19: {  	[bflag:$0x0] =	sbarrier.arrive $0xFFFF  }
0x1a: {  	[tilespmem:s15], [sflag:$0x3] =	stream.linear.gather [hbm4b:s9+s3], $0x1400, $0x38;
	[tilespmem:$0x1E800] =	vst v63  }
0x1b: {  	_ =	swait.ge [sflag:s14], $0x1400  }
0x1c: {  	[sflag:s14] =	ssyncset.done $0x0  }
0x1d: {  	[sflag:s14] =	ssyncadd.s32 $0xFFFFEC00  }
0x1e: {  	[tilespmem:s16], [sflag:$0x3] =	stream.linear.gather [hbm4b:s10+s3], $0x1400, $0x38;
	[tilespmem:$0x1E800] =	vst v63  }
0x1f: {  	_ =	swait.ge [sflag:s14], $0x1400  }
0x20: {  	[sflag:s14] =	ssyncset.done $0x0  }
0x21: {  	[sflag:s14] =	ssyncadd.s32 $0xFFFFEC00  }
0x22: {  	[tilespmem:s18], [sflag:$0x1] =	stream.indirect.gather [hbm4b:s4+s17], $0x80, s15, s17, $0xb8;
	[tilespmem:$0x1E800] =	vst v63  }
0x23: {  	_ = 	snop  }
0x24: {  	[tilespmem:s20], [sflag:$0x2] =	stream.indirect.gather [hbm4b:s4+s17], $0x80, s19, s17, $0xb8;
	[tilespmem:$0x1E800] =	vst v63  }
0x25: {  	_ =	swait.ge [sflag:s21], $0x4000  }
0x26: {  	[sflag:s21] =	ssyncset.done $0x0  }
0x27: {  	s26 =	simm.s32 $0x15400;
	[sflag:s21] =	ssyncadd.s32 $0xFFFFC000  }
0x28: {  	[spmem:s2] =	stream.indirect.scatter.add.f32 [tilespmem:s18], [sflag:$0x3], $0x80, s26, s17, $0xb8;
	[tilespmem:$0x1E800] =	vst v63  }
0x29: {  	_ =	swait.ge [sflag:s14], $0x4000  }
0x2a: {  	[sflag:s14] =	ssyncset.done $0x0  }
0x2b: {  	s30 =	simm.s32 $0x14100;
	[sflag:s14] =	ssyncadd.s32 $0xFFFFC000  }
0x2c: {  	[tilespmem:s18], [sflag:$0x1] =	stream.indirect.gather [hbm4b:s4+s17], $0x80, s30, s17, $0xb8;
	[tilespmem:$0x1E800] =	vst v63  }
0x2d: {  	_ =	swait.ge [sflag:s22], $0x4000  }
0x2e: {  	[sflag:s22] =	ssyncset.done $0x0  }
0x2f: {  	s31 =	simm.s32 $0x15480;
	[sflag:s22] =	ssyncadd.s32 $0xFFFFC000  }
0x30: {  	[spmem:s2] =	stream.indirect.scatter.add.f32 [tilespmem:s20], [sflag:$0x3], $0x80, s31, s17, $0xb8;
	[tilespmem:$0x1E800] =	vst v63  }
0x31: {  	_ =	swait.ge [sflag:s14], $0x4000  }
0x32: {  	[sflag:s14] =	ssyncset.done $0x0  }
0x33: {  	s28 =	simm.s32 $0x14180;
	s26 =	simm.s32 $0x400;
	[sflag:s14] =	ssyncadd.s32 $0xFFFFC000  }
.LBB2_2:
0x34: {  	[tilespmem:s20], [sflag:$0x2] =	stream.indirect.gather [hbm4b:s4+s17], $0x80, s28, s17, $0xb8;
	[tilespmem:$0x1E800] =	vst v63  }
0x35: {  	s28 =	smov.u32 s26  }
0x36: {  	p0 =	sne.s32 s26, $0x4800;
	s26 =	sadd.s32 $0x400, s26;
	_ =	swait.ge [sflag:s21], $0x4000  }
0x37: {  	s28 =	sshra.s32 s28, $0x2;
	[sflag:s21] =	ssyncset.done $0x0  }
0x38: {  	s29 =	sadd.s32 $0x15400, s28;
	[sflag:s21] =	ssyncadd.s32 $0xFFFFC000  }
0x39: {  	[spmem:s2] =	stream.indirect.scatter.add.f32 [tilespmem:s18], [sflag:$0x3], $0x80, s29, s17, $0xb8;
	[tilespmem:$0x1E800] =	vst v63  }
0x3a: {  	_ =	swait.ge [sflag:s14], $0x4000  }
0x3b: {  	[sflag:s14] =	ssyncset.done $0x0  }
0x3c: {  	s29 =	sadd.s32 $0x14100, s28;
	[sflag:s14] =	ssyncadd.s32 $0xFFFFC000  }
0x3d: {  	[tilespmem:s18], [sflag:$0x1] =	stream.indirect.gather [hbm4b:s4+s17], $0x80, s29, s17, $0xb8;
	[tilespmem:$0x1E800] =	vst v63  }
0x3e: {  	_ =	swait.ge [sflag:s22], $0x4000  }
0x3f: {  	[sflag:s22] =	ssyncset.done $0x0  }
.Ltmp0:
0x40: {  	s29 =	sadd.s32 $0x15480, s28;
	[sflag:s22] =	ssyncadd.s32 $0xFFFFC000;
	(pc) =	sbr.rel @p0 .LBB2_2-.Ltmp0, $4  }
0x41: {  	[spmem:s2] =	stream.indirect.scatter.add.f32 [tilespmem:s20], [sflag:$0x3], $0x80, s29, s17, $0xb8;
	[tilespmem:$0x1E800] =	vst v63  }
0x42: {  	_ =	swait.ge [sflag:s14], $0x4000  }
0x43: {  	[sflag:s14] =	ssyncset.done $0x0  }
0x44: {  	s28 =	sadd.s32 $0x14180, s28;
	[sflag:s14] =	ssyncadd.s32 $0xFFFFC000  }
0x45: {  	[tilespmem:s20], [sflag:$0x2] =	stream.indirect.gather [hbm4b:s4+s17], $0x80, s28, s17, $0xb8;
	[tilespmem:$0x1E800] =	vst v63  }
0x46: {  	_ =	swait.ge [sflag:s21], $0x4000  }
0x47: {  	[sflag:s21] =	ssyncset.done $0x0  }
0x48: {  	[sflag:s21] =	ssyncadd.s32 $0xFFFFC000  }
0x49: {  	[spmem:s2] =	stream.indirect.scatter.add.f32 [tilespmem:s18], [sflag:$0x3], $0x80, s23, s17, $0xb8;
	[tilespmem:$0x1E800] =	vst v63  }
0x4a: {  	_ =	swait.ge [sflag:s14], $0x4000  }
0x4b: {  	[sflag:s14] =	ssyncset.done $0x0  }
0x4c: {  	[sflag:s14] =	ssyncadd.s32 $0xFFFFC000  }
0x4d: {  	_ =	swait.ge [sflag:s22], $0x4000  }
0x4e: {  	[sflag:s22] =	ssyncset.done $0x0  }
0x4f: {  	[sflag:s22] =	ssyncadd.s32 $0xFFFFC000  }
0x50: {  	[spmem:s2] =	stream.indirect.scatter.add.f32 [tilespmem:s20], [sflag:$0x3], $0x80, s24, s17, $0xb8;
	[tilespmem:$0x1E800] =	vst v63  }
0x51: {  	_ =	swait.ge [sflag:s14], $0x4000  }
0x52: {  	[sflag:s14] =	ssyncset.done $0x0  }
0x53: {  	s26 =	simm.s32 $0x0;
	[sflag:s14] =	ssyncadd.s32 $0xFFFFC000  }
0x54: {  	[tilespmem:s15], [sflag:$0x3] =	stream.linear.gather [hbm4b:s11+s26], $0x1400, $0x38;
	[tilespmem:$0x1E800] =	vst v63  }
0x55: {  	_ =	swait.ge [sflag:s14], $0x1400  }
0x56: {  	[sflag:s14] =	ssyncset.done $0x0  }
0x57: {  	[sflag:s14] =	ssyncadd.s32 $0xFFFFEC00  }
0x58: {  	[tilespmem:s16], [sflag:$0x3] =	stream.linear.gather [hbm4b:s12+s26], $0x1400, $0x38;
	[tilespmem:$0x1E800] =	vst v63  }
0x59: {  	_ =	swait.ge [sflag:s14], $0x1400  }
0x5a: {  	[sflag:s14] =	ssyncset.done $0x0  }
0x5b: {  	[sflag:s14] =	ssyncadd.s32 $0xFFFFEC00  }
0x5c: {  	[tilespmem:s18], [sflag:$0x1] =	stream.indirect.gather [hbm4b:s4+s17], $0x80, s15, s17, $0xb8;
	[tilespmem:$0x1E800] =	vst v63  }
0x5d: {  	_ = 	snop  }
0x5e: {  	[tilespmem:s20], [sflag:$0x2] =	stream.indirect.gather [hbm4b:s4+s17], $0x80, s19, s17, $0xb8;
	[tilespmem:$0x1E800] =	vst v63  }
0x5f: {  	_ =	swait.ge [sflag:s21], $0x4000  }
0x60: {  	[sflag:s21] =	ssyncset.done $0x0  }
0x61: {  	s29 =	simm.s32 $0x15400;
	[sflag:s21] =	ssyncadd.s32 $0xFFFFC000  }
0x62: {  	[spmem:s2] =	stream.indirect.scatter.add.f32 [tilespmem:s18], [sflag:$0x3], $0x80, s29, s17, $0xb8;
	[tilespmem:$0x1E800] =	vst v63  }
0x63: {  	_ =	swait.ge [sflag:s14], $0x4000  }
0x64: {  	[sflag:s14] =	ssyncset.done $0x0  }
0x65: {  	s30 =	simm.s32 $0x14100;
	[sflag:s14] =	ssyncadd.s32 $0xFFFFC000  }
0x66: {  	[tilespmem:s18], [sflag:$0x1] =	stream.indirect.gather [hbm4b:s4+s17], $0x80, s30, s17, $0xb8;
	[tilespmem:$0x1E800] =	vst v63  }
0x67: {  	_ =	swait.ge [sflag:s22], $0x4000  }
0x68: {  	[sflag:s22] =	ssyncset.done $0x0  }
0x69: {  	s31 =	simm.s32 $0x15480;
	[sflag:s22] =	ssyncadd.s32 $0xFFFFC000  }
0x6a: {  	[spmem:s2] =	stream.indirect.scatter.add.f32 [tilespmem:s20], [sflag:$0x3], $0x80, s31, s17, $0xb8;
	[tilespmem:$0x1E800] =	vst v63  }
0x6b: {  	_ =	swait.ge [sflag:s14], $0x4000  }
0x6c: {  	[sflag:s14] =	ssyncset.done $0x0  }
0x6d: {  	s28 =	simm.s32 $0x14180;
	s26 =	simm.s32 $0x400;
	[sflag:s14] =	ssyncadd.s32 $0xFFFFC000  }
.LBB2_4:
0x6e: {  	[tilespmem:s20], [sflag:$0x2] =	stream.indirect.gather [hbm4b:s4+s17], $0x80, s28, s17, $0xb8;
	[tilespmem:$0x1E800] =	vst v63  }
0x6f: {  	s28 =	smov.u32 s26  }
0x70: {  	p0 =	sne.s32 s26, $0x4800;
	s26 =	sadd.s32 $0x400, s26;
	_ =	swait.ge [sflag:s21], $0x4000  }
0x71: {  	s28 =	sshra.s32 s28, $0x2;
	[sflag:s21] =	ssyncset.done $0x0  }
0x72: {  	s29 =	sadd.s32 $0x15400, s28;
	[sflag:s21] =	ssyncadd.s32 $0xFFFFC000  }
0x73: {  	[spmem:s2] =	stream.indirect.scatter.add.f32 [tilespmem:s18], [sflag:$0x3], $0x80, s29, s17, $0xb8;
	[tilespmem:$0x1E800] =	vst v63  }
0x74: {  	_ =	swait.ge [sflag:s14], $0x4000  }
0x75: {  	[sflag:s14] =	ssyncset.done $0x0  }
0x76: {  	s29 =	sadd.s32 $0x14100, s28;
	[sflag:s14] =	ssyncadd.s32 $0xFFFFC000  }
0x77: {  	[tilespmem:s18], [sflag:$0x1] =	stream.indirect.gather [hbm4b:s4+s17], $0x80, s29, s17, $0xb8;
	[tilespmem:$0x1E800] =	vst v63  }
0x78: {  	_ =	swait.ge [sflag:s22], $0x4000  }
0x79: {  	[sflag:s22] =	ssyncset.done $0x0  }
.Ltmp1:
0x7a: {  	s29 =	sadd.s32 $0x15480, s28;
	[sflag:s22] =	ssyncadd.s32 $0xFFFFC000;
	(pc) =	sbr.rel @p0 .LBB2_4-.Ltmp1, $4  }
0x7b: {  	[spmem:s2] =	stream.indirect.scatter.add.f32 [tilespmem:s20], [sflag:$0x3], $0x80, s29, s17, $0xb8;
	[tilespmem:$0x1E800] =	vst v63  }
0x7c: {  	_ =	swait.ge [sflag:s14], $0x4000  }
0x7d: {  	[sflag:s14] =	ssyncset.done $0x0  }
0x7e: {  	s28 =	sadd.s32 $0x14180, s28;
	[sflag:s14] =	ssyncadd.s32 $0xFFFFC000  }
0x7f: {  	[tilespmem:s20], [sflag:$0x2] =	stream.indirect.gather [hbm4b:s4+s17], $0x80, s28, s17, $0xb8;
	[tilespmem:$0x1E800] =	vst v63  }
0x80: {  	_ =	swait.ge [sflag:s21], $0x4000  }
0x81: {  	[sflag:s21] =	ssyncset.done $0x0  }
0x82: {  	[sflag:s21] =	ssyncadd.s32 $0xFFFFC000  }
0x83: {  	[spmem:s2] =	stream.indirect.scatter.add.f32 [tilespmem:s18], [sflag:$0x3], $0x80, s23, s17, $0xb8;
	[tilespmem:$0x1E800] =	vst v63  }
0x84: {  	_ =	swait.ge [sflag:s14], $0x4000  }
0x85: {  	[sflag:s14] =	ssyncset.done $0x0  }
0x86: {  	[sflag:s14] =	ssyncadd.s32 $0xFFFFC000  }
0x87: {  	_ =	swait.ge [sflag:s22], $0x4000  }
0x88: {  	[sflag:s22] =	ssyncset.done $0x0  }
0x89: {  	[sflag:s22] =	ssyncadd.s32 $0xFFFFC000  }
0x8a: {  	[spmem:s2] =	stream.indirect.scatter.add.f32 [tilespmem:s20], [sflag:$0x3], $0x80, s24, s17, $0xb8;
	[tilespmem:$0x1E800] =	vst v63  }
0x8b: {  	_ =	swait.ge [sflag:s14], $0x4000  }
0x8c: {  	s25 =	sadd.s32 $0x1, s25;
	[sflag:s14] =	ssyncset.done $0x0  }
0x8d: {  	p0 =	sne.s32 s25, s8;
	[sflag:s14] =	ssyncadd.s32 $0xFFFFC000  }
.Ltmp2:
0x8e: {  	[bflag:$0x0] =	sbarrier.arrive $0xFFFF;
	(pc) =	sbr.rel @p0 .LBB2_1-.Ltmp2, $4  }
0x8f: {  	[hbm:s7], [sflag:s6] =	dma.local [spmem:s13], $0x2800  }
0x90: {  	_ =	swait.ge [sflag:s14], $0x2800  }
0x91: {  	[sflag:s14] =	ssyncset.done $0x0  }
0x92: {  	[sflag:s14] =	ssyncadd.s32 $0xFFFFD800  }
0x93: {  	_ =	sfence.sel $0x180000  }
0x94: {  	[bflag:$0x0] =	sbarrier.arrive $0xFFFF  }
0x95: {  	p0 =	sne.s32 s1, $0x0;
	_ =	strace $0x90000050  }
0x96: {  	s0 =	sadd.s32 @!p0 $0x100000, s0;
	[bflag:$0x2] =	sbarrier.arrive $0xFFFF  }
0x97: {  	[sflag:s0] =	ssyncadd.tile.s32 @!p0 $0x1;
	_ =	shalt  }
.Lfunc_end2:
_tile_overlayer_lowered:
.L_overlay_start_2:
0x98: {  	(tag) =	ssettag $0x2  }
0x99: {  	s0 =	rddreg [dreg:$0x0];
	s2 =	stileid.u32  }
0x9a: {  	s1 =	rddreg [dreg:$0x1];
	p0 =	sne.s32 s2, $0x0  }
0x9b: {  	s3 =	rddreg [dreg:$0x2];
	[bflag:$0x3] =	sbarrier.arrive $0xFFFF;
	s2 =	simm.s32 @!p0 $0x1C03  }
0x9c: {  	[timem:s3], [sflag:s2] =	dma.local @!p0 [hbm:s0], s1  }
0x9d: {  	s0 =	simm.s32 @!p0 $0x3  }
0x9e: {  	_ =	swait.ge @!p0 [sflag:s0], s1  }
0x9f: {  	s1 =	ssub.s32 @!p0 $0x0, s1;
	[sflag:s0] =	ssyncset.done @!p0 $0x0  }
0xa0: {  	[sflag:s0] =	ssyncadd.s32 @!p0 s1  }
0xa1: {  	[bflag:$0x3] =	sbarrier.arrive $0xFFFF  }
0xa2: {  	_ =	shalt  }

// kernel: kernel.23.cloned.1.call-start
scs
__scs_entry_jumppad:
0x0: {  	(pc) =	sbr.rel $0x88, $3  }
0x1: {  	(tag) =	ssettag $0x0;
	lr =	simm.s32 $0x1  }
0x2: {  	[smem:$0x3F99] =	sst lr;
	_ =	strace $0xD0000000  }
0x3: {  	_ = 	snop  }
0x4: {  	_ = 	snop  }
0x5: {  	_ = 	snop  }
0x6: {  	_ = 	snop  }
0x7: {  	_ = 	snop  }
__scs_overlays_trampoline_lowered:
0x8: {  	[smem:$0x3FA8] =	sst s0  }
0x9: {  	[smem:$0x3FA9] =	sst s1  }
0xa: {  	[smem:$0x3FAA] =	sst s2  }
0xb: {  	[smem:$0x3FAB] =	sst s3  }
0xc: {  	[smem:$0x3FAC] =	sst s4  }
0xd: {  	[smem:$0x3FAD] =	sst s5  }
0xe: {  	[smem:$0x3FAE] =	sst s6  }
0xf: {  	[smem:$0x3FAF] =	sst s7  }
0x10: {  	[smem:$0x3FB0] =	sst s8  }
0x11: {  	[smem:$0x3FB1] =	sst s9;
	s0 =	simm.s32 @!p0 $0x0  }
0x12: {  	s1 =	sld [smem:$0x3F97];
	s0 =	simm.s32 @p0 $0x1  }
0x13: {  	[smem:$0x3FB2] =	sst s0;
	s0 =	simm.s32 @!p1 $0x0  }
0x14: {  	s2 =	sld [smem:$0x3F96];
	s0 =	simm.s32 @p1 $0x1  }
0x15: {  	[smem:$0x3FB3] =	sst s0;
	s0 =	simm.s32 @!p2 $0x0  }
0x16: {  	s3 =	sld [smem:$0x3FDB];
	s0 =	simm.s32 @p2 $0x1  }
0x17: {  	s4 =	simm.s32 $0x1BF5;
	[smem:$0x3FB5] =	sst s0  }
0x18: {  	s0 =	sld [smem:$0x3F98];
	_ =	swait.ge [sflag:s4], $0x0  }
0x19: {  	s7 =	sld [smem:$0x3F99]  }
0x1a: {  	s8 =	sadd.s32 $0xFFFFE003, lr  }
0x1b: {  	s9 =	sadd.s32 $0xFFFFFEF7, lr;
	s5 =	simm.s32 $0xFFFFFFFF;
	p2 =	slt.u32 s8, $0xFFFFF086  }
0x1c: {  	p1 =	slt.u32 s9, $0xF7A;
	s5 =	simm.s32 @!p2 $0x0  }
0x1d: {  	s5 =	simm.s32 @p1 $0x1;
	p0 =	seq.s32 s7, s2  }
0x1e: {  	s7 =	smul.u32 @!p0 $0xF7A, s2;
	p2 =	seq.s32 @!p0 s5, $0x0  }
0x1f: {  	s9 =	smul.u32 $0xF7A, s1;
	s8 =	simm.s32 @!p0 $0x1BF5;
	p2 =	por !p2, p0  }
0x20: {  	[sflag:s8] =	ssyncset.s32 @!p0 $0xFFFFF086;
	s6 =	sadd.s32 @!p0 s3, s7;
	s7 =	simm.s32 @!p0 $0x108  }
0x21: {  	s3 =	sadd.s32 s3, s9;
	s6 =	sadd.s32 @!p0 $0x88, s6;
	s7 =	simm.s32 @p2 $0x1082  }
0x22: {  	[simem:s7], [sflag:s8] =	dma.local @!p0 [hbm:s6], $0xF7A  }
0x23: {  	s9 =	sor.u32 $0xD0000000, s2;
	s6 =	simm.s32 $0x108;
	_ =	swait.ge @!p0 [sflag:s8], $0x0  }
0x24: {  	s3 =	sadd.s32 $0x88, s3;
	s6 =	simm.s32 @!p1 $0x1082;
	[sflag:s4] =	ssyncset.s32 $0xFFFFF086  }
0x25: {  	[simem:s6], [sflag:s4] =	dma.local [hbm:s3], $0xF7A  }
0x26: {  	[smem:$0x3F99] =	sst s1;
	(tag) =	ssettag s2;
	_ =	strace s9  }
0x27: {  	s1 =	sld [smem:$0x3FA9]  }
0x28: {  	s2 =	sld [smem:$0x3FAA]  }
0x29: {  	s4 =	sld [smem:$0x3FAC]  }
0x2a: {  	p0 =	seq.s32 s5, $0x0;
	s5 =	sld [smem:$0x3FAD]  }
0x2b: {  	s6 =	sld [smem:$0x3FAE]  }
0x2c: {  	s7 =	sld [smem:$0x3FAF]  }
0x2d: {  	s3 =	simm.s32 $0x108;
	s8 =	sld [smem:$0x3FB0]  }
0x2e: {  	s3 =	simm.s32 @!p0 $0x1082;
	s9 =	sld [smem:$0x3FB1]  }
0x2f: {  	lr =	sadd.s32 s0, s3;
	s0 =	sld [smem:$0x3FA8]  }
0x30: {  	s3 =	sld [smem:$0x3FAB]  }
0x31: {  	[smem:$0x3FB4] =	sst s10  }
0x32: {  	s10 =	sld [smem:$0x3FB2];
	_ =	sdelay $0x3  }
0x33: {  	p0 =	seq.s32 s10, $0x1;
	s10 =	sld [smem:$0x3FB4];
	_ =	sdelay $0x3  }
0x34: {  	[smem:$0x3FB4] =	sst s10  }
0x35: {  	s10 =	sld [smem:$0x3FB3];
	_ =	sdelay $0x3  }
0x36: {  	p1 =	seq.s32 s10, $0x1;
	s10 =	sld [smem:$0x3FB4];
	_ =	sdelay $0x3  }
0x37: {  	[smem:$0x3FB4] =	sst s10  }
0x38: {  	s10 =	sld [smem:$0x3FB5]  }
0x39: {  	_ = 	snop;
	(pc) =	sbr.ind lr, $3  }
0x3a: {  	_ = 	snop  }
0x3b: {  	_ = 	snop  }
0x3c: {  	p2 =	seq.s32 s10, $0x1;
	s10 =	sld [smem:$0x3FB4]  }
0x3d: {  	_ =	shalt  }
0x3e: {  	_ =	shalt  }
0x3f: {  	_ =	shalt  }
0x40: {  	_ =	shalt  }
0x41: {  	_ =	shalt  }
0x42: {  	_ =	shalt  }
0x43: {  	_ =	shalt  }
0x44: {  	_ =	shalt  }
0x45: {  	_ =	shalt  }
0x46: {  	_ =	shalt  }
0x47: {  	_ =	shalt  }
0x48: {  	_ =	shalt  }
0x49: {  	_ =	shalt  }
0x4a: {  	_ =	shalt  }
0x4b: {  	_ =	shalt  }
0x4c: {  	_ =	shalt  }
0x4d: {  	_ =	shalt  }
0x4e: {  	_ =	shalt  }
0x4f: {  	_ =	shalt  }
0x50: {  	_ =	shalt  }
0x51: {  	_ =	shalt  }
0x52: {  	_ =	shalt  }
0x53: {  	_ =	shalt  }
0x54: {  	_ =	shalt  }
0x55: {  	_ =	shalt  }
0x56: {  	_ =	shalt  }
0x57: {  	_ =	shalt  }
0x58: {  	_ =	shalt  }
0x59: {  	_ =	shalt  }
0x5a: {  	_ =	shalt  }
0x5b: {  	_ =	shalt  }
0x5c: {  	_ =	shalt  }
0x5d: {  	_ =	shalt  }
0x5e: {  	_ =	shalt  }
0x5f: {  	_ =	shalt  }
0x60: {  	_ =	shalt  }
0x61: {  	_ =	shalt  }
0x62: {  	_ =	shalt  }
0x63: {  	_ =	shalt  }
0x64: {  	_ =	shalt  }
0x65: {  	_ =	shalt  }
0x66: {  	_ =	shalt  }
0x67: {  	_ =	shalt  }
0x68: {  	_ =	shalt  }
0x69: {  	_ =	shalt  }
0x6a: {  	_ =	shalt  }
0x6b: {  	_ =	shalt  }
0x6c: {  	_ =	shalt  }
0x6d: {  	_ =	shalt  }
0x6e: {  	_ =	shalt  }
0x6f: {  	_ =	shalt  }
0x70: {  	_ =	shalt  }
0x71: {  	_ =	shalt  }
0x72: {  	_ =	shalt  }
0x73: {  	_ =	shalt  }
0x74: {  	_ =	shalt  }
0x75: {  	_ =	shalt  }
0x76: {  	_ =	shalt  }
0x77: {  	_ =	shalt  }
0x78: {  	_ =	shalt  }
0x79: {  	_ =	shalt  }
0x7a: {  	_ =	shalt  }
0x7b: {  	_ =	shalt  }
0x7c: {  	_ =	shalt  }
0x7d: {  	_ =	shalt  }
0x7e: {  	_ =	shalt  }
0x7f: {  	_ =	shalt  }
0x80: {  	_ =	shalt  }
0x81: {  	_ =	shalt  }
0x82: {  	_ =	shalt  }
0x83: {  	_ =	shalt  }
0x84: {  	_ =	shalt  }
0x85: {  	_ =	shalt  }
0x86: {  	_ =	shalt  }
0x87: {  	_ =	shalt  }
.Lfunc_end0:
.L_simem_size_0:
called_computation.4_lowered:
.L_overlay_start_0:
0x88: {  	s2 =	sld [smem:$0x3FD9]  }
0x89: {  	s3 =	sld [smem:$0x3FFE];
	_ =	sdelay $0x1  }
0x8a: {  	s1 =	srdreg.scid  }
0x8b: {  	s0 =	sand.u32 $0x1, s1  }
0x8c: {  	s17 =	sshll.u32 s0, $0xA;
	s2 =	sadd.s32 s3, s2  }
0x8d: {  	s2 =	sadd.s32 s2, s17  }
0x8e: {  	[smem:$0x3FC0] =	sst s2  }
0x8f: {  	_ = 	snop  }
0x90: {  	s2 =	sld [smem:$0x3FD0];
	(tm) =	ssettm $0x1  }
0x91: {  	s18 =	sld [smem:$0x3FFB];
	_ =	sdelay $0x3  }
0x92: {  	_ =	strace s18  }
0x93: {  	s3 =	sld [smem:$0x3FFC];
	_ =	sdelay $0x3  }
0x94: {  	_ =	strace s3  }
0x95: {  	s3 =	sld [smem:$0x3FFD];
	_ =	sdelay $0x3  }
0x96: {  	_ =	strace s3  }
0x97: {  	_ =	strace $0x8FFFFFFF  }
0x98: {  	s19 =	sld [smem:$0x3FDB];
	_ =	sdelay $0x1  }
0x99: {  	s4 =	simm.s32 $_scs_section_size  }
0x9a: {  	s5 =	simm.s32 $_size__tile_overlayer_lowered;
	s6 =	simm.s32 $_tile_overlayer_lowered  }
0x9b: {  	s22 =	simm.s32 $0x1BFF;
	s21 =	sshll.u32 s6, $0x1;
	s3 =	sadd.s32 s4, s19  }
0x9c: {  	s7 =	simm.s32 $0x0;
	s20 =	sshll.u32 s5, $0x1;
	s5 =	sadd.s32 s21, s3  }
0x9d: {  	[timem:s7], [sflag:s22] =	dma.local [hbm:s5], s20  }
0x9e: {  	_ =	swait.ge [sflag:s22], s20  }
0x9f: {  	s4 =	ssub.s32 $0x0, s20;
	[sflag:s22] =	ssyncset.done $0x0  }
0xa0: {  	[sflag:s22] =	ssyncadd.s32 s4;
	_ =	sdelay $0x1  }
0xa1: {  	s23 =	simm.s32 $0x1B8B  }
0xa2: {  	_ =	swait.ge [sflag:s23], $0x1  }
0xa3: {  	[sflag:s23] =	ssyncset.done $0x0  }
0xa4: {  	s25 =	simm.s32 $0x1B8E;
	s24 =	sld [smem:$0x3FFE];
	[sflag:s23] =	ssyncadd.s32 $0xFFFFFFFF  }
0xa5: {  	s26 =	simm.s32 $execute0_lowered;
	[smem:$0x3FD2] =	sst s25  }
0xa6: {  	s5 =	sshll.u32 s26, $0x1;
	_ =	strace $0x80000052;
	[dreg:$0x1] =	wrdreg $0xFFFFFFFF  }
0xa7: {  	s28 =	simm.s32 $_size_execute0_lowered;
	s3 =	sadd.s32 s3, s5;
	[dreg:$0x0] =	wrdreg $0x0  }
0xa8: {  	s5 =	sshll.u32 s28, $0x1;
	[dreg:$0x2] =	wrdreg s3  }
0xa9: {  	[dreg:$0x3] =	wrdreg s5  }
0xaa: {  	[dreg:$0x4] =	wrdreg $0xC0  }
0xab: {  	_ =	task [dreg:s7], $0x5FFFF  }
0xac: {  	[dreg:$0x1] =	wrdreg $0xFFFFFFFF  }
0xad: {  	[dreg:$0x0] =	wrdreg $0x60  }
0xae: {  	[dreg:$0x2] =	wrdreg s24  }
0xaf: {  	[dreg:$0x3] =	wrdreg s2  }
0xb0: {  	[dreg:$0x4] =	wrdreg $0x0  }
0xb1: {  	[dreg:$0x5] =	wrdreg $0x9  }
0xb2: {  	_ =	task.clear_ibuf [dreg:s7], $0x6FFFF;
	_ =	strace $0x90000052  }
0xb3: {  	s29 =	simm.s32 $0x9;
	_ =	strace $0x80000054  }
0xb4: {  	_ =	swait.ge [sflag:s29], $0x1  }
0xb5: {  	[sflag:s29] =	ssyncadd.s32 $0xFFFFFFFF  }
0xb6: {  	_ =	strace $0x90000054  }
0xb7: {  	_ =	sfence  }
0xb8: {  	s30 =	sld [smem:$0x0];
	_ =	sdelay $0x2  }
0xb9: {  	s31 =	sshll.u32 s1, $0xD;
	s1 =	sshrl.u32 s1, $0x2  }
0xba: {  	s3 =	sand.u32 $0x4000, s31;
	s1 =	sadd.s32 s1, s30  }
0xbb: {  	s0 =	sor.u32 s3, s0;
	s1 =	sshll.u32 s1, $0x11  }
0xbc: {  	s0 =	sor.u32 s1, s0  }
0xbd: {  	s0 =	sadd.s32 $0x8F2B, s0  }
0xbe: {  	[sflag:s0] =	ssyncadd.remote.s32 $0x1  }
0xbf: {  	_ =	sfence.sel $0xFFFF  }
0xc0: {  	[dreg:$0x0] =	wrdreg $0xFFFFFFFF;
	(pc) =	sbr.abs _section_cstart, $3  }
0xc1: {  	[dreg:$0x1] =	wrdreg $0xFFFFFFFF  }
0xc2: {  	_ =	task.clear_ibuf [dreg:s7], $0x2FFFF;
	_ =	strace $0x9FFFFFFF  }
0xc3: {  	(tm) =	ssettm $0x7FFFFFFF  }
tec
execute0_lowered:
.L_overlay_start_1:
0x0: {  	(tag) =	ssettag $0x1  }
0x1: {  	s5 =	rddreg [dreg:$0x0]  }
0x2: {  	s12 =	rddreg [dreg:$0x1]  }
0x3: {  	s2 =	rddreg [dreg:$0x2]  }
0x4: {  	s0 =	rddreg [dreg:$0x3]  }
0x5: {  	s1 =	stileid.u32;
	s4 =	srdreg.scid;
	s3 =	simm.s32 $0x0  }
0x6: {  	s16 =	simm.s32 $0x15400;
	s17 =	simm.s32 $0x80;
	s18 =	simm.s32 $0x16800  }
0x7: {  	s19 =	simm.s32 $0x14080;
	s20 =	simm.s32 $0x1A800;
	s21 =	simm.s32 $0x1  }
0x8: {  	s22 =	simm.s32 $0x2;
	s6 =	smul.u32 $0x14000, s1;
	s7 =	sand.u32 $0x1, s4  }
0x9: {  	[smem:$0x7FF] =	sst s3;
	s4 =	sadd.s32 $0x35000, s5;
	s11 =	sadd.s32 $0x3000, s5  }
0xa: {  	s13 =	sshll.u32 s1, $0x1;
	s14 =	smul.u32 $0x50000, s1;
	s28 =	sshll.u32 s1, $0x6  }
0xb: {  	s8 =	smul.u32 $0x140000, s7;
	_ =	strace $0x80000053;
	s24 =	ssub.s32 $0x2, s7  }
0xc: {  	s25 =	sor.u32 s7, s13;
	s9 =	sshrl.u32 s6, $0x3;
	s10 =	sshrl.u32 s24, $0x1  }
0xd: {  	s26 =	sshrl.u32 s14, $0x2;
	s29 =	smul.u32 $0x2800, s25;
	s25 =	simm.s32 $0x0  }
0xe: {  	s6 =	sadd.s32 s6, s8;
	s23 =	sadd.s32 s9, s5;
	s9 =	ssub.s32 s24, s10  }
0xf: {  	s30 =	sadd.s32 s26, s2;
	s24 =	simm.s32 $0x16780;
	s6 =	sshrl.u32 s6, $0x3  }
0x10: {  	s8 =	smax.u32 s9, $0x1;
	s31 =	sshrl.u32 s29, $0x3;
	s13 =	sshrl.u32 s30, $0x3  }
0x11: {  	s15 =	sadd.s32 s6, s5;
	s5 =	sadd.s32 $0xD000, s23;
	s6 =	sor.u32 $0x1C03, s28  }
0x12: {  	s9 =	sadd.s32 s11, s31;
	s10 =	sadd.s32 s12, s31;
	s14 =	sadd.s32 $0x280, s31  }
0x13: {  	s23 =	simm.s32 $0x16700;
	s7 =	sadd.s32 $0x5D000, s15;
	s11 =	sadd.s32 s11, s14  }
0x14: {  	s12 =	sadd.s32 s12, s14;
	s14 =	simm.s32 $0x3;
	s15 =	simm.s32 $0x14000  }
.LBB2_1:
0x15: {  	[spmem:s13], [sflag:s6] =	dma.local [hbm:s5], $0x2800  }
0x16: {  	_ =	swait.ge [sflag:s14], $0x2800  }
0x17: {  	[sflag:s14] =	ssyncset.done $0x0  }
0x18: {  	[sflag:s14] =	ssyncadd.s32 $0xFFFFD800  }
0x19: {  	[bflag:$0x0] =	sbarrier.arrive $0xFFFF  }
0x1a: {  	[tilespmem:s15], [sflag:$0x3] =	stream.linear.gather [hbm4b:s9+s3], $0x1400, $0x38;
	[tilespmem:$0x1E800] =	vst v63  }
0x1b: {  	_ =	swait.ge [sflag:s14], $0x1400  }
0x1c: {  	[sflag:s14] =	ssyncset.done $0x0  }
0x1d: {  	[sflag:s14] =	ssyncadd.s32 $0xFFFFEC00  }
0x1e: {  	[tilespmem:s16], [sflag:$0x3] =	stream.linear.gather [hbm4b:s10+s3], $0x1400, $0x38;
	[tilespmem:$0x1E800] =	vst v63  }
0x1f: {  	_ =	swait.ge [sflag:s14], $0x1400  }
0x20: {  	[sflag:s14] =	ssyncset.done $0x0  }
0x21: {  	[sflag:s14] =	ssyncadd.s32 $0xFFFFEC00  }
0x22: {  	[tilespmem:s18], [sflag:$0x1] =	stream.indirect.gather [hbm4b:s4+s17], $0x80, s15, s17, $0xb8;
	[tilespmem:$0x1E800] =	vst v63  }
0x23: {  	_ = 	snop  }
0x24: {  	[tilespmem:s20], [sflag:$0x2] =	stream.indirect.gather [hbm4b:s4+s17], $0x80, s19, s17, $0xb8;
	[tilespmem:$0x1E800] =	vst v63  }
0x25: {  	_ =	swait.ge [sflag:s21], $0x4000  }
0x26: {  	[sflag:s21] =	ssyncset.done $0x0  }
0x27: {  	s26 =	simm.s32 $0x15400;
	[sflag:s21] =	ssyncadd.s32 $0xFFFFC000  }
0x28: {  	[spmem:s2] =	stream.indirect.scatter.add.f32 [tilespmem:s18], [sflag:$0x3], $0x80, s26, s17, $0xb8;
	[tilespmem:$0x1E800] =	vst v63  }
0x29: {  	_ =	swait.ge [sflag:s14], $0x4000  }
0x2a: {  	[sflag:s14] =	ssyncset.done $0x0  }
0x2b: {  	s30 =	simm.s32 $0x14100;
	[sflag:s14] =	ssyncadd.s32 $0xFFFFC000  }
0x2c: {  	[tilespmem:s18], [sflag:$0x1] =	stream.indirect.gather [hbm4b:s4+s17], $0x80, s30, s17, $0xb8;
	[tilespmem:$0x1E800] =	vst v63  }
0x2d: {  	_ =	swait.ge [sflag:s22], $0x4000  }
0x2e: {  	[sflag:s22] =	ssyncset.done $0x0  }
0x2f: {  	s31 =	simm.s32 $0x15480;
	[sflag:s22] =	ssyncadd.s32 $0xFFFFC000  }
0x30: {  	[spmem:s2] =	stream.indirect.scatter.add.f32 [tilespmem:s20], [sflag:$0x3], $0x80, s31, s17, $0xb8;
	[tilespmem:$0x1E800] =	vst v63  }
0x31: {  	_ =	swait.ge [sflag:s14], $0x4000  }
0x32: {  	[sflag:s14] =	ssyncset.done $0x0  }
0x33: {  	s28 =	simm.s32 $0x14180;
	s26 =	simm.s32 $0x400;
	[sflag:s14] =	ssyncadd.s32 $0xFFFFC000  }
.LBB2_2:
0x34: {  	[tilespmem:s20], [sflag:$0x2] =	stream.indirect.gather [hbm4b:s4+s17], $0x80, s28, s17, $0xb8;
	[tilespmem:$0x1E800] =	vst v63  }
0x35: {  	s28 =	smov.u32 s26  }
0x36: {  	p0 =	sne.s32 s26, $0x4800;
	s26 =	sadd.s32 $0x400, s26;
	_ =	swait.ge [sflag:s21], $0x4000  }
0x37: {  	s28 =	sshra.s32 s28, $0x2;
	[sflag:s21] =	ssyncset.done $0x0  }
0x38: {  	s29 =	sadd.s32 $0x15400, s28;
	[sflag:s21] =	ssyncadd.s32 $0xFFFFC000  }
0x39: {  	[spmem:s2] =	stream.indirect.scatter.add.f32 [tilespmem:s18], [sflag:$0x3], $0x80, s29, s17, $0xb8;
	[tilespmem:$0x1E800] =	vst v63  }
0x3a: {  	_ =	swait.ge [sflag:s14], $0x4000  }
0x3b: {  	[sflag:s14] =	ssyncset.done $0x0  }
0x3c: {  	s29 =	sadd.s32 $0x14100, s28;
	[sflag:s14] =	ssyncadd.s32 $0xFFFFC000  }
0x3d: {  	[tilespmem:s18], [sflag:$0x1] =	stream.indirect.gather [hbm4b:s4+s17], $0x80, s29, s17, $0xb8;
	[tilespmem:$0x1E800] =	vst v63  }
0x3e: {  	_ =	swait.ge [sflag:s22], $0x4000  }
0x3f: {  	[sflag:s22] =	ssyncset.done $0x0  }
.Ltmp0:
0x40: {  	s29 =	sadd.s32 $0x15480, s28;
	[sflag:s22] =	ssyncadd.s32 $0xFFFFC000;
	(pc) =	sbr.rel @p0 .LBB2_2-.Ltmp0, $4  }
0x41: {  	[spmem:s2] =	stream.indirect.scatter.add.f32 [tilespmem:s20], [sflag:$0x3], $0x80, s29, s17, $0xb8;
	[tilespmem:$0x1E800] =	vst v63  }
0x42: {  	_ =	swait.ge [sflag:s14], $0x4000  }
0x43: {  	[sflag:s14] =	ssyncset.done $0x0  }
0x44: {  	s28 =	sadd.s32 $0x14180, s28;
	[sflag:s14] =	ssyncadd.s32 $0xFFFFC000  }
0x45: {  	[tilespmem:s20], [sflag:$0x2] =	stream.indirect.gather [hbm4b:s4+s17], $0x80, s28, s17, $0xb8;
	[tilespmem:$0x1E800] =	vst v63  }
0x46: {  	_ =	swait.ge [sflag:s21], $0x4000  }
0x47: {  	[sflag:s21] =	ssyncset.done $0x0  }
0x48: {  	[sflag:s21] =	ssyncadd.s32 $0xFFFFC000  }
0x49: {  	[spmem:s2] =	stream.indirect.scatter.add.f32 [tilespmem:s18], [sflag:$0x3], $0x80, s23, s17, $0xb8;
	[tilespmem:$0x1E800] =	vst v63  }
0x4a: {  	_ =	swait.ge [sflag:s14], $0x4000  }
0x4b: {  	[sflag:s14] =	ssyncset.done $0x0  }
0x4c: {  	[sflag:s14] =	ssyncadd.s32 $0xFFFFC000  }
0x4d: {  	_ =	swait.ge [sflag:s22], $0x4000  }
0x4e: {  	[sflag:s22] =	ssyncset.done $0x0  }
0x4f: {  	[sflag:s22] =	ssyncadd.s32 $0xFFFFC000  }
0x50: {  	[spmem:s2] =	stream.indirect.scatter.add.f32 [tilespmem:s20], [sflag:$0x3], $0x80, s24, s17, $0xb8;
	[tilespmem:$0x1E800] =	vst v63  }
0x51: {  	_ =	swait.ge [sflag:s14], $0x4000  }
0x52: {  	[sflag:s14] =	ssyncset.done $0x0  }
0x53: {  	s26 =	simm.s32 $0x0;
	[sflag:s14] =	ssyncadd.s32 $0xFFFFC000  }
0x54: {  	[tilespmem:s15], [sflag:$0x3] =	stream.linear.gather [hbm4b:s11+s26], $0x1400, $0x38;
	[tilespmem:$0x1E800] =	vst v63  }
0x55: {  	_ =	swait.ge [sflag:s14], $0x1400  }
0x56: {  	[sflag:s14] =	ssyncset.done $0x0  }
0x57: {  	[sflag:s14] =	ssyncadd.s32 $0xFFFFEC00  }
0x58: {  	[tilespmem:s16], [sflag:$0x3] =	stream.linear.gather [hbm4b:s12+s26], $0x1400, $0x38;
	[tilespmem:$0x1E800] =	vst v63  }
0x59: {  	_ =	swait.ge [sflag:s14], $0x1400  }
0x5a: {  	[sflag:s14] =	ssyncset.done $0x0  }
0x5b: {  	[sflag:s14] =	ssyncadd.s32 $0xFFFFEC00  }
0x5c: {  	[tilespmem:s18], [sflag:$0x1] =	stream.indirect.gather [hbm4b:s4+s17], $0x80, s15, s17, $0xb8;
	[tilespmem:$0x1E800] =	vst v63  }
0x5d: {  	_ = 	snop  }
0x5e: {  	[tilespmem:s20], [sflag:$0x2] =	stream.indirect.gather [hbm4b:s4+s17], $0x80, s19, s17, $0xb8;
	[tilespmem:$0x1E800] =	vst v63  }
0x5f: {  	_ =	swait.ge [sflag:s21], $0x4000  }
0x60: {  	[sflag:s21] =	ssyncset.done $0x0  }
0x61: {  	s29 =	simm.s32 $0x15400;
	[sflag:s21] =	ssyncadd.s32 $0xFFFFC000  }
0x62: {  	[spmem:s2] =	stream.indirect.scatter.add.f32 [tilespmem:s18], [sflag:$0x3], $0x80, s29, s17, $0xb8;
	[tilespmem:$0x1E800] =	vst v63  }
0x63: {  	_ =	swait.ge [sflag:s14], $0x4000  }
0x64: {  	[sflag:s14] =	ssyncset.done $0x0  }
0x65: {  	s30 =	simm.s32 $0x14100;
	[sflag:s14] =	ssyncadd.s32 $0xFFFFC000  }
0x66: {  	[tilespmem:s18], [sflag:$0x1] =	stream.indirect.gather [hbm4b:s4+s17], $0x80, s30, s17, $0xb8;
	[tilespmem:$0x1E800] =	vst v63  }
0x67: {  	_ =	swait.ge [sflag:s22], $0x4000  }
0x68: {  	[sflag:s22] =	ssyncset.done $0x0  }
0x69: {  	s31 =	simm.s32 $0x15480;
	[sflag:s22] =	ssyncadd.s32 $0xFFFFC000  }
0x6a: {  	[spmem:s2] =	stream.indirect.scatter.add.f32 [tilespmem:s20], [sflag:$0x3], $0x80, s31, s17, $0xb8;
	[tilespmem:$0x1E800] =	vst v63  }
0x6b: {  	_ =	swait.ge [sflag:s14], $0x4000  }
0x6c: {  	[sflag:s14] =	ssyncset.done $0x0  }
0x6d: {  	s28 =	simm.s32 $0x14180;
	s26 =	simm.s32 $0x400;
	[sflag:s14] =	ssyncadd.s32 $0xFFFFC000  }
.LBB2_4:
0x6e: {  	[tilespmem:s20], [sflag:$0x2] =	stream.indirect.gather [hbm4b:s4+s17], $0x80, s28, s17, $0xb8;
	[tilespmem:$0x1E800] =	vst v63  }
0x6f: {  	s28 =	smov.u32 s26  }
0x70: {  	p0 =	sne.s32 s26, $0x4800;
	s26 =	sadd.s32 $0x400, s26;
	_ =	swait.ge [sflag:s21], $0x4000  }
0x71: {  	s28 =	sshra.s32 s28, $0x2;
	[sflag:s21] =	ssyncset.done $0x0  }
0x72: {  	s29 =	sadd.s32 $0x15400, s28;
	[sflag:s21] =	ssyncadd.s32 $0xFFFFC000  }
0x73: {  	[spmem:s2] =	stream.indirect.scatter.add.f32 [tilespmem:s18], [sflag:$0x3], $0x80, s29, s17, $0xb8;
	[tilespmem:$0x1E800] =	vst v63  }
0x74: {  	_ =	swait.ge [sflag:s14], $0x4000  }
0x75: {  	[sflag:s14] =	ssyncset.done $0x0  }
0x76: {  	s29 =	sadd.s32 $0x14100, s28;
	[sflag:s14] =	ssyncadd.s32 $0xFFFFC000  }
0x77: {  	[tilespmem:s18], [sflag:$0x1] =	stream.indirect.gather [hbm4b:s4+s17], $0x80, s29, s17, $0xb8;
	[tilespmem:$0x1E800] =	vst v63  }
0x78: {  	_ =	swait.ge [sflag:s22], $0x4000  }
0x79: {  	[sflag:s22] =	ssyncset.done $0x0  }
.Ltmp1:
0x7a: {  	s29 =	sadd.s32 $0x15480, s28;
	[sflag:s22] =	ssyncadd.s32 $0xFFFFC000;
	(pc) =	sbr.rel @p0 .LBB2_4-.Ltmp1, $4  }
0x7b: {  	[spmem:s2] =	stream.indirect.scatter.add.f32 [tilespmem:s20], [sflag:$0x3], $0x80, s29, s17, $0xb8;
	[tilespmem:$0x1E800] =	vst v63  }
0x7c: {  	_ =	swait.ge [sflag:s14], $0x4000  }
0x7d: {  	[sflag:s14] =	ssyncset.done $0x0  }
0x7e: {  	s28 =	sadd.s32 $0x14180, s28;
	[sflag:s14] =	ssyncadd.s32 $0xFFFFC000  }
0x7f: {  	[tilespmem:s20], [sflag:$0x2] =	stream.indirect.gather [hbm4b:s4+s17], $0x80, s28, s17, $0xb8;
	[tilespmem:$0x1E800] =	vst v63  }
0x80: {  	_ =	swait.ge [sflag:s21], $0x4000  }
0x81: {  	[sflag:s21] =	ssyncset.done $0x0  }
0x82: {  	[sflag:s21] =	ssyncadd.s32 $0xFFFFC000  }
0x83: {  	[spmem:s2] =	stream.indirect.scatter.add.f32 [tilespmem:s18], [sflag:$0x3], $0x80, s23, s17, $0xb8;
	[tilespmem:$0x1E800] =	vst v63  }
0x84: {  	_ =	swait.ge [sflag:s14], $0x4000  }
0x85: {  	[sflag:s14] =	ssyncset.done $0x0  }
0x86: {  	[sflag:s14] =	ssyncadd.s32 $0xFFFFC000  }
0x87: {  	_ =	swait.ge [sflag:s22], $0x4000  }
0x88: {  	[sflag:s22] =	ssyncset.done $0x0  }
0x89: {  	[sflag:s22] =	ssyncadd.s32 $0xFFFFC000  }
0x8a: {  	[spmem:s2] =	stream.indirect.scatter.add.f32 [tilespmem:s20], [sflag:$0x3], $0x80, s24, s17, $0xb8;
	[tilespmem:$0x1E800] =	vst v63  }
0x8b: {  	_ =	swait.ge [sflag:s14], $0x4000  }
0x8c: {  	s25 =	sadd.s32 $0x1, s25;
	[sflag:s14] =	ssyncset.done $0x0  }
0x8d: {  	p0 =	sne.s32 s25, s8;
	[sflag:s14] =	ssyncadd.s32 $0xFFFFC000  }
.Ltmp2:
0x8e: {  	[bflag:$0x0] =	sbarrier.arrive $0xFFFF;
	(pc) =	sbr.rel @p0 .LBB2_1-.Ltmp2, $4  }
0x8f: {  	[hbm:s7], [sflag:s6] =	dma.local [spmem:s13], $0x2800  }
0x90: {  	_ =	swait.ge [sflag:s14], $0x2800  }
0x91: {  	[sflag:s14] =	ssyncset.done $0x0  }
0x92: {  	[sflag:s14] =	ssyncadd.s32 $0xFFFFD800  }
0x93: {  	_ =	sfence.sel $0x180000  }
0x94: {  	[bflag:$0x0] =	sbarrier.arrive $0xFFFF  }
0x95: {  	p0 =	sne.s32 s1, $0x0;
	_ =	strace $0x90000053  }
0x96: {  	s0 =	sadd.s32 @!p0 $0x100000, s0;
	[bflag:$0x2] =	sbarrier.arrive $0xFFFF  }
0x97: {  	[sflag:s0] =	ssyncadd.tile.s32 @!p0 $0x1;
	_ =	shalt  }
.Lfunc_end2:
_tile_overlayer_lowered:
.L_overlay_start_2:
0x98: {  	(tag) =	ssettag $0x2  }
0x99: {  	s0 =	rddreg [dreg:$0x0];
	s2 =	stileid.u32  }
0x9a: {  	s1 =	rddreg [dreg:$0x1];
	p0 =	sne.s32 s2, $0x0  }
0x9b: {  	s3 =	rddreg [dreg:$0x2];
	[bflag:$0x3] =	sbarrier.arrive $0xFFFF;
	s2 =	simm.s32 @!p0 $0x1C03  }
0x9c: {  	[timem:s3], [sflag:s2] =	dma.local @!p0 [hbm:s0], s1  }
0x9d: {  	s0 =	simm.s32 @!p0 $0x3  }
0x9e: {  	_ =	swait.ge @!p0 [sflag:s0], s1  }
0x9f: {  	s1 =	ssub.s32 @!p0 $0x0, s1;
	[sflag:s0] =	ssyncset.done @!p0 $0x0  }
0xa0: {  	[sflag:s0] =	ssyncadd.s32 @!p0 s1  }
0xa1: {  	[bflag:$0x3] =	sbarrier.arrive $0xFFFF  }
0xa2: {  	_ =	shalt  }

</sc_bundles>
